<compile_context>
chip_gen: v7x
topology: tpu7x:2x2x1
jax: 0.10.2.dev20260603
libtpu: 0.0.44.dev20260713+nightly
codegen_flags: <defaults>
</compile_context>

<pallas_src>
import functools

import jax
import jax.numpy as jnp
from jax import lax
from jax.experimental import pallas as pl
from jax.experimental.pallas import tpu as pltpu
from jax.experimental.pallas import tpu_sc as plsc

NC, NS = 2, 16
KB = 80
NPAD = 10240


def _make_hist(N, E):
    nblk = E // (NC * NS * KB)
    rows_t = NPAD // NS

    mesh = plsc.VectorSubcoreMesh(core_axis_name="c", subcore_axis_name="s")

    @functools.partial(
        pl.kernel,
        out_type=jax.ShapeDtypeStruct((NC, NPAD, 128), jnp.float32),
        mesh=mesh,
        scratch_types=dict(
            idx_v=pltpu.VMEM((nblk, KB), jnp.int32),
            ones_v=pltpu.VMEM((KB, 128), jnp.float32),
            hist_sh=pltpu.VMEM_SHARED((NPAD, 128), jnp.float32),
        ),
    )
    def hist_kernel(dst3_hbm, z128_hbm, hh_hbm, idx_v, ones_v, hist_sh):
        c = lax.axis_index("c")
        s = lax.axis_index("s")
        wid = c * NS + s

        pltpu.sync_copy(z128_hbm.at[pl.ds(0, KB)], ones_v)
        for j in range(rows_t // KB):
            pltpu.sync_copy(ones_v, hist_sh.at[pl.ds(s * rows_t + j * KB, KB)])

        def ones_body(t, _):
            ones_v[t // 8, pl.ds((t % 8) * 16, 16)] = jnp.ones((16,), jnp.float32)
            return 0
        lax.fori_loop(0, KB * 8, ones_body, 0)
        plsc.subcore_barrier()

        pltpu.sync_copy(dst3_hbm.at[wid], idx_v)

        def body(i, _):
            pltpu.sync_copy(ones_v, hist_sh.at[idx_v.at[i]], add=True)
            return 0
        lax.fori_loop(0, nblk, body, 0)
        plsc.subcore_barrier()

        for j in range(rows_t // KB):
            r = s * rows_t + j * KB
            pltpu.sync_copy(hist_sh.at[pl.ds(r, KB)], ones_v)
            pltpu.sync_copy(ones_v, hh_hbm.at[c, pl.ds(r, KB)])

    return hist_kernel


CH = 25


def _make_aggr(N, E, D):
    nblk = E // (NS * KB)
    nchunk = nblk // CH
    rows_t = NPAD // NS

    mesh = plsc.VectorSubcoreMesh(core_axis_name="c", subcore_axis_name="s")

    @functools.partial(
        pl.kernel,
        out_type=jax.ShapeDtypeStruct((NC, NPAD, D), jnp.float32),
        mesh=mesh,
        scratch_types=dict(
            sidx_v=pltpu.VMEM((CH, KB), jnp.int32),
            didx_v=pltpu.VMEM((CH, KB), jnp.int32),
            rows_a=pltpu.VMEM((KB, D), jnp.float32),
            rows_b=pltpu.VMEM((KB, D), jnp.float32),
            acc_sh=pltpu.VMEM_SHARED((NPAD, D), jnp.float32),
            sem_a=pltpu.SemaphoreType.DMA,
            sem_b=pltpu.SemaphoreType.DMA,
        ),
    )
    def aggr_kernel(src4_hbm, dst4_hbm, h2_hbm, ef_hbm, z128_hbm,
                    accs_hbm, sidx_v, didx_v, rows_a, rows_b, acc_sh,
                    sem_a, sem_b):
        c = lax.axis_index("c")
        s = lax.axis_index("s")

        pltpu.sync_copy(z128_hbm.at[pl.ds(0, KB)], rows_a)
        for j in range(rows_t // KB):
            pltpu.sync_copy(rows_a, acc_sh.at[pl.ds(s * rows_t + j * KB, KB)])
        plsc.subcore_barrier()

        base = s * (E // NS)

        def fetch(ci, i, buf, sem):
            @pl.when(c == 0)
            def _():
                pltpu.async_copy(h2_hbm.at[sidx_v.at[i]], buf, sem)

            @pl.when(c == 1)
            def _():
                off = base + (ci * CH + i) * KB
                pltpu.async_copy(ef_hbm.at[pl.ds(off, KB)], buf, sem)

        def drain(ci, i, buf, sem):
            @pl.when(c == 0)
            def _():
                pltpu.make_async_copy(h2_hbm.at[sidx_v.at[i]], buf, sem).wait()

            @pl.when(c == 1)
            def _():
                off = base + (ci * CH + i) * KB
                pltpu.make_async_copy(ef_hbm.at[pl.ds(off, KB)], buf, sem).wait()

        def chunk(ci, _):
            pltpu.sync_copy(dst4_hbm.at[s, ci], didx_v)

            @pl.when(c == 0)
            def _():
                pltpu.sync_copy(src4_hbm.at[s, ci], sidx_v)

            fetch(ci, 0, rows_a, sem_a)

            def pair(p, _):
                i = 2 * p
                fetch(ci, i + 1, rows_b, sem_b)
                drain(ci, i, rows_a, sem_a)
                pltpu.sync_copy(rows_a, acc_sh.at[didx_v.at[i]], add=True)
                fetch(ci, i + 2, rows_a, sem_a)
                drain(ci, i + 1, rows_b, sem_b)
                pltpu.sync_copy(rows_b, acc_sh.at[didx_v.at[i + 1]], add=True)
                return 0

            lax.fori_loop(0, (CH - 1) // 2, pair, 0)
            drain(ci, CH - 1, rows_a, sem_a)
            pltpu.sync_copy(rows_a, acc_sh.at[didx_v.at[CH - 1]], add=True)
            return 0

        lax.fori_loop(0, nchunk, chunk, 0)
        plsc.subcore_barrier()

        for j in range(rows_t // KB):
            r = s * rows_t + j * KB
            pltpu.sync_copy(acc_sh.at[pl.ds(r, KB)], rows_a)
            pltpu.sync_copy(rows_a, accs_hbm.at[c, pl.ds(r, KB)])

    return aggr_kernel


def _h2_body(x_ref, h0_ref, h1_ref, g_ref, b_ref, w_ref, h2_ref):
    x = x_ref[...]
    mu = jnp.mean(x, axis=-1, keepdims=True)
    var = jnp.mean(jnp.square(x - mu), axis=-1, keepdims=True)
    xn = (x - mu) / jnp.sqrt(var + 1e-5) * g_ref[...] + b_ref[...]
    h = jnp.dot(xn, w_ref[...], preferred_element_type=jnp.float32)
    deg = 1.0 + h0_ref[:, 0:1] + h1_ref[:, 0:1]
    h2_ref[...] = h * lax.rsqrt(deg)


def _ef_body(a_ref, w_ref, b_ref, ef_ref):
    ef_ref[...] = jax.nn.relu(
        jnp.dot(a_ref[...], w_ref[...], preferred_element_type=jnp.float32)
        + b_ref[...])


def _out_body(ah_ref, ae_ref, h2_ref, h0_ref, h1_ref, b_ref, o_ref):
    deg = 1.0 + h0_ref[:, 0:1] + h1_ref[:, 0:1]
    dinv = lax.rsqrt(deg)
    o_ref[...] = jax.nn.relu(
        dinv * (ah_ref[...] + h2_ref[...]) + b_ref[...] + ae_ref[...])


def kernel(x, edge_index, edge_attr, ln_gamma, ln_beta, W_conv, b_conv,
           W_edge, b_edge):
    N, D = x.shape
    E = edge_index.shape[1]
    DE = edge_attr.shape[1]
    src = edge_index[0]
    dst = edge_index[1]

    dst_k1 = dst.reshape(NC * NS, E // (NC * NS * KB), KB)
    src_k4 = src.reshape(NS, E // (NS * KB * CH), CH, KB)
    dst_k4 = dst.reshape(NS, E // (NS * KB * CH), CH, KB)

    z128 = jnp.zeros((NPAD, D), jnp.float32)
    hh = _make_hist(N, E)(dst_k1, z128)
    h0, h1 = hh[0], hh[1]

    BN = 400
    h2 = pl.pallas_call(
        _h2_body,
        grid=(N // BN,),
        in_specs=[
            pl.BlockSpec((BN, D), lambda i: (i, 0)),
            pl.BlockSpec((BN, 128), lambda i: (i, 0)),
            pl.BlockSpec((BN, 128), lambda i: (i, 0)),
            pl.BlockSpec((1, D), lambda i: (0, 0)),
            pl.BlockSpec((1, D), lambda i: (0, 0)),
            pl.BlockSpec((D, D), lambda i: (0, 0)),
        ],
        out_specs=pl.BlockSpec((BN, D), lambda i: (i, 0)),
        out_shape=jax.ShapeDtypeStruct((N, D), jnp.float32),
    )(x, h0, h1, ln_gamma.reshape(1, D), ln_beta.reshape(1, D), W_conv)

    BE = 2000
    ef = pl.pallas_call(
        _ef_body,
        grid=(E // BE,),
        in_specs=[
            pl.BlockSpec((BE, DE), lambda i: (i, 0)),
            pl.BlockSpec((DE, D), lambda i: (0, 0)),
            pl.BlockSpec((1, D), lambda i: (0, 0)),
        ],
        out_specs=pl.BlockSpec((BE, D), lambda i: (i, 0)),
        out_shape=jax.ShapeDtypeStruct((E, D), jnp.float32),
    )(edge_attr, W_edge, b_edge.reshape(1, D))

    accs = _make_aggr(N, E, D)(src_k4, dst_k4, h2, ef, z128)
    acc_h, acc_e = accs[0], accs[1]

    out = pl.pallas_call(
        _out_body,
        grid=(N // BN,),
        in_specs=[
            pl.BlockSpec((BN, D), lambda i: (i, 0)),
            pl.BlockSpec((BN, D), lambda i: (i, 0)),
            pl.BlockSpec((BN, D), lambda i: (i, 0)),
            pl.BlockSpec((BN, 128), lambda i: (i, 0)),
            pl.BlockSpec((BN, 128), lambda i: (i, 0)),
            pl.BlockSpec((1, D), lambda i: (0, 0)),
        ],
        out_specs=pl.BlockSpec((BN, D), lambda i: (i, 0)),
        out_shape=jax.ShapeDtypeStruct((N, D), jnp.float32),
    )(acc_h, acc_e, h2, h0, h1, b_conv.reshape(1, D))

    return out

# --- scband reference (transcript-rebuilt; emitter-appended) ---
"""Pipeline reference for scband-co-gnnlayer-47605417509003 (READ-ONLY COPY).

The authoritative reference and input builder live on the scoring server;
editing this copy changes nothing except your own understanding.
"""

import jax, jax.numpy as jnp
import numpy as np

N, E, D, DE = 10000, 320000, 128, 16

def setup_inputs(seed: int = 0) -> dict:
    key = jax.random.key(seed)
    ks = jax.random.split(key, 6)
    x = jax.random.normal(ks[0], (N, D), dtype=jnp.float32)
    edge_index = jax.random.randint(ks[1], (2, E), 0, N, dtype=jnp.int32)
    edge_attr = jax.random.normal(ks[2], (E, DE), dtype=jnp.float32)
    ln_gamma = jnp.ones((D,), dtype=jnp.float32)
    ln_beta = jnp.zeros((D,), dtype=jnp.float32)
    W_conv = jax.random.normal(ks[3], (D, D), dtype=jnp.float32) * 0.05
    b_conv = jnp.zeros((D,), dtype=jnp.float32)
    W_edge = jax.random.normal(ks[4], (DE, D), dtype=jnp.float32) * 0.05
    b_edge = jnp.zeros((D,), dtype=jnp.float32)
    return {"x": x, "edge_index": edge_index, "edge_attr": edge_attr,
            "ln_gamma": ln_gamma, "ln_beta": ln_beta,
            "W_conv": W_conv, "b_conv": b_conv,
            "W_edge": W_edge, "b_edge": b_edge}

def reference(x, edge_index, edge_attr, ln_gamma, ln_beta, W_conv, b_conv, W_edge, b_edge):
    n = x.shape[0]
    # edge_proj: Linear -> ReLU -> Dropout(eval: identity)
    edge_features = jax.nn.relu(edge_attr @ W_edge + b_edge)
    # LayerNorm on x
    mu = jnp.mean(x, axis=-1, keepdims=True)
    var = jnp.var(x, axis=-1, keepdims=True)
    xn = (x - mu) / jnp.sqrt(var + 1e-5) * ln_gamma + ln_beta
    # action nets are None -> edge_weight None (all-ones implicit)
    src, dst = edge_index[0], edge_index[1]
    # WeightedGCNConv: add self-loops, symmetric normalization, linear transform
    loop = jnp.arange(n, dtype=src.dtype)
    src_f = jnp.concatenate([src, loop])
    dst_f = jnp.concatenate([dst, loop])
    w = jnp.ones(src_f.shape[0], dtype=x.dtype)
    deg = jax.ops.segment_sum(w, dst_f, num_segments=n)
    dinv = jnp.where(deg > 0, 1.0 / jnp.sqrt(deg), 0.0)
    norm = dinv[src_f] * dinv[dst_f]
    h = xn @ W_conv
    msg = h[src_f] * norm[:, None]
    out = jax.ops.segment_sum(msg, dst_f, num_segments=n) + b_conv
    # scatter_add edge features by dst
    edge_feat_aggr = jax.ops.segment_sum(edge_features, dst, num_segments=n)
    out = out + edge_feat_aggr
    # dropout (eval: identity) then ReLU
    return jax.nn.relu(out)

if __name__ == "__main__":
    import jax
    _d = setup_inputs()
    print(jax.jit(kernel)(*tuple(_d.values())))

</pallas_src>

<mosaic_0001>
#map = affine_map<(d0, d1) -> (0, 0, 0, 0)>
#map1 = affine_map<(d0, d1) -> (0, 0)>
#map2 = affine_map<(d0, d1) -> (0, 0, 0)>
module attributes {stable_mosaic.version = 14 : i64} {
  func.func @aggr_kernel(%arg0: i32, %arg1: i32, %arg2: memref<16x10x25x80xi32, #tpu.memory_space<hbm>>, %arg3: memref<16x10x25x80xi32, #tpu.memory_space<hbm>>, %arg4: memref<10000x128xf32, #tpu.memory_space<hbm>>, %arg5: memref<320000x128xf32, #tpu.memory_space<hbm>>, %arg6: memref<10240x128xf32, #tpu.memory_space<hbm>>, %arg7: memref<2x10240x128xf32, #tpu.memory_space<hbm>>, %arg8: memref<10240x128xf32, #tpu.memory_space<vmem_shared>>, %arg9: memref<25x80xi32, #tpu.memory_space<vmem>>, %arg10: memref<80x128xf32, #tpu.memory_space<vmem>>, %arg11: memref<80x128xf32, #tpu.memory_space<vmem>>, %arg12: memref<!tpu.dma_semaphore, #tpu.memory_space<semaphore_mem>>, %arg13: memref<!tpu.dma_semaphore, #tpu.memory_space<semaphore_mem>>, %arg14: memref<25x80xi32, #tpu.memory_space<vmem>>) attributes {dimension_semantics = [#tpu.dimension_semantics<core_parallel>, #tpu.dimension_semantics<subcore_parallel>], iteration_bounds = array<i64: 2, 16>, scalar_prefetch = 0 : i64, scratch_operands = 7 : i64, tpu.core_type = #tpu.core_type<sc_vector_subcore>, window_params = [{transform_indices = #map}, {transform_indices = #map}, {transform_indices = #map1}, {transform_indices = #map1}, {transform_indices = #map1}, {transform_indices = #map2}]} {
    "tpu.region"() ({
      %run_scoped3A = tpu.sem_alloc : memref<!tpu.dma_semaphore, #tpu.memory_space<semaphore_mem>>
      %dma_start3A = arith.constant 0 : i32
      %dma_start3A_71 = arith.constant 0 : i32
      %dma_start3A_72 = tpu.memref_slice %arg6[%dma_start3A, %dma_start3A_71] : memref<10240x128xf32, #tpu.memory_space<hbm>> -> memref<80x128xf32, #tpu.memory_space<hbm>>
      %dma_start3A_73 = arith.constant 0 : i32
      %dma_start3A_74 = arith.constant 0 : i32
      %dma_start3A_75 = tpu.memref_slice %arg6[%dma_start3A_73, %dma_start3A_74] : memref<10240x128xf32, #tpu.memory_space<hbm>> -> memref<80x128xf32, #tpu.memory_space<hbm>>
      tpu.enqueue_dma source(%dma_start3A_75 : memref<80x128xf32, #tpu.memory_space<hbm>>) target(%arg10 : memref<80x128xf32, #tpu.memory_space<vmem>>) target_semaphore(%run_scoped3A : memref<!tpu.dma_semaphore, #tpu.memory_space<semaphore_mem>>)
      %dma_wait3A = arith.constant 0 : i32
      %dma_wait3A_76 = arith.constant 0 : i32
      %dma_wait3A_77 = tpu.memref_slice %arg6[%dma_wait3A, %dma_wait3A_76] : memref<10240x128xf32, #tpu.memory_space<hbm>> -> memref<80x128xf32, #tpu.memory_space<hbm>>
      %dma_wait3A_78 = arith.constant 0 : i32
      %dma_wait3A_79 = arith.constant 0 : i32
      %dma_wait3A_80 = tpu.memref_slice %arg6[%dma_wait3A_78, %dma_wait3A_79] : memref<10240x128xf32, #tpu.memory_space<hbm>> -> memref<80x128xf32, #tpu.memory_space<hbm>>
      tpu.wait_dma2 semaphore(%run_scoped3A : memref<!tpu.dma_semaphore, #tpu.memory_space<semaphore_mem>>) src(%dma_wait3A_80 : memref<80x128xf32, #tpu.memory_space<hbm>>) dst(%arg10 : memref<80x128xf32, #tpu.memory_space<vmem>>)
      tpu.yield
    }) : () -> ()
    %mul3A = arith.constant 640 : i32
    %mul3A_0 = arith.muli %arg1, %mul3A : i32
    %add3A = arith.constant 0 : i32
    %add3A_1 = arith.addi %mul3A_0, %add3A : i32
    "tpu.region"() ({
      %run_scoped3A = tpu.sem_alloc : memref<!tpu.dma_semaphore, #tpu.memory_space<semaphore_mem>>
      %dma_start3A = arith.constant 0 : i32
      %dma_start3A_71 = tpu.memref_slice %arg8[%add3A_1, %dma_start3A] : memref<10240x128xf32, #tpu.memory_space<vmem_shared>> -> memref<80x128xf32, #tpu.memory_space<vmem_shared>>
      %dma_start3A_72 = arith.constant 0 : i32
      %dma_start3A_73 = tpu.memref_slice %arg8[%add3A_1, %dma_start3A_72] : memref<10240x128xf32, #tpu.memory_space<vmem_shared>> -> memref<80x128xf32, #tpu.memory_space<vmem_shared>>
      tpu.enqueue_dma source(%arg10 : memref<80x128xf32, #tpu.memory_space<vmem>>) target(%dma_start3A_73 : memref<80x128xf32, #tpu.memory_space<vmem_shared>>) target_semaphore(%run_scoped3A : memref<!tpu.dma_semaphore, #tpu.memory_space<semaphore_mem>>)
      %dma_wait3A = arith.constant 0 : i32
      %dma_wait3A_74 = tpu.memref_slice %arg8[%add3A_1, %dma_wait3A] : memref<10240x128xf32, #tpu.memory_space<vmem_shared>> -> memref<80x128xf32, #tpu.memory_space<vmem_shared>>
      %dma_wait3A_75 = arith.constant 0 : i32
      %dma_wait3A_76 = tpu.memref_slice %arg8[%add3A_1, %dma_wait3A_75] : memref<10240x128xf32, #tpu.memory_space<vmem_shared>> -> memref<80x128xf32, #tpu.memory_space<vmem_shared>>
      tpu.wait_dma2 semaphore(%run_scoped3A : memref<!tpu.dma_semaphore, #tpu.memory_space<semaphore_mem>>) src(%arg10 : memref<80x128xf32, #tpu.memory_space<vmem>>) dst(%dma_wait3A_76 : memref<80x128xf32, #tpu.memory_space<vmem_shared>>)
      tpu.yield
    }) : () -> ()
    %mul3A_2 = arith.constant 640 : i32
    %mul3A_3 = arith.muli %arg1, %mul3A_2 : i32
    %add3A_4 = arith.constant 80 : i32
    %add3A_5 = arith.addi %mul3A_3, %add3A_4 : i32
    "tpu.region"() ({
      %run_scoped3A = tpu.sem_alloc : memref<!tpu.dma_semaphore, #tpu.memory_space<semaphore_mem>>
      %dma_start3A = arith.constant 0 : i32
      %dma_start3A_71 = tpu.memref_slice %arg8[%add3A_5, %dma_start3A] : memref<10240x128xf32, #tpu.memory_space<vmem_shared>> -> memref<80x128xf32, #tpu.memory_space<vmem_shared>>
      %dma_start3A_72 = arith.constant 0 : i32
      %dma_start3A_73 = tpu.memref_slice %arg8[%add3A_5, %dma_start3A_72] : memref<10240x128xf32, #tpu.memory_space<vmem_shared>> -> memref<80x128xf32, #tpu.memory_space<vmem_shared>>
      tpu.enqueue_dma source(%arg10 : memref<80x128xf32, #tpu.memory_space<vmem>>) target(%dma_start3A_73 : memref<80x128xf32, #tpu.memory_space<vmem_shared>>) target_semaphore(%run_scoped3A : memref<!tpu.dma_semaphore, #tpu.memory_space<semaphore_mem>>)
      %dma_wait3A = arith.constant 0 : i32
      %dma_wait3A_74 = tpu.memref_slice %arg8[%add3A_5, %dma_wait3A] : memref<10240x128xf32, #tpu.memory_space<vmem_shared>> -> memref<80x128xf32, #tpu.memory_space<vmem_shared>>
      %dma_wait3A_75 = arith.constant 0 : i32
      %dma_wait3A_76 = tpu.memref_slice %arg8[%add3A_5, %dma_wait3A_75] : memref<10240x128xf32, #tpu.memory_space<vmem_shared>> -> memref<80x128xf32, #tpu.memory_space<vmem_shared>>
      tpu.wait_dma2 semaphore(%run_scoped3A : memref<!tpu.dma_semaphore, #tpu.memory_space<semaphore_mem>>) src(%arg10 : memref<80x128xf32, #tpu.memory_space<vmem>>) dst(%dma_wait3A_76 : memref<80x128xf32, #tpu.memory_space<vmem_shared>>)
      tpu.yield
    }) : () -> ()
    %mul3A_6 = arith.constant 640 : i32
    %mul3A_7 = arith.muli %arg1, %mul3A_6 : i32
    %add3A_8 = arith.constant 160 : i32
    %add3A_9 = arith.addi %mul3A_7, %add3A_8 : i32
    "tpu.region"() ({
      %run_scoped3A = tpu.sem_alloc : memref<!tpu.dma_semaphore, #tpu.memory_space<semaphore_mem>>
      %dma_start3A = arith.constant 0 : i32
      %dma_start3A_71 = tpu.memref_slice %arg8[%add3A_9, %dma_start3A] : memref<10240x128xf32, #tpu.memory_space<vmem_shared>> -> memref<80x128xf32, #tpu.memory_space<vmem_shared>>
      %dma_start3A_72 = arith.constant 0 : i32
      %dma_start3A_73 = tpu.memref_slice %arg8[%add3A_9, %dma_start3A_72] : memref<10240x128xf32, #tpu.memory_space<vmem_shared>> -> memref<80x128xf32, #tpu.memory_space<vmem_shared>>
      tpu.enqueue_dma source(%arg10 : memref<80x128xf32, #tpu.memory_space<vmem>>) target(%dma_start3A_73 : memref<80x128xf32, #tpu.memory_space<vmem_shared>>) target_semaphore(%run_scoped3A : memref<!tpu.dma_semaphore, #tpu.memory_space<semaphore_mem>>)
      %dma_wait3A = arith.constant 0 : i32
      %dma_wait3A_74 = tpu.memref_slice %arg8[%add3A_9, %dma_wait3A] : memref<10240x128xf32, #tpu.memory_space<vmem_shared>> -> memref<80x128xf32, #tpu.memory_space<vmem_shared>>
      %dma_wait3A_75 = arith.constant 0 : i32
      %dma_wait3A_76 = tpu.memref_slice %arg8[%add3A_9, %dma_wait3A_75] : memref<10240x128xf32, #tpu.memory_space<vmem_shared>> -> memref<80x128xf32, #tpu.memory_space<vmem_shared>>
      tpu.wait_dma2 semaphore(%run_scoped3A : memref<!tpu.dma_semaphore, #tpu.memory_space<semaphore_mem>>) src(%arg10 : memref<80x128xf32, #tpu.memory_space<vmem>>) dst(%dma_wait3A_76 : memref<80x128xf32, #tpu.memory_space<vmem_shared>>)
      tpu.yield
    }) : () -> ()
    %mul3A_10 = arith.constant 640 : i32
    %mul3A_11 = arith.muli %arg1, %mul3A_10 : i32
    %add3A_12 = arith.constant 240 : i32
    %add3A_13 = arith.addi %mul3A_11, %add3A_12 : i32
    "tpu.region"() ({
      %run_scoped3A = tpu.sem_alloc : memref<!tpu.dma_semaphore, #tpu.memory_space<semaphore_mem>>
      %dma_start3A = arith.constant 0 : i32
      %dma_start3A_71 = tpu.memref_slice %arg8[%add3A_13, %dma_start3A] : memref<10240x128xf32, #tpu.memory_space<vmem_shared>> -> memref<80x128xf32, #tpu.memory_space<vmem_shared>>
      %dma_start3A_72 = arith.constant 0 : i32
      %dma_start3A_73 = tpu.memref_slice %arg8[%add3A_13, %dma_start3A_72] : memref<10240x128xf32, #tpu.memory_space<vmem_shared>> -> memref<80x128xf32, #tpu.memory_space<vmem_shared>>
      tpu.enqueue_dma source(%arg10 : memref<80x128xf32, #tpu.memory_space<vmem>>) target(%dma_start3A_73 : memref<80x128xf32, #tpu.memory_space<vmem_shared>>) target_semaphore(%run_scoped3A : memref<!tpu.dma_semaphore, #tpu.memory_space<semaphore_mem>>)
      %dma_wait3A = arith.constant 0 : i32
      %dma_wait3A_74 = tpu.memref_slice %arg8[%add3A_13, %dma_wait3A] : memref<10240x128xf32, #tpu.memory_space<vmem_shared>> -> memref<80x128xf32, #tpu.memory_space<vmem_shared>>
      %dma_wait3A_75 = arith.constant 0 : i32
      %dma_wait3A_76 = tpu.memref_slice %arg8[%add3A_13, %dma_wait3A_75] : memref<10240x128xf32, #tpu.memory_space<vmem_shared>> -> memref<80x128xf32, #tpu.memory_space<vmem_shared>>
      tpu.wait_dma2 semaphore(%run_scoped3A : memref<!tpu.dma_semaphore, #tpu.memory_space<semaphore_mem>>) src(%arg10 : memref<80x128xf32, #tpu.memory_space<vmem>>) dst(%dma_wait3A_76 : memref<80x128xf32, #tpu.memory_space<vmem_shared>>)
      tpu.yield
    }) : () -> ()
    %mul3A_14 = arith.constant 640 : i32
    %mul3A_15 = arith.muli %arg1, %mul3A_14 : i32
    %add3A_16 = arith.constant 320 : i32
    %add3A_17 = arith.addi %mul3A_15, %add3A_16 : i32
    "tpu.region"() ({
      %run_scoped3A = tpu.sem_alloc : memref<!tpu.dma_semaphore, #tpu.memory_space<semaphore_mem>>
      %dma_start3A = arith.constant 0 : i32
      %dma_start3A_71 = tpu.memref_slice %arg8[%add3A_17, %dma_start3A] : memref<10240x128xf32, #tpu.memory_space<vmem_shared>> -> memref<80x128xf32, #tpu.memory_space<vmem_shared>>
      %dma_start3A_72 = arith.constant 0 : i32
      %dma_start3A_73 = tpu.memref_slice %arg8[%add3A_17, %dma_start3A_72] : memref<10240x128xf32, #tpu.memory_space<vmem_shared>> -> memref<80x128xf32, #tpu.memory_space<vmem_shared>>
      tpu.enqueue_dma source(%arg10 : memref<80x128xf32, #tpu.memory_space<vmem>>) target(%dma_start3A_73 : memref<80x128xf32, #tpu.memory_space<vmem_shared>>) target_semaphore(%run_scoped3A : memref<!tpu.dma_semaphore, #tpu.memory_space<semaphore_mem>>)
      %dma_wait3A = arith.constant 0 : i32
      %dma_wait3A_74 = tpu.memref_slice %arg8[%add3A_17, %dma_wait3A] : memref<10240x128xf32, #tpu.memory_space<vmem_shared>> -> memref<80x128xf32, #tpu.memory_space<vmem_shared>>
      %dma_wait3A_75 = arith.constant 0 : i32
      %dma_wait3A_76 = tpu.memref_slice %arg8[%add3A_17, %dma_wait3A_75] : memref<10240x128xf32, #tpu.memory_space<vmem_shared>> -> memref<80x128xf32, #tpu.memory_space<vmem_shared>>
      tpu.wait_dma2 semaphore(%run_scoped3A : memref<!tpu.dma_semaphore, #tpu.memory_space<semaphore_mem>>) src(%arg10 : memref<80x128xf32, #tpu.memory_space<vmem>>) dst(%dma_wait3A_76 : memref<80x128xf32, #tpu.memory_space<vmem_shared>>)
      tpu.yield
    }) : () -> ()
    %mul3A_18 = arith.constant 640 : i32
    %mul3A_19 = arith.muli %arg1, %mul3A_18 : i32
    %add3A_20 = arith.constant 400 : i32
    %add3A_21 = arith.addi %mul3A_19, %add3A_20 : i32
    "tpu.region"() ({
      %run_scoped3A = tpu.sem_alloc : memref<!tpu.dma_semaphore, #tpu.memory_space<semaphore_mem>>
      %dma_start3A = arith.constant 0 : i32
      %dma_start3A_71 = tpu.memref_slice %arg8[%add3A_21, %dma_start3A] : memref<10240x128xf32, #tpu.memory_space<vmem_shared>> -> memref<80x128xf32, #tpu.memory_space<vmem_shared>>
      %dma_start3A_72 = arith.constant 0 : i32
      %dma_start3A_73 = tpu.memref_slice %arg8[%add3A_21, %dma_start3A_72] : memref<10240x128xf32, #tpu.memory_space<vmem_shared>> -> memref<80x128xf32, #tpu.memory_space<vmem_shared>>
      tpu.enqueue_dma source(%arg10 : memref<80x128xf32, #tpu.memory_space<vmem>>) target(%dma_start3A_73 : memref<80x128xf32, #tpu.memory_space<vmem_shared>>) target_semaphore(%run_scoped3A : memref<!tpu.dma_semaphore, #tpu.memory_space<semaphore_mem>>)
      %dma_wait3A = arith.constant 0 : i32
      %dma_wait3A_74 = tpu.memref_slice %arg8[%add3A_21, %dma_wait3A] : memref<10240x128xf32, #tpu.memory_space<vmem_shared>> -> memref<80x128xf32, #tpu.memory_space<vmem_shared>>
      %dma_wait3A_75 = arith.constant 0 : i32
      %dma_wait3A_76 = tpu.memref_slice %arg8[%add3A_21, %dma_wait3A_75] : memref<10240x128xf32, #tpu.memory_space<vmem_shared>> -> memref<80x128xf32, #tpu.memory_space<vmem_shared>>
      tpu.wait_dma2 semaphore(%run_scoped3A : memref<!tpu.dma_semaphore, #tpu.memory_space<semaphore_mem>>) src(%arg10 : memref<80x128xf32, #tpu.memory_space<vmem>>) dst(%dma_wait3A_76 : memref<80x128xf32, #tpu.memory_space<vmem_shared>>)
      tpu.yield
    }) : () -> ()
    %mul3A_22 = arith.constant 640 : i32
    %mul3A_23 = arith.muli %arg1, %mul3A_22 : i32
    %add3A_24 = arith.constant 480 : i32
    %add3A_25 = arith.addi %mul3A_23, %add3A_24 : i32
    "tpu.region"() ({
      %run_scoped3A = tpu.sem_alloc : memref<!tpu.dma_semaphore, #tpu.memory_space<semaphore_mem>>
      %dma_start3A = arith.constant 0 : i32
      %dma_start3A_71 = tpu.memref_slice %arg8[%add3A_25, %dma_start3A] : memref<10240x128xf32, #tpu.memory_space<vmem_shared>> -> memref<80x128xf32, #tpu.memory_space<vmem_shared>>
      %dma_start3A_72 = arith.constant 0 : i32
      %dma_start3A_73 = tpu.memref_slice %arg8[%add3A_25, %dma_start3A_72] : memref<10240x128xf32, #tpu.memory_space<vmem_shared>> -> memref<80x128xf32, #tpu.memory_space<vmem_shared>>
      tpu.enqueue_dma source(%arg10 : memref<80x128xf32, #tpu.memory_space<vmem>>) target(%dma_start3A_73 : memref<80x128xf32, #tpu.memory_space<vmem_shared>>) target_semaphore(%run_scoped3A : memref<!tpu.dma_semaphore, #tpu.memory_space<semaphore_mem>>)
      %dma_wait3A = arith.constant 0 : i32
      %dma_wait3A_74 = tpu.memref_slice %arg8[%add3A_25, %dma_wait3A] : memref<10240x128xf32, #tpu.memory_space<vmem_shared>> -> memref<80x128xf32, #tpu.memory_space<vmem_shared>>
      %dma_wait3A_75 = arith.constant 0 : i32
      %dma_wait3A_76 = tpu.memref_slice %arg8[%add3A_25, %dma_wait3A_75] : memref<10240x128xf32, #tpu.memory_space<vmem_shared>> -> memref<80x128xf32, #tpu.memory_space<vmem_shared>>
      tpu.wait_dma2 semaphore(%run_scoped3A : memref<!tpu.dma_semaphore, #tpu.memory_space<semaphore_mem>>) src(%arg10 : memref<80x128xf32, #tpu.memory_space<vmem>>) dst(%dma_wait3A_76 : memref<80x128xf32, #tpu.memory_space<vmem_shared>>)
      tpu.yield
    }) : () -> ()
    %mul3A_26 = arith.constant 640 : i32
    %mul3A_27 = arith.muli %arg1, %mul3A_26 : i32
    %add3A_28 = arith.constant 560 : i32
    %add3A_29 = arith.addi %mul3A_27, %add3A_28 : i32
    "tpu.region"() ({
      %run_scoped3A = tpu.sem_alloc : memref<!tpu.dma_semaphore, #tpu.memory_space<semaphore_mem>>
      %dma_start3A = arith.constant 0 : i32
      %dma_start3A_71 = tpu.memref_slice %arg8[%add3A_29, %dma_start3A] : memref<10240x128xf32, #tpu.memory_space<vmem_shared>> -> memref<80x128xf32, #tpu.memory_space<vmem_shared>>
      %dma_start3A_72 = arith.constant 0 : i32
      %dma_start3A_73 = tpu.memref_slice %arg8[%add3A_29, %dma_start3A_72] : memref<10240x128xf32, #tpu.memory_space<vmem_shared>> -> memref<80x128xf32, #tpu.memory_space<vmem_shared>>
      tpu.enqueue_dma source(%arg10 : memref<80x128xf32, #tpu.memory_space<vmem>>) target(%dma_start3A_73 : memref<80x128xf32, #tpu.memory_space<vmem_shared>>) target_semaphore(%run_scoped3A : memref<!tpu.dma_semaphore, #tpu.memory_space<semaphore_mem>>)
      %dma_wait3A = arith.constant 0 : i32
      %dma_wait3A_74 = tpu.memref_slice %arg8[%add3A_29, %dma_wait3A] : memref<10240x128xf32, #tpu.memory_space<vmem_shared>> -> memref<80x128xf32, #tpu.memory_space<vmem_shared>>
      %dma_wait3A_75 = arith.constant 0 : i32
      %dma_wait3A_76 = tpu.memref_slice %arg8[%add3A_29, %dma_wait3A_75] : memref<10240x128xf32, #tpu.memory_space<vmem_shared>> -> memref<80x128xf32, #tpu.memory_space<vmem_shared>>
      tpu.wait_dma2 semaphore(%run_scoped3A : memref<!tpu.dma_semaphore, #tpu.memory_space<semaphore_mem>>) src(%arg10 : memref<80x128xf32, #tpu.memory_space<vmem>>) dst(%dma_wait3A_76 : memref<80x128xf32, #tpu.memory_space<vmem_shared>>)
      tpu.yield
    }) : () -> ()
    %barrier3A = arith.constant 0 : index
    tpu.barrier barrier_id(%barrier3A)
    %mul3A_30 = arith.constant 20000 : i32
    %mul3A_31 = arith.muli %arg1, %mul3A_30 : i32
    %scan3A = arith.constant 0 : i32
    %scan3A_32 = arith.constant 0 : i32
    %scan3A_33 = arith.constant 10 : i32
    %scan3A_34 = arith.addi %scan3A_32, %scan3A_33 : i32
    %scan3A_35 = arith.constant 1 : i32
    %scan3A_36 = scf.for %scan3A_71 = %scan3A_32 to %scan3A_34 step %scan3A_35 iter_args(%scan3A_72 = %scan3A) -> (i32)  : i32 {
      "tpu.region"() ({
        %run_scoped3A_103 = tpu.sem_alloc : memref<!tpu.dma_semaphore, #tpu.memory_space<semaphore_mem>>
        %dma_start3A = arith.constant 0 : i32
        %dma_start3A_104 = arith.constant 0 : i32
        %dma_start3A_105 = tpu.memref_slice %arg3[%arg1, %scan3A_71, %dma_start3A, %dma_start3A_104] : memref<16x10x25x80xi32, #tpu.memory_space<hbm>> -> memref<1x1x25x80xi32, #tpu.memory_space<hbm>>
        %dma_start3A_106 = tpu.memref_squeeze %dma_start3A_105 : memref<1x1x25x80xi32, #tpu.memory_space<hbm>> -> memref<25x80xi32, #tpu.memory_space<hbm>>
        %dma_start3A_107 = arith.constant 0 : i32
        %dma_start3A_108 = arith.constant 0 : i32
        %dma_start3A_109 = tpu.memref_slice %arg3[%arg1, %scan3A_71, %dma_start3A_107, %dma_start3A_108] : memref<16x10x25x80xi32, #tpu.memory_space<hbm>> -> memref<1x1x25x80xi32, #tpu.memory_space<hbm>>
        %dma_start3A_110 = tpu.memref_squeeze %dma_start3A_109 : memref<1x1x25x80xi32, #tpu.memory_space<hbm>> -> memref<25x80xi32, #tpu.memory_space<hbm>>
        tpu.enqueue_dma source(%dma_start3A_110 : memref<25x80xi32, #tpu.memory_space<hbm>>) target(%arg9 : memref<25x80xi32, #tpu.memory_space<vmem>>) target_semaphore(%run_scoped3A_103 : memref<!tpu.dma_semaphore, #tpu.memory_space<semaphore_mem>>)
        %dma_wait3A = arith.constant 0 : i32
        %dma_wait3A_111 = arith.constant 0 : i32
        %dma_wait3A_112 = tpu.memref_slice %arg3[%arg1, %scan3A_71, %dma_wait3A, %dma_wait3A_111] : memref<16x10x25x80xi32, #tpu.memory_space<hbm>> -> memref<1x1x25x80xi32, #tpu.memory_space<hbm>>
        %dma_wait3A_113 = tpu.memref_squeeze %dma_wait3A_112 : memref<1x1x25x80xi32, #tpu.memory_space<hbm>> -> memref<25x80xi32, #tpu.memory_space<hbm>>
        %dma_wait3A_114 = arith.constant 0 : i32
        %dma_wait3A_115 = arith.constant 0 : i32
        %dma_wait3A_116 = tpu.memref_slice %arg3[%arg1, %scan3A_71, %dma_wait3A_114, %dma_wait3A_115] : memref<16x10x25x80xi32, #tpu.memory_space<hbm>> -> memref<1x1x25x80xi32, #tpu.memory_space<hbm>>
        %dma_wait3A_117 = tpu.memref_squeeze %dma_wait3A_116 : memref<1x1x25x80xi32, #tpu.memory_space<hbm>> -> memref<25x80xi32, #tpu.memory_space<hbm>>
        tpu.wait_dma2 semaphore(%run_scoped3A_103 : memref<!tpu.dma_semaphore, #tpu.memory_space<semaphore_mem>>) src(%dma_wait3A_117 : memref<25x80xi32, #tpu.memory_space<hbm>>) dst(%arg9 : memref<25x80xi32, #tpu.memory_space<vmem>>)
        tpu.yield
      }) : () -> ()
      %eq3A = arith.constant 0 : i32
      %eq3A_73 = arith.cmpi eq, %arg0, %eq3A : i32
      %convert_element_type3A = arith.extui %eq3A_73 : i1 to i32
      %cond3A = arith.constant 0 : i32
      %cond3A_74 = arith.cmpi ne, %convert_element_type3A, %cond3A : i32
      scf.if %cond3A_74 {
        "tpu.region"() ({
          %run_scoped3A_103 = tpu.sem_alloc : memref<!tpu.dma_semaphore, #tpu.memory_space<semaphore_mem>>
          %dma_start3A = arith.constant 0 : i32
          %dma_start3A_104 = arith.constant 0 : i32
          %dma_start3A_105 = tpu.memref_slice %arg2[%arg1, %scan3A_71, %dma_start3A, %dma_start3A_104] : memref<16x10x25x80xi32, #tpu.memory_space<hbm>> -> memref<1x1x25x80xi32, #tpu.memory_space<hbm>>
          %dma_start3A_106 = tpu.memref_squeeze %dma_start3A_105 : memref<1x1x25x80xi32, #tpu.memory_space<hbm>> -> memref<25x80xi32, #tpu.memory_space<hbm>>
          %dma_start3A_107 = arith.constant 0 : i32
          %dma_start3A_108 = arith.constant 0 : i32
          %dma_start3A_109 = tpu.memref_slice %arg2[%arg1, %scan3A_71, %dma_start3A_107, %dma_start3A_108] : memref<16x10x25x80xi32, #tpu.memory_space<hbm>> -> memref<1x1x25x80xi32, #tpu.memory_space<hbm>>
          %dma_start3A_110 = tpu.memref_squeeze %dma_start3A_109 : memref<1x1x25x80xi32, #tpu.memory_space<hbm>> -> memref<25x80xi32, #tpu.memory_space<hbm>>
          tpu.enqueue_dma source(%dma_start3A_110 : memref<25x80xi32, #tpu.memory_space<hbm>>) target(%arg14 : memref<25x80xi32, #tpu.memory_space<vmem>>) target_semaphore(%run_scoped3A_103 : memref<!tpu.dma_semaphore, #tpu.memory_space<semaphore_mem>>)
          %dma_wait3A = arith.constant 0 : i32
          %dma_wait3A_111 = arith.constant 0 : i32
          %dma_wait3A_112 = tpu.memref_slice %arg2[%arg1, %scan3A_71, %dma_wait3A, %dma_wait3A_111] : memref<16x10x25x80xi32, #tpu.memory_space<hbm>> -> memref<1x1x25x80xi32, #tpu.memory_space<hbm>>
          %dma_wait3A_113 = tpu.memref_squeeze %dma_wait3A_112 : memref<1x1x25x80xi32, #tpu.memory_space<hbm>> -> memref<25x80xi32, #tpu.memory_space<hbm>>
          %dma_wait3A_114 = arith.constant 0 : i32
          %dma_wait3A_115 = arith.constant 0 : i32
          %dma_wait3A_116 = tpu.memref_slice %arg2[%arg1, %scan3A_71, %dma_wait3A_114, %dma_wait3A_115] : memref<16x10x25x80xi32, #tpu.memory_space<hbm>> -> memref<1x1x25x80xi32, #tpu.memory_space<hbm>>
          %dma_wait3A_117 = tpu.memref_squeeze %dma_wait3A_116 : memref<1x1x25x80xi32, #tpu.memory_space<hbm>> -> memref<25x80xi32, #tpu.memory_space<hbm>>
          tpu.wait_dma2 semaphore(%run_scoped3A_103 : memref<!tpu.dma_semaphore, #tpu.memory_space<semaphore_mem>>) src(%dma_wait3A_117 : memref<25x80xi32, #tpu.memory_space<hbm>>) dst(%arg14 : memref<25x80xi32, #tpu.memory_space<vmem>>)
          tpu.yield
        }) : () -> ()
      } else {
      }
      %eq3A_75 = arith.constant 0 : i32
      %eq3A_76 = arith.cmpi eq, %arg0, %eq3A_75 : i32
      %convert_element_type3A_77 = arith.extui %eq3A_76 : i1 to i32
      %cond3A_78 = arith.constant 0 : i32
      %cond3A_79 = arith.cmpi ne, %convert_element_type3A_77, %cond3A_78 : i32
      scf.if %cond3A_79 {
        %dma_start3A = arith.constant 0 : i32
        %dma_start3A_103 = arith.constant 0 : i32
        %dma_start3A_104 = tpu.memref_slice %arg14[%dma_start3A, %dma_start3A_103] : memref<25x80xi32, #tpu.memory_space<vmem>> -> memref<1x80xi32, #tpu.memory_space<vmem>>
        %dma_start3A_105 = tpu.memref_squeeze %dma_start3A_104 : memref<1x80xi32, #tpu.memory_space<vmem>> -> memref<80xi32, #tpu.memory_space<vmem>>
        %dma_start3A_106 = arith.constant 0 : i32
        %dma_start3A_107 = arith.constant 0 : i32
        %dma_start3A_108 = tpu.memref_slice %arg4[%dma_start3A_106, %dma_start3A_107] : memref<10000x128xf32, #tpu.memory_space<hbm>> -> memref<10000x128xf32, #tpu.memory_space<hbm>>
        tpu.enqueue_indirect_dma source(%dma_start3A_108 : memref<10000x128xf32, #tpu.memory_space<hbm>>) target(%arg10 : memref<80x128xf32, #tpu.memory_space<vmem>>) offsets(%dma_start3A_105 : memref<80xi32, #tpu.memory_space<vmem>>) semaphore(%arg12 : memref<!tpu.dma_semaphore, #tpu.memory_space<semaphore_mem>>)
      } else {
      }
      %eq3A_80 = arith.constant 1 : i32
      %eq3A_81 = arith.cmpi eq, %arg0, %eq3A_80 : i32
      %convert_element_type3A_82 = arith.extui %eq3A_81 : i1 to i32
      %cond3A_83 = arith.constant 0 : i32
      %cond3A_84 = arith.cmpi ne, %convert_element_type3A_82, %cond3A_83 : i32
      scf.if %cond3A_84 {
        %mul3A_103 = arith.constant 25 : i32
        %mul3A_104 = arith.muli %scan3A_71, %mul3A_103 : i32
        %add3A_105 = arith.constant 0 : i32
        %add3A_106 = arith.addi %mul3A_104, %add3A_105 : i32
        %mul3A_107 = arith.constant 80 : i32
        %mul3A_108 = arith.muli %add3A_106, %mul3A_107 : i32
        %add3A_109 = arith.addi %mul3A_31, %mul3A_108 : i32
        %dma_start3A = arith.constant 0 : i32
        %dma_start3A_110 = tpu.memref_slice %arg5[%add3A_109, %dma_start3A] : memref<320000x128xf32, #tpu.memory_space<hbm>> -> memref<80x128xf32, #tpu.memory_space<hbm>>
        %dma_start3A_111 = arith.constant 0 : i32
        %dma_start3A_112 = tpu.memref_slice %arg5[%add3A_109, %dma_start3A_111] : memref<320000x128xf32, #tpu.memory_space<hbm>> -> memref<80x128xf32, #tpu.memory_space<hbm>>
        tpu.enqueue_dma source(%dma_start3A_112 : memref<80x128xf32, #tpu.memory_space<hbm>>) target(%arg10 : memref<80x128xf32, #tpu.memory_space<vmem>>) target_semaphore(%arg12 : memref<!tpu.dma_semaphore, #tpu.memory_space<semaphore_mem>>)
      } else {
      }
      %scan3A_85 = arith.constant 0 : i32
      %scan3A_86 = arith.constant 0 : i32
      %scan3A_87 = arith.constant 12 : i32
      %scan3A_88 = arith.addi %scan3A_86, %scan3A_87 : i32
      %scan3A_89 = arith.constant 1 : i32
      %scan3A_90 = scf.for %scan3A_103 = %scan3A_86 to %scan3A_88 step %scan3A_89 iter_args(%scan3A_104 = %scan3A_85) -> (i32)  : i32 {
        %mul3A_105 = arith.constant 2 : i32
        %mul3A_106 = arith.muli %mul3A_105, %scan3A_103 : i32
        %add3A_107 = arith.constant 1 : i32
        %add3A_108 = arith.addi %mul3A_106, %add3A_107 : i32
        %eq3A_109 = arith.constant 0 : i32
        %eq3A_110 = arith.cmpi eq, %arg0, %eq3A_109 : i32
        %convert_element_type3A_111 = arith.extui %eq3A_110 : i1 to i32
        %cond3A_112 = arith.constant 0 : i32
        %cond3A_113 = arith.cmpi ne, %convert_element_type3A_111, %cond3A_112 : i32
        scf.if %cond3A_113 {
          %dma_start3A = arith.constant 0 : i32
          %dma_start3A_156 = tpu.memref_slice %arg14[%add3A_108, %dma_start3A] : memref<25x80xi32, #tpu.memory_space<vmem>> -> memref<1x80xi32, #tpu.memory_space<vmem>>
          %dma_start3A_157 = tpu.memref_squeeze %dma_start3A_156 : memref<1x80xi32, #tpu.memory_space<vmem>> -> memref<80xi32, #tpu.memory_space<vmem>>
          %dma_start3A_158 = arith.constant 0 : i32
          %dma_start3A_159 = arith.constant 0 : i32
          %dma_start3A_160 = tpu.memref_slice %arg4[%dma_start3A_158, %dma_start3A_159] : memref<10000x128xf32, #tpu.memory_space<hbm>> -> memref<10000x128xf32, #tpu.memory_space<hbm>>
          tpu.enqueue_indirect_dma source(%dma_start3A_160 : memref<10000x128xf32, #tpu.memory_space<hbm>>) target(%arg11 : memref<80x128xf32, #tpu.memory_space<vmem>>) offsets(%dma_start3A_157 : memref<80xi32, #tpu.memory_space<vmem>>) semaphore(%arg13 : memref<!tpu.dma_semaphore, #tpu.memory_space<semaphore_mem>>)
        } else {
        }
        %eq3A_114 = arith.constant 1 : i32
        %eq3A_115 = arith.cmpi eq, %arg0, %eq3A_114 : i32
        %convert_element_type3A_116 = arith.extui %eq3A_115 : i1 to i32
        %cond3A_117 = arith.constant 0 : i32
        %cond3A_118 = arith.cmpi ne, %convert_element_type3A_116, %cond3A_117 : i32
        scf.if %cond3A_118 {
          %mul3A_156 = arith.constant 25 : i32
          %mul3A_157 = arith.muli %scan3A_71, %mul3A_156 : i32
          %add3A_158 = arith.addi %mul3A_157, %add3A_108 : i32
          %mul3A_159 = arith.constant 80 : i32
          %mul3A_160 = arith.muli %add3A_158, %mul3A_159 : i32
          %add3A_161 = arith.addi %mul3A_31, %mul3A_160 : i32
          %dma_start3A = arith.constant 0 : i32
          %dma_start3A_162 = tpu.memref_slice %arg5[%add3A_161, %dma_start3A] : memref<320000x128xf32, #tpu.memory_space<hbm>> -> memref<80x128xf32, #tpu.memory_space<hbm>>
          %dma_start3A_163 = arith.constant 0 : i32
          %dma_start3A_164 = tpu.memref_slice %arg5[%add3A_161, %dma_start3A_163] : memref<320000x128xf32, #tpu.memory_space<hbm>> -> memref<80x128xf32, #tpu.memory_space<hbm>>
          tpu.enqueue_dma source(%dma_start3A_164 : memref<80x128xf32, #tpu.memory_space<hbm>>) target(%arg11 : memref<80x128xf32, #tpu.memory_space<vmem>>) target_semaphore(%arg13 : memref<!tpu.dma_semaphore, #tpu.memory_space<semaphore_mem>>)
        } else {
        }
        %eq3A_119 = arith.constant 0 : i32
        %eq3A_120 = arith.cmpi eq, %arg0, %eq3A_119 : i32
        %convert_element_type3A_121 = arith.extui %eq3A_120 : i1 to i32
        %cond3A_122 = arith.constant 0 : i32
        %cond3A_123 = arith.cmpi ne, %convert_element_type3A_121, %cond3A_122 : i32
        scf.if %cond3A_123 {
          %dma_wait3A = arith.constant 0 : i32
          %dma_wait3A_156 = tpu.memref_slice %arg14[%mul3A_106, %dma_wait3A] : memref<25x80xi32, #tpu.memory_space<vmem>> -> memref<1x80xi32, #tpu.memory_space<vmem>>
          %dma_wait3A_157 = tpu.memref_squeeze %dma_wait3A_156 : memref<1x80xi32, #tpu.memory_space<vmem>> -> memref<80xi32, #tpu.memory_space<vmem>>
          %dma_wait3A_158 = arith.constant 0 : i32
          %dma_wait3A_159 = arith.constant 0 : i32
          %dma_wait3A_160 = tpu.memref_slice %arg4[%dma_wait3A_158, %dma_wait3A_159] : memref<10000x128xf32, #tpu.memory_space<hbm>> -> memref<10000x128xf32, #tpu.memory_space<hbm>>
          tpu.wait_indirect_dma semaphore(%arg12 : memref<!tpu.dma_semaphore, #tpu.memory_space<semaphore_mem>>) src(%dma_wait3A_160 : memref<10000x128xf32, #tpu.memory_space<hbm>>) dst(%arg10 : memref<80x128xf32, #tpu.memory_space<vmem>>)
        } else {
        }
        %eq3A_124 = arith.constant 1 : i32
        %eq3A_125 = arith.cmpi eq, %arg0, %eq3A_124 : i32
        %convert_element_type3A_126 = arith.extui %eq3A_125 : i1 to i32
        %cond3A_127 = arith.constant 0 : i32
        %cond3A_128 = arith.cmpi ne, %convert_element_type3A_126, %cond3A_127 : i32
        scf.if %cond3A_128 {
          %mul3A_156 = arith.constant 25 : i32
          %mul3A_157 = arith.muli %scan3A_71, %mul3A_156 : i32
          %add3A_158 = arith.addi %mul3A_157, %mul3A_106 : i32
          %mul3A_159 = arith.constant 80 : i32
          %mul3A_160 = arith.muli %add3A_158, %mul3A_159 : i32
          %add3A_161 = arith.addi %mul3A_31, %mul3A_160 : i32
          %dma_wait3A = arith.constant 0 : i32
          %dma_wait3A_162 = tpu.memref_slice %arg5[%add3A_161, %dma_wait3A] : memref<320000x128xf32, #tpu.memory_space<hbm>> -> memref<80x128xf32, #tpu.memory_space<hbm>>
          %dma_wait3A_163 = arith.constant 0 : i32
          %dma_wait3A_164 = tpu.memref_slice %arg5[%add3A_161, %dma_wait3A_163] : memref<320000x128xf32, #tpu.memory_space<hbm>> -> memref<80x128xf32, #tpu.memory_space<hbm>>
          tpu.wait_dma2 semaphore(%arg12 : memref<!tpu.dma_semaphore, #tpu.memory_space<semaphore_mem>>) src(%dma_wait3A_164 : memref<80x128xf32, #tpu.memory_space<hbm>>) dst(%arg10 : memref<80x128xf32, #tpu.memory_space<vmem>>)
        } else {
        }
        "tpu.region"() ({
          %run_scoped3A_156 = tpu.sem_alloc : memref<!tpu.dma_semaphore, #tpu.memory_space<semaphore_mem>>
          %dma_start3A = arith.constant 0 : i32
          %dma_start3A_157 = tpu.memref_slice %arg9[%mul3A_106, %dma_start3A] : memref<25x80xi32, #tpu.memory_space<vmem>> -> memref<1x80xi32, #tpu.memory_space<vmem>>
          %dma_start3A_158 = tpu.memref_squeeze %dma_start3A_157 : memref<1x80xi32, #tpu.memory_space<vmem>> -> memref<80xi32, #tpu.memory_space<vmem>>
          %dma_start3A_159 = arith.constant 0 : i32
          %dma_start3A_160 = arith.constant 0 : i32
          %dma_start3A_161 = tpu.memref_slice %arg8[%dma_start3A_159, %dma_start3A_160] : memref<10240x128xf32, #tpu.memory_space<vmem_shared>> -> memref<10240x128xf32, #tpu.memory_space<vmem_shared>>
          tpu.enqueue_indirect_dma source(%arg10 : memref<80x128xf32, #tpu.memory_space<vmem>>) target(%dma_start3A_161 : memref<10240x128xf32, #tpu.memory_space<vmem_shared>>) offsets(%dma_start3A_158 : memref<80xi32, #tpu.memory_space<vmem>>) semaphore(%run_scoped3A_156 : memref<!tpu.dma_semaphore, #tpu.memory_space<semaphore_mem>>) {add = true}
          %dma_wait3A = arith.constant 0 : i32
          %dma_wait3A_162 = tpu.memref_slice %arg9[%mul3A_106, %dma_wait3A] : memref<25x80xi32, #tpu.memory_space<vmem>> -> memref<1x80xi32, #tpu.memory_space<vmem>>
          %dma_wait3A_163 = tpu.memref_squeeze %dma_wait3A_162 : memref<1x80xi32, #tpu.memory_space<vmem>> -> memref<80xi32, #tpu.memory_space<vmem>>
          %dma_wait3A_164 = arith.constant 0 : i32
          %dma_wait3A_165 = arith.constant 0 : i32
          %dma_wait3A_166 = tpu.memref_slice %arg8[%dma_wait3A_164, %dma_wait3A_165] : memref<10240x128xf32, #tpu.memory_space<vmem_shared>> -> memref<10240x128xf32, #tpu.memory_space<vmem_shared>>
          tpu.wait_indirect_dma semaphore(%run_scoped3A_156 : memref<!tpu.dma_semaphore, #tpu.memory_space<semaphore_mem>>) src(%arg10 : memref<80x128xf32, #tpu.memory_space<vmem>>) dst(%dma_wait3A_166 : memref<10240x128xf32, #tpu.memory_space<vmem_shared>>)
          tpu.yield
        }) : () -> ()
        %add3A_129 = arith.constant 2 : i32
        %add3A_130 = arith.addi %mul3A_106, %add3A_129 : i32
        %eq3A_131 = arith.constant 0 : i32
        %eq3A_132 = arith.cmpi eq, %arg0, %eq3A_131 : i32
        %convert_element_type3A_133 = arith.extui %eq3A_132 : i1 to i32
        %cond3A_134 = arith.constant 0 : i32
        %cond3A_135 = arith.cmpi ne, %convert_element_type3A_133, %cond3A_134 : i32
        scf.if %cond3A_135 {
          %dma_start3A = arith.constant 0 : i32
          %dma_start3A_156 = tpu.memref_slice %arg14[%add3A_130, %dma_start3A] : memref<25x80xi32, #tpu.memory_space<vmem>> -> memref<1x80xi32, #tpu.memory_space<vmem>>
          %dma_start3A_157 = tpu.memref_squeeze %dma_start3A_156 : memref<1x80xi32, #tpu.memory_space<vmem>> -> memref<80xi32, #tpu.memory_space<vmem>>
          %dma_start3A_158 = arith.constant 0 : i32
          %dma_start3A_159 = arith.constant 0 : i32
          %dma_start3A_160 = tpu.memref_slice %arg4[%dma_start3A_158, %dma_start3A_159] : memref<10000x128xf32, #tpu.memory_space<hbm>> -> memref<10000x128xf32, #tpu.memory_space<hbm>>
          tpu.enqueue_indirect_dma source(%dma_start3A_160 : memref<10000x128xf32, #tpu.memory_space<hbm>>) target(%arg10 : memref<80x128xf32, #tpu.memory_space<vmem>>) offsets(%dma_start3A_157 : memref<80xi32, #tpu.memory_space<vmem>>) semaphore(%arg12 : memref<!tpu.dma_semaphore, #tpu.memory_space<semaphore_mem>>)
        } else {
        }
        %eq3A_136 = arith.constant 1 : i32
        %eq3A_137 = arith.cmpi eq, %arg0, %eq3A_136 : i32
        %convert_element_type3A_138 = arith.extui %eq3A_137 : i1 to i32
        %cond3A_139 = arith.constant 0 : i32
        %cond3A_140 = arith.cmpi ne, %convert_element_type3A_138, %cond3A_139 : i32
        scf.if %cond3A_140 {
          %mul3A_156 = arith.constant 25 : i32
          %mul3A_157 = arith.muli %scan3A_71, %mul3A_156 : i32
          %add3A_158 = arith.addi %mul3A_157, %add3A_130 : i32
          %mul3A_159 = arith.constant 80 : i32
          %mul3A_160 = arith.muli %add3A_158, %mul3A_159 : i32
          %add3A_161 = arith.addi %mul3A_31, %mul3A_160 : i32
          %dma_start3A = arith.constant 0 : i32
          %dma_start3A_162 = tpu.memref_slice %arg5[%add3A_161, %dma_start3A] : memref<320000x128xf32, #tpu.memory_space<hbm>> -> memref<80x128xf32, #tpu.memory_space<hbm>>
          %dma_start3A_163 = arith.constant 0 : i32
          %dma_start3A_164 = tpu.memref_slice %arg5[%add3A_161, %dma_start3A_163] : memref<320000x128xf32, #tpu.memory_space<hbm>> -> memref<80x128xf32, #tpu.memory_space<hbm>>
          tpu.enqueue_dma source(%dma_start3A_164 : memref<80x128xf32, #tpu.memory_space<hbm>>) target(%arg10 : memref<80x128xf32, #tpu.memory_space<vmem>>) target_semaphore(%arg12 : memref<!tpu.dma_semaphore, #tpu.memory_space<semaphore_mem>>)
        } else {
        }
        %add3A_141 = arith.constant 1 : i32
        %add3A_142 = arith.addi %mul3A_106, %add3A_141 : i32
        %eq3A_143 = arith.constant 0 : i32
        %eq3A_144 = arith.cmpi eq, %arg0, %eq3A_143 : i32
        %convert_element_type3A_145 = arith.extui %eq3A_144 : i1 to i32
        %cond3A_146 = arith.constant 0 : i32
        %cond3A_147 = arith.cmpi ne, %convert_element_type3A_145, %cond3A_146 : i32
        scf.if %cond3A_147 {
          %dma_wait3A = arith.constant 0 : i32
          %dma_wait3A_156 = tpu.memref_slice %arg14[%add3A_142, %dma_wait3A] : memref<25x80xi32, #tpu.memory_space<vmem>> -> memref<1x80xi32, #tpu.memory_space<vmem>>
          %dma_wait3A_157 = tpu.memref_squeeze %dma_wait3A_156 : memref<1x80xi32, #tpu.memory_space<vmem>> -> memref<80xi32, #tpu.memory_space<vmem>>
          %dma_wait3A_158 = arith.constant 0 : i32
          %dma_wait3A_159 = arith.constant 0 : i32
          %dma_wait3A_160 = tpu.memref_slice %arg4[%dma_wait3A_158, %dma_wait3A_159] : memref<10000x128xf32, #tpu.memory_space<hbm>> -> memref<10000x128xf32, #tpu.memory_space<hbm>>
          tpu.wait_indirect_dma semaphore(%arg13 : memref<!tpu.dma_semaphore, #tpu.memory_space<semaphore_mem>>) src(%dma_wait3A_160 : memref<10000x128xf32, #tpu.memory_space<hbm>>) dst(%arg11 : memref<80x128xf32, #tpu.memory_space<vmem>>)
        } else {
        }
        %eq3A_148 = arith.constant 1 : i32
        %eq3A_149 = arith.cmpi eq, %arg0, %eq3A_148 : i32
        %convert_element_type3A_150 = arith.extui %eq3A_149 : i1 to i32
        %cond3A_151 = arith.constant 0 : i32
        %cond3A_152 = arith.cmpi ne, %convert_element_type3A_150, %cond3A_151 : i32
        scf.if %cond3A_152 {
          %mul3A_156 = arith.constant 25 : i32
          %mul3A_157 = arith.muli %scan3A_71, %mul3A_156 : i32
          %add3A_158 = arith.addi %mul3A_157, %add3A_142 : i32
          %mul3A_159 = arith.constant 80 : i32
          %mul3A_160 = arith.muli %add3A_158, %mul3A_159 : i32
          %add3A_161 = arith.addi %mul3A_31, %mul3A_160 : i32
          %dma_wait3A = arith.constant 0 : i32
          %dma_wait3A_162 = tpu.memref_slice %arg5[%add3A_161, %dma_wait3A] : memref<320000x128xf32, #tpu.memory_space<hbm>> -> memref<80x128xf32, #tpu.memory_space<hbm>>
          %dma_wait3A_163 = arith.constant 0 : i32
          %dma_wait3A_164 = tpu.memref_slice %arg5[%add3A_161, %dma_wait3A_163] : memref<320000x128xf32, #tpu.memory_space<hbm>> -> memref<80x128xf32, #tpu.memory_space<hbm>>
          tpu.wait_dma2 semaphore(%arg13 : memref<!tpu.dma_semaphore, #tpu.memory_space<semaphore_mem>>) src(%dma_wait3A_164 : memref<80x128xf32, #tpu.memory_space<hbm>>) dst(%arg11 : memref<80x128xf32, #tpu.memory_space<vmem>>)
        } else {
        }
        %add3A_153 = arith.constant 1 : i32
        %add3A_154 = arith.addi %mul3A_106, %add3A_153 : i32
        "tpu.region"() ({
          %run_scoped3A_156 = tpu.sem_alloc : memref<!tpu.dma_semaphore, #tpu.memory_space<semaphore_mem>>
          %dma_start3A = arith.constant 0 : i32
          %dma_start3A_157 = tpu.memref_slice %arg9[%add3A_154, %dma_start3A] : memref<25x80xi32, #tpu.memory_space<vmem>> -> memref<1x80xi32, #tpu.memory_space<vmem>>
          %dma_start3A_158 = tpu.memref_squeeze %dma_start3A_157 : memref<1x80xi32, #tpu.memory_space<vmem>> -> memref<80xi32, #tpu.memory_space<vmem>>
          %dma_start3A_159 = arith.constant 0 : i32
          %dma_start3A_160 = arith.constant 0 : i32
          %dma_start3A_161 = tpu.memref_slice %arg8[%dma_start3A_159, %dma_start3A_160] : memref<10240x128xf32, #tpu.memory_space<vmem_shared>> -> memref<10240x128xf32, #tpu.memory_space<vmem_shared>>
          tpu.enqueue_indirect_dma source(%arg11 : memref<80x128xf32, #tpu.memory_space<vmem>>) target(%dma_start3A_161 : memref<10240x128xf32, #tpu.memory_space<vmem_shared>>) offsets(%dma_start3A_158 : memref<80xi32, #tpu.memory_space<vmem>>) semaphore(%run_scoped3A_156 : memref<!tpu.dma_semaphore, #tpu.memory_space<semaphore_mem>>) {add = true}
          %dma_wait3A = arith.constant 0 : i32
          %dma_wait3A_162 = tpu.memref_slice %arg9[%add3A_154, %dma_wait3A] : memref<25x80xi32, #tpu.memory_space<vmem>> -> memref<1x80xi32, #tpu.memory_space<vmem>>
          %dma_wait3A_163 = tpu.memref_squeeze %dma_wait3A_162 : memref<1x80xi32, #tpu.memory_space<vmem>> -> memref<80xi32, #tpu.memory_space<vmem>>
          %dma_wait3A_164 = arith.constant 0 : i32
          %dma_wait3A_165 = arith.constant 0 : i32
          %dma_wait3A_166 = tpu.memref_slice %arg8[%dma_wait3A_164, %dma_wait3A_165] : memref<10240x128xf32, #tpu.memory_space<vmem_shared>> -> memref<10240x128xf32, #tpu.memory_space<vmem_shared>>
          tpu.wait_indirect_dma semaphore(%run_scoped3A_156 : memref<!tpu.dma_semaphore, #tpu.memory_space<semaphore_mem>>) src(%arg11 : memref<80x128xf32, #tpu.memory_space<vmem>>) dst(%dma_wait3A_166 : memref<10240x128xf32, #tpu.memory_space<vmem_shared>>)
          tpu.yield
        }) : () -> ()
        %scan3A_155 = arith.constant 0 : i32
        scf.yield %scan3A_155 : i32
      }
      %scan3A_91 = arith.constant 12 : i32
      %eq3A_92 = arith.constant 0 : i32
      %eq3A_93 = arith.cmpi eq, %arg0, %eq3A_92 : i32
      %convert_element_type3A_94 = arith.extui %eq3A_93 : i1 to i32
      %cond3A_95 = arith.constant 0 : i32
      %cond3A_96 = arith.cmpi ne, %convert_element_type3A_94, %cond3A_95 : i32
      scf.if %cond3A_96 {
        %dma_wait3A = arith.constant 24 : i32
        %dma_wait3A_103 = arith.constant 0 : i32
        %dma_wait3A_104 = tpu.memref_slice %arg14[%dma_wait3A, %dma_wait3A_103] : memref<25x80xi32, #tpu.memory_space<vmem>> -> memref<1x80xi32, #tpu.memory_space<vmem>>
        %dma_wait3A_105 = tpu.memref_squeeze %dma_wait3A_104 : memref<1x80xi32, #tpu.memory_space<vmem>> -> memref<80xi32, #tpu.memory_space<vmem>>
        %dma_wait3A_106 = arith.constant 0 : i32
        %dma_wait3A_107 = arith.constant 0 : i32
        %dma_wait3A_108 = tpu.memref_slice %arg4[%dma_wait3A_106, %dma_wait3A_107] : memref<10000x128xf32, #tpu.memory_space<hbm>> -> memref<10000x128xf32, #tpu.memory_space<hbm>>
        tpu.wait_indirect_dma semaphore(%arg12 : memref<!tpu.dma_semaphore, #tpu.memory_space<semaphore_mem>>) src(%dma_wait3A_108 : memref<10000x128xf32, #tpu.memory_space<hbm>>) dst(%arg10 : memref<80x128xf32, #tpu.memory_space<vmem>>)
      } else {
      }
      %eq3A_97 = arith.constant 1 : i32
      %eq3A_98 = arith.cmpi eq, %arg0, %eq3A_97 : i32
      %convert_element_type3A_99 = arith.extui %eq3A_98 : i1 to i32
      %cond3A_100 = arith.constant 0 : i32
      %cond3A_101 = arith.cmpi ne, %convert_element_type3A_99, %cond3A_100 : i32
      scf.if %cond3A_101 {
        %mul3A_103 = arith.constant 25 : i32
        %mul3A_104 = arith.muli %scan3A_71, %mul3A_103 : i32
        %add3A_105 = arith.constant 24 : i32
        %add3A_106 = arith.addi %mul3A_104, %add3A_105 : i32
        %mul3A_107 = arith.constant 80 : i32
        %mul3A_108 = arith.muli %add3A_106, %mul3A_107 : i32
        %add3A_109 = arith.addi %mul3A_31, %mul3A_108 : i32
        %dma_wait3A = arith.constant 0 : i32
        %dma_wait3A_110 = tpu.memref_slice %arg5[%add3A_109, %dma_wait3A] : memref<320000x128xf32, #tpu.memory_space<hbm>> -> memref<80x128xf32, #tpu.memory_space<hbm>>
        %dma_wait3A_111 = arith.constant 0 : i32
        %dma_wait3A_112 = tpu.memref_slice %arg5[%add3A_109, %dma_wait3A_111] : memref<320000x128xf32, #tpu.memory_space<hbm>> -> memref<80x128xf32, #tpu.memory_space<hbm>>
        tpu.wait_dma2 semaphore(%arg12 : memref<!tpu.dma_semaphore, #tpu.memory_space<semaphore_mem>>) src(%dma_wait3A_112 : memref<80x128xf32, #tpu.memory_space<hbm>>) dst(%arg10 : memref<80x128xf32, #tpu.memory_space<vmem>>)
      } else {
      }
      %run_scoped3A = arith.constant 24 : i32
      "tpu.region"() ({
        %run_scoped3A_103 = tpu.sem_alloc : memref<!tpu.dma_semaphore, #tpu.memory_space<semaphore_mem>>
        %dma_start3A = arith.constant 0 : i32
        %dma_start3A_104 = tpu.memref_slice %arg9[%run_scoped3A, %dma_start3A] : memref<25x80xi32, #tpu.memory_space<vmem>> -> memref<1x80xi32, #tpu.memory_space<vmem>>
        %dma_start3A_105 = tpu.memref_squeeze %dma_start3A_104 : memref<1x80xi32, #tpu.memory_space<vmem>> -> memref<80xi32, #tpu.memory_space<vmem>>
        %dma_start3A_106 = arith.constant 0 : i32
        %dma_start3A_107 = arith.constant 0 : i32
        %dma_start3A_108 = tpu.memref_slice %arg8[%dma_start3A_106, %dma_start3A_107] : memref<10240x128xf32, #tpu.memory_space<vmem_shared>> -> memref<10240x128xf32, #tpu.memory_space<vmem_shared>>
        tpu.enqueue_indirect_dma source(%arg10 : memref<80x128xf32, #tpu.memory_space<vmem>>) target(%dma_start3A_108 : memref<10240x128xf32, #tpu.memory_space<vmem_shared>>) offsets(%dma_start3A_105 : memref<80xi32, #tpu.memory_space<vmem>>) semaphore(%run_scoped3A_103 : memref<!tpu.dma_semaphore, #tpu.memory_space<semaphore_mem>>) {add = true}
        %dma_wait3A = arith.constant 0 : i32
        %dma_wait3A_109 = tpu.memref_slice %arg9[%run_scoped3A, %dma_wait3A] : memref<25x80xi32, #tpu.memory_space<vmem>> -> memref<1x80xi32, #tpu.memory_space<vmem>>
        %dma_wait3A_110 = tpu.memref_squeeze %dma_wait3A_109 : memref<1x80xi32, #tpu.memory_space<vmem>> -> memref<80xi32, #tpu.memory_space<vmem>>
        %dma_wait3A_111 = arith.constant 0 : i32
        %dma_wait3A_112 = arith.constant 0 : i32
        %dma_wait3A_113 = tpu.memref_slice %arg8[%dma_wait3A_111, %dma_wait3A_112] : memref<10240x128xf32, #tpu.memory_space<vmem_shared>> -> memref<10240x128xf32, #tpu.memory_space<vmem_shared>>
        tpu.wait_indirect_dma semaphore(%run_scoped3A_103 : memref<!tpu.dma_semaphore, #tpu.memory_space<semaphore_mem>>) src(%arg10 : memref<80x128xf32, #tpu.memory_space<vmem>>) dst(%dma_wait3A_113 : memref<10240x128xf32, #tpu.memory_space<vmem_shared>>)
        tpu.yield
      }) : () -> ()
      %scan3A_102 = arith.constant 0 : i32
      scf.yield %scan3A_102 : i32
    }
    %scan3A_37 = arith.constant 10 : i32
    %barrier3A_38 = arith.constant 0 : index
    tpu.barrier barrier_id(%barrier3A_38)
    %mul3A_39 = arith.constant 640 : i32
    %mul3A_40 = arith.muli %arg1, %mul3A_39 : i32
    %add3A_41 = arith.constant 0 : i32
    %add3A_42 = arith.addi %mul3A_40, %add3A_41 : i32
    "tpu.region"() ({
      %run_scoped3A = tpu.sem_alloc : memref<!tpu.dma_semaphore, #tpu.memory_space<semaphore_mem>>
      %dma_start3A = arith.constant 0 : i32
      %dma_start3A_71 = tpu.memref_slice %arg8[%add3A_42, %dma_start3A] : memref<10240x128xf32, #tpu.memory_space<vmem_shared>> -> memref<80x128xf32, #tpu.memory_space<vmem_shared>>
      %dma_start3A_72 = arith.constant 0 : i32
      %dma_start3A_73 = tpu.memref_slice %arg8[%add3A_42, %dma_start3A_72] : memref<10240x128xf32, #tpu.memory_space<vmem_shared>> -> memref<80x128xf32, #tpu.memory_space<vmem_shared>>
      tpu.enqueue_dma source(%dma_start3A_73 : memref<80x128xf32, #tpu.memory_space<vmem_shared>>) target(%arg10 : memref<80x128xf32, #tpu.memory_space<vmem>>) target_semaphore(%run_scoped3A : memref<!tpu.dma_semaphore, #tpu.memory_space<semaphore_mem>>)
      %dma_wait3A = arith.constant 0 : i32
      %dma_wait3A_74 = tpu.memref_slice %arg8[%add3A_42, %dma_wait3A] : memref<10240x128xf32, #tpu.memory_space<vmem_shared>> -> memref<80x128xf32, #tpu.memory_space<vmem_shared>>
      %dma_wait3A_75 = arith.constant 0 : i32
      %dma_wait3A_76 = tpu.memref_slice %arg8[%add3A_42, %dma_wait3A_75] : memref<10240x128xf32, #tpu.memory_space<vmem_shared>> -> memref<80x128xf32, #tpu.memory_space<vmem_shared>>
      tpu.wait_dma2 semaphore(%run_scoped3A : memref<!tpu.dma_semaphore, #tpu.memory_space<semaphore_mem>>) src(%dma_wait3A_76 : memref<80x128xf32, #tpu.memory_space<vmem_shared>>) dst(%arg10 : memref<80x128xf32, #tpu.memory_space<vmem>>)
      tpu.yield
    }) : () -> ()
    "tpu.region"() ({
      %run_scoped3A = tpu.sem_alloc : memref<!tpu.dma_semaphore, #tpu.memory_space<semaphore_mem>>
      %dma_start3A = arith.constant 0 : i32
      %dma_start3A_71 = tpu.memref_slice %arg7[%arg0, %add3A_42, %dma_start3A] : memref<2x10240x128xf32, #tpu.memory_space<hbm>> -> memref<1x80x128xf32, #tpu.memory_space<hbm>>
      %dma_start3A_72 = tpu.memref_squeeze %dma_start3A_71 : memref<1x80x128xf32, #tpu.memory_space<hbm>> -> memref<80x128xf32, #tpu.memory_space<hbm>>
      %dma_start3A_73 = arith.constant 0 : i32
      %dma_start3A_74 = tpu.memref_slice %arg7[%arg0, %add3A_42, %dma_start3A_73] : memref<2x10240x128xf32, #tpu.memory_space<hbm>> -> memref<1x80x128xf32, #tpu.memory_space<hbm>>
      %dma_start3A_75 = tpu.memref_squeeze %dma_start3A_74 : memref<1x80x128xf32, #tpu.memory_space<hbm>> -> memref<80x128xf32, #tpu.memory_space<hbm>>
      tpu.enqueue_dma source(%arg10 : memref<80x128xf32, #tpu.memory_space<vmem>>) target(%dma_start3A_75 : memref<80x128xf32, #tpu.memory_space<hbm>>) target_semaphore(%run_scoped3A : memref<!tpu.dma_semaphore, #tpu.memory_space<semaphore_mem>>)
      %dma_wait3A = arith.constant 0 : i32
      %dma_wait3A_76 = tpu.memref_slice %arg7[%arg0, %add3A_42, %dma_wait3A] : memref<2x10240x128xf32, #tpu.memory_space<hbm>> -> memref<1x80x128xf32, #tpu.memory_space<hbm>>
      %dma_wait3A_77 = tpu.memref_squeeze %dma_wait3A_76 : memref<1x80x128xf32, #tpu.memory_space<hbm>> -> memref<80x128xf32, #tpu.memory_space<hbm>>
      %dma_wait3A_78 = arith.constant 0 : i32
      %dma_wait3A_79 = tpu.memref_slice %arg7[%arg0, %add3A_42, %dma_wait3A_78] : memref<2x10240x128xf32, #tpu.memory_space<hbm>> -> memref<1x80x128xf32, #tpu.memory_space<hbm>>
      %dma_wait3A_80 = tpu.memref_squeeze %dma_wait3A_79 : memref<1x80x128xf32, #tpu.memory_space<hbm>> -> memref<80x128xf32, #tpu.memory_space<hbm>>
      tpu.wait_dma2 semaphore(%run_scoped3A : memref<!tpu.dma_semaphore, #tpu.memory_space<semaphore_mem>>) src(%arg10 : memref<80x128xf32, #tpu.memory_space<vmem>>) dst(%dma_wait3A_80 : memref<80x128xf32, #tpu.memory_space<hbm>>)
      tpu.yield
    }) : () -> ()
    %mul3A_43 = arith.constant 640 : i32
    %mul3A_44 = arith.muli %arg1, %mul3A_43 : i32
    %add3A_45 = arith.constant 80 : i32
    %add3A_46 = arith.addi %mul3A_44, %add3A_45 : i32
    "tpu.region"() ({
      %run_scoped3A = tpu.sem_alloc : memref<!tpu.dma_semaphore, #tpu.memory_space<semaphore_mem>>
      %dma_start3A = arith.constant 0 : i32
      %dma_start3A_71 = tpu.memref_slice %arg8[%add3A_46, %dma_start3A] : memref<10240x128xf32, #tpu.memory_space<vmem_shared>> -> memref<80x128xf32, #tpu.memory_space<vmem_shared>>
      %dma_start3A_72 = arith.constant 0 : i32
      %dma_start3A_73 = tpu.memref_slice %arg8[%add3A_46, %dma_start3A_72] : memref<10240x128xf32, #tpu.memory_space<vmem_shared>> -> memref<80x128xf32, #tpu.memory_space<vmem_shared>>
      tpu.enqueue_dma source(%dma_start3A_73 : memref<80x128xf32, #tpu.memory_space<vmem_shared>>) target(%arg10 : memref<80x128xf32, #tpu.memory_space<vmem>>) target_semaphore(%run_scoped3A : memref<!tpu.dma_semaphore, #tpu.memory_space<semaphore_mem>>)
      %dma_wait3A = arith.constant 0 : i32
      %dma_wait3A_74 = tpu.memref_slice %arg8[%add3A_46, %dma_wait3A] : memref<10240x128xf32, #tpu.memory_space<vmem_shared>> -> memref<80x128xf32, #tpu.memory_space<vmem_shared>>
      %dma_wait3A_75 = arith.constant 0 : i32
      %dma_wait3A_76 = tpu.memref_slice %arg8[%add3A_46, %dma_wait3A_75] : memref<10240x128xf32, #tpu.memory_space<vmem_shared>> -> memref<80x128xf32, #tpu.memory_space<vmem_shared>>
      tpu.wait_dma2 semaphore(%run_scoped3A : memref<!tpu.dma_semaphore, #tpu.memory_space<semaphore_mem>>) src(%dma_wait3A_76 : memref<80x128xf32, #tpu.memory_space<vmem_shared>>) dst(%arg10 : memref<80x128xf32, #tpu.memory_space<vmem>>)
      tpu.yield
    }) : () -> ()
    "tpu.region"() ({
      %run_scoped3A = tpu.sem_alloc : memref<!tpu.dma_semaphore, #tpu.memory_space<semaphore_mem>>
      %dma_start3A = arith.constant 0 : i32
      %dma_start3A_71 = tpu.memref_slice %arg7[%arg0, %add3A_46, %dma_start3A] : memref<2x10240x128xf32, #tpu.memory_space<hbm>> -> memref<1x80x128xf32, #tpu.memory_space<hbm>>
      %dma_start3A_72 = tpu.memref_squeeze %dma_start3A_71 : memref<1x80x128xf32, #tpu.memory_space<hbm>> -> memref<80x128xf32, #tpu.memory_space<hbm>>
      %dma_start3A_73 = arith.constant 0 : i32
      %dma_start3A_74 = tpu.memref_slice %arg7[%arg0, %add3A_46, %dma_start3A_73] : memref<2x10240x128xf32, #tpu.memory_space<hbm>> -> memref<1x80x128xf32, #tpu.memory_space<hbm>>
      %dma_start3A_75 = tpu.memref_squeeze %dma_start3A_74 : memref<1x80x128xf32, #tpu.memory_space<hbm>> -> memref<80x128xf32, #tpu.memory_space<hbm>>
      tpu.enqueue_dma source(%arg10 : memref<80x128xf32, #tpu.memory_space<vmem>>) target(%dma_start3A_75 : memref<80x128xf32, #tpu.memory_space<hbm>>) target_semaphore(%run_scoped3A : memref<!tpu.dma_semaphore, #tpu.memory_space<semaphore_mem>>)
      %dma_wait3A = arith.constant 0 : i32
      %dma_wait3A_76 = tpu.memref_slice %arg7[%arg0, %add3A_46, %dma_wait3A] : memref<2x10240x128xf32, #tpu.memory_space<hbm>> -> memref<1x80x128xf32, #tpu.memory_space<hbm>>
      %dma_wait3A_77 = tpu.memref_squeeze %dma_wait3A_76 : memref<1x80x128xf32, #tpu.memory_space<hbm>> -> memref<80x128xf32, #tpu.memory_space<hbm>>
      %dma_wait3A_78 = arith.constant 0 : i32
      %dma_wait3A_79 = tpu.memref_slice %arg7[%arg0, %add3A_46, %dma_wait3A_78] : memref<2x10240x128xf32, #tpu.memory_space<hbm>> -> memref<1x80x128xf32, #tpu.memory_space<hbm>>
      %dma_wait3A_80 = tpu.memref_squeeze %dma_wait3A_79 : memref<1x80x128xf32, #tpu.memory_space<hbm>> -> memref<80x128xf32, #tpu.memory_space<hbm>>
      tpu.wait_dma2 semaphore(%run_scoped3A : memref<!tpu.dma_semaphore, #tpu.memory_space<semaphore_mem>>) src(%arg10 : memref<80x128xf32, #tpu.memory_space<vmem>>) dst(%dma_wait3A_80 : memref<80x128xf32, #tpu.memory_space<hbm>>)
      tpu.yield
    }) : () -> ()
    %mul3A_47 = arith.constant 640 : i32
    %mul3A_48 = arith.muli %arg1, %mul3A_47 : i32
    %add3A_49 = arith.constant 160 : i32
    %add3A_50 = arith.addi %mul3A_48, %add3A_49 : i32
    "tpu.region"() ({
      %run_scoped3A = tpu.sem_alloc : memref<!tpu.dma_semaphore, #tpu.memory_space<semaphore_mem>>
      %dma_start3A = arith.constant 0 : i32
      %dma_start3A_71 = tpu.memref_slice %arg8[%add3A_50, %dma_start3A] : memref<10240x128xf32, #tpu.memory_space<vmem_shared>> -> memref<80x128xf32, #tpu.memory_space<vmem_shared>>
      %dma_start3A_72 = arith.constant 0 : i32
      %dma_start3A_73 = tpu.memref_slice %arg8[%add3A_50, %dma_start3A_72] : memref<10240x128xf32, #tpu.memory_space<vmem_shared>> -> memref<80x128xf32, #tpu.memory_space<vmem_shared>>
      tpu.enqueue_dma source(%dma_start3A_73 : memref<80x128xf32, #tpu.memory_space<vmem_shared>>) target(%arg10 : memref<80x128xf32, #tpu.memory_space<vmem>>) target_semaphore(%run_scoped3A : memref<!tpu.dma_semaphore, #tpu.memory_space<semaphore_mem>>)
      %dma_wait3A = arith.constant 0 : i32
      %dma_wait3A_74 = tpu.memref_slice %arg8[%add3A_50, %dma_wait3A] : memref<10240x128xf32, #tpu.memory_space<vmem_shared>> -> memref<80x128xf32, #tpu.memory_space<vmem_shared>>
      %dma_wait3A_75 = arith.constant 0 : i32
      %dma_wait3A_76 = tpu.memref_slice %arg8[%add3A_50, %dma_wait3A_75] : memref<10240x128xf32, #tpu.memory_space<vmem_shared>> -> memref<80x128xf32, #tpu.memory_space<vmem_shared>>
      tpu.wait_dma2 semaphore(%run_scoped3A : memref<!tpu.dma_semaphore, #tpu.memory_space<semaphore_mem>>) src(%dma_wait3A_76 : memref<80x128xf32, #tpu.memory_space<vmem_shared>>) dst(%arg10 : memref<80x128xf32, #tpu.memory_space<vmem>>)
      tpu.yield
    }) : () -> ()
    "tpu.region"() ({
      %run_scoped3A = tpu.sem_alloc : memref<!tpu.dma_semaphore, #tpu.memory_space<semaphore_mem>>
      %dma_start3A = arith.constant 0 : i32
      %dma_start3A_71 = tpu.memref_slice %arg7[%arg0, %add3A_50, %dma_start3A] : memref<2x10240x128xf32, #tpu.memory_space<hbm>> -> memref<1x80x128xf32, #tpu.memory_space<hbm>>
      %dma_start3A_72 = tpu.memref_squeeze %dma_start3A_71 : memref<1x80x128xf32, #tpu.memory_space<hbm>> -> memref<80x128xf32, #tpu.memory_space<hbm>>
      %dma_start3A_73 = arith.constant 0 : i32
      %dma_start3A_74 = tpu.memref_slice %arg7[%arg0, %add3A_50, %dma_start3A_73] : memref<2x10240x128xf32, #tpu.memory_space<hbm>> -> memref<1x80x128xf32, #tpu.memory_space<hbm>>
      %dma_start3A_75 = tpu.memref_squeeze %dma_start3A_74 : memref<1x80x128xf32, #tpu.memory_space<hbm>> -> memref<80x128xf32, #tpu.memory_space<hbm>>
      tpu.enqueue_dma source(%arg10 : memref<80x128xf32, #tpu.memory_space<vmem>>) target(%dma_start3A_75 : memref<80x128xf32, #tpu.memory_space<hbm>>) target_semaphore(%run_scoped3A : memref<!tpu.dma_semaphore, #tpu.memory_space<semaphore_mem>>)
      %dma_wait3A = arith.constant 0 : i32
      %dma_wait3A_76 = tpu.memref_slice %arg7[%arg0, %add3A_50, %dma_wait3A] : memref<2x10240x128xf32, #tpu.memory_space<hbm>> -> memref<1x80x128xf32, #tpu.memory_space<hbm>>
      %dma_wait3A_77 = tpu.memref_squeeze %dma_wait3A_76 : memref<1x80x128xf32, #tpu.memory_space<hbm>> -> memref<80x128xf32, #tpu.memory_space<hbm>>
      %dma_wait3A_78 = arith.constant 0 : i32
      %dma_wait3A_79 = tpu.memref_slice %arg7[%arg0, %add3A_50, %dma_wait3A_78] : memref<2x10240x128xf32, #tpu.memory_space<hbm>> -> memref<1x80x128xf32, #tpu.memory_space<hbm>>
      %dma_wait3A_80 = tpu.memref_squeeze %dma_wait3A_79 : memref<1x80x128xf32, #tpu.memory_space<hbm>> -> memref<80x128xf32, #tpu.memory_space<hbm>>
      tpu.wait_dma2 semaphore(%run_scoped3A : memref<!tpu.dma_semaphore, #tpu.memory_space<semaphore_mem>>) src(%arg10 : memref<80x128xf32, #tpu.memory_space<vmem>>) dst(%dma_wait3A_80 : memref<80x128xf32, #tpu.memory_space<hbm>>)
      tpu.yield
    }) : () -> ()
    %mul3A_51 = arith.constant 640 : i32
    %mul3A_52 = arith.muli %arg1, %mul3A_51 : i32
    %add3A_53 = arith.constant 240 : i32
    %add3A_54 = arith.addi %mul3A_52, %add3A_53 : i32
    "tpu.region"() ({
      %run_scoped3A = tpu.sem_alloc : memref<!tpu.dma_semaphore, #tpu.memory_space<semaphore_mem>>
      %dma_start3A = arith.constant 0 : i32
      %dma_start3A_71 = tpu.memref_slice %arg8[%add3A_54, %dma_start3A] : memref<10240x128xf32, #tpu.memory_space<vmem_shared>> -> memref<80x128xf32, #tpu.memory_space<vmem_shared>>
      %dma_start3A_72 = arith.constant 0 : i32
      %dma_start3A_73 = tpu.memref_slice %arg8[%add3A_54, %dma_start3A_72] : memref<10240x128xf32, #tpu.memory_space<vmem_shared>> -> memref<80x128xf32, #tpu.memory_space<vmem_shared>>
      tpu.enqueue_dma source(%dma_start3A_73 : memref<80x128xf32, #tpu.memory_space<vmem_shared>>) target(%arg10 : memref<80x128xf32, #tpu.memory_space<vmem>>) target_semaphore(%run_scoped3A : memref<!tpu.dma_semaphore, #tpu.memory_space<semaphore_mem>>)
      %dma_wait3A = arith.constant 0 : i32
      %dma_wait3A_74 = tpu.memref_slice %arg8[%add3A_54, %dma_wait3A] : memref<10240x128xf32, #tpu.memory_space<vmem_shared>> -> memref<80x128xf32, #tpu.memory_space<vmem_shared>>
      %dma_wait3A_75 = arith.constant 0 : i32
      %dma_wait3A_76 = tpu.memref_slice %arg8[%add3A_54, %dma_wait3A_75] : memref<10240x128xf32, #tpu.memory_space<vmem_shared>> -> memref<80x128xf32, #tpu.memory_space<vmem_shared>>
      tpu.wait_dma2 semaphore(%run_scoped3A : memref<!tpu.dma_semaphore, #tpu.memory_space<semaphore_mem>>) src(%dma_wait3A_76 : memref<80x128xf32, #tpu.memory_space<vmem_shared>>) dst(%arg10 : memref<80x128xf32, #tpu.memory_space<vmem>>)
      tpu.yield
    }) : () -> ()
    "tpu.region"() ({
      %run_scoped3A = tpu.sem_alloc : memref<!tpu.dma_semaphore, #tpu.memory_space<semaphore_mem>>
      %dma_start3A = arith.constant 0 : i32
      %dma_start3A_71 = tpu.memref_slice %arg7[%arg0, %add3A_54, %dma_start3A] : memref<2x10240x128xf32, #tpu.memory_space<hbm>> -> memref<1x80x128xf32, #tpu.memory_space<hbm>>
      %dma_start3A_72 = tpu.memref_squeeze %dma_start3A_71 : memref<1x80x128xf32, #tpu.memory_space<hbm>> -> memref<80x128xf32, #tpu.memory_space<hbm>>
      %dma_start3A_73 = arith.constant 0 : i32
      %dma_start3A_74 = tpu.memref_slice %arg7[%arg0, %add3A_54, %dma_start3A_73] : memref<2x10240x128xf32, #tpu.memory_space<hbm>> -> memref<1x80x128xf32, #tpu.memory_space<hbm>>
      %dma_start3A_75 = tpu.memref_squeeze %dma_start3A_74 : memref<1x80x128xf32, #tpu.memory_space<hbm>> -> memref<80x128xf32, #tpu.memory_space<hbm>>
      tpu.enqueue_dma source(%arg10 : memref<80x128xf32, #tpu.memory_space<vmem>>) target(%dma_start3A_75 : memref<80x128xf32, #tpu.memory_space<hbm>>) target_semaphore(%run_scoped3A : memref<!tpu.dma_semaphore, #tpu.memory_space<semaphore_mem>>)
      %dma_wait3A = arith.constant 0 : i32
      %dma_wait3A_76 = tpu.memref_slice %arg7[%arg0, %add3A_54, %dma_wait3A] : memref<2x10240x128xf32, #tpu.memory_space<hbm>> -> memref<1x80x128xf32, #tpu.memory_space<hbm>>
      %dma_wait3A_77 = tpu.memref_squeeze %dma_wait3A_76 : memref<1x80x128xf32, #tpu.memory_space<hbm>> -> memref<80x128xf32, #tpu.memory_space<hbm>>
      %dma_wait3A_78 = arith.constant 0 : i32
      %dma_wait3A_79 = tpu.memref_slice %arg7[%arg0, %add3A_54, %dma_wait3A_78] : memref<2x10240x128xf32, #tpu.memory_space<hbm>> -> memref<1x80x128xf32, #tpu.memory_space<hbm>>
      %dma_wait3A_80 = tpu.memref_squeeze %dma_wait3A_79 : memref<1x80x128xf32, #tpu.memory_space<hbm>> -> memref<80x128xf32, #tpu.memory_space<hbm>>
      tpu.wait_dma2 semaphore(%run_scoped3A : memref<!tpu.dma_semaphore, #tpu.memory_space<semaphore_mem>>) src(%arg10 : memref<80x128xf32, #tpu.memory_space<vmem>>) dst(%dma_wait3A_80 : memref<80x128xf32, #tpu.memory_space<hbm>>)
      tpu.yield
    }) : () -> ()
    %mul3A_55 = arith.constant 640 : i32
    %mul3A_56 = arith.muli %arg1, %mul3A_55 : i32
    %add3A_57 = arith.constant 320 : i32
    %add3A_58 = arith.addi %mul3A_56, %add3A_57 : i32
    "tpu.region"() ({
      %run_scoped3A = tpu.sem_alloc : memref<!tpu.dma_semaphore, #tpu.memory_space<semaphore_mem>>
      %dma_start3A = arith.constant 0 : i32
      %dma_start3A_71 = tpu.memref_slice %arg8[%add3A_58, %dma_start3A] : memref<10240x128xf32, #tpu.memory_space<vmem_shared>> -> memref<80x128xf32, #tpu.memory_space<vmem_shared>>
      %dma_start3A_72 = arith.constant 0 : i32
      %dma_start3A_73 = tpu.memref_slice %arg8[%add3A_58, %dma_start3A_72] : memref<10240x128xf32, #tpu.memory_space<vmem_shared>> -> memref<80x128xf32, #tpu.memory_space<vmem_shared>>
      tpu.enqueue_dma source(%dma_start3A_73 : memref<80x128xf32, #tpu.memory_space<vmem_shared>>) target(%arg10 : memref<80x128xf32, #tpu.memory_space<vmem>>) target_semaphore(%run_scoped3A : memref<!tpu.dma_semaphore, #tpu.memory_space<semaphore_mem>>)
      %dma_wait3A = arith.constant 0 : i32
      %dma_wait3A_74 = tpu.memref_slice %arg8[%add3A_58, %dma_wait3A] : memref<10240x128xf32, #tpu.memory_space<vmem_shared>> -> memref<80x128xf32, #tpu.memory_space<vmem_shared>>
      %dma_wait3A_75 = arith.constant 0 : i32
      %dma_wait3A_76 = tpu.memref_slice %arg8[%add3A_58, %dma_wait3A_75] : memref<10240x128xf32, #tpu.memory_space<vmem_shared>> -> memref<80x128xf32, #tpu.memory_space<vmem_shared>>
      tpu.wait_dma2 semaphore(%run_scoped3A : memref<!tpu.dma_semaphore, #tpu.memory_space<semaphore_mem>>) src(%dma_wait3A_76 : memref<80x128xf32, #tpu.memory_space<vmem_shared>>) dst(%arg10 : memref<80x128xf32, #tpu.memory_space<vmem>>)
      tpu.yield
    }) : () -> ()
    "tpu.region"() ({
      %run_scoped3A = tpu.sem_alloc : memref<!tpu.dma_semaphore, #tpu.memory_space<semaphore_mem>>
      %dma_start3A = arith.constant 0 : i32
      %dma_start3A_71 = tpu.memref_slice %arg7[%arg0, %add3A_58, %dma_start3A] : memref<2x10240x128xf32, #tpu.memory_space<hbm>> -> memref<1x80x128xf32, #tpu.memory_space<hbm>>
      %dma_start3A_72 = tpu.memref_squeeze %dma_start3A_71 : memref<1x80x128xf32, #tpu.memory_space<hbm>> -> memref<80x128xf32, #tpu.memory_space<hbm>>
      %dma_start3A_73 = arith.constant 0 : i32
      %dma_start3A_74 = tpu.memref_slice %arg7[%arg0, %add3A_58, %dma_start3A_73] : memref<2x10240x128xf32, #tpu.memory_space<hbm>> -> memref<1x80x128xf32, #tpu.memory_space<hbm>>
      %dma_start3A_75 = tpu.memref_squeeze %dma_start3A_74 : memref<1x80x128xf32, #tpu.memory_space<hbm>> -> memref<80x128xf32, #tpu.memory_space<hbm>>
      tpu.enqueue_dma source(%arg10 : memref<80x128xf32, #tpu.memory_space<vmem>>) target(%dma_start3A_75 : memref<80x128xf32, #tpu.memory_space<hbm>>) target_semaphore(%run_scoped3A : memref<!tpu.dma_semaphore, #tpu.memory_space<semaphore_mem>>)
      %dma_wait3A = arith.constant 0 : i32
      %dma_wait3A_76 = tpu.memref_slice %arg7[%arg0, %add3A_58, %dma_wait3A] : memref<2x10240x128xf32, #tpu.memory_space<hbm>> -> memref<1x80x128xf32, #tpu.memory_space<hbm>>
      %dma_wait3A_77 = tpu.memref_squeeze %dma_wait3A_76 : memref<1x80x128xf32, #tpu.memory_space<hbm>> -> memref<80x128xf32, #tpu.memory_space<hbm>>
      %dma_wait3A_78 = arith.constant 0 : i32
      %dma_wait3A_79 = tpu.memref_slice %arg7[%arg0, %add3A_58, %dma_wait3A_78] : memref<2x10240x128xf32, #tpu.memory_space<hbm>> -> memref<1x80x128xf32, #tpu.memory_space<hbm>>
      %dma_wait3A_80 = tpu.memref_squeeze %dma_wait3A_79 : memref<1x80x128xf32, #tpu.memory_space<hbm>> -> memref<80x128xf32, #tpu.memory_space<hbm>>
      tpu.wait_dma2 semaphore(%run_scoped3A : memref<!tpu.dma_semaphore, #tpu.memory_space<semaphore_mem>>) src(%arg10 : memref<80x128xf32, #tpu.memory_space<vmem>>) dst(%dma_wait3A_80 : memref<80x128xf32, #tpu.memory_space<hbm>>)
      tpu.yield
    }) : () -> ()
    %mul3A_59 = arith.constant 640 : i32
    %mul3A_60 = arith.muli %arg1, %mul3A_59 : i32
    %add3A_61 = arith.constant 400 : i32
    %add3A_62 = arith.addi %mul3A_60, %add3A_61 : i32
    "tpu.region"() ({
      %run_scoped3A = tpu.sem_alloc : memref<!tpu.dma_semaphore, #tpu.memory_space<semaphore_mem>>
      %dma_start3A = arith.constant 0 : i32
      %dma_start3A_71 = tpu.memref_slice %arg8[%add3A_62, %dma_start3A] : memref<10240x128xf32, #tpu.memory_space<vmem_shared>> -> memref<80x128xf32, #tpu.memory_space<vmem_shared>>
      %dma_start3A_72 = arith.constant 0 : i32
      %dma_start3A_73 = tpu.memref_slice %arg8[%add3A_62, %dma_start3A_72] : memref<10240x128xf32, #tpu.memory_space<vmem_shared>> -> memref<80x128xf32, #tpu.memory_space<vmem_shared>>
      tpu.enqueue_dma source(%dma_start3A_73 : memref<80x128xf32, #tpu.memory_space<vmem_shared>>) target(%arg10 : memref<80x128xf32, #tpu.memory_space<vmem>>) target_semaphore(%run_scoped3A : memref<!tpu.dma_semaphore, #tpu.memory_space<semaphore_mem>>)
      %dma_wait3A = arith.constant 0 : i32
      %dma_wait3A_74 = tpu.memref_slice %arg8[%add3A_62, %dma_wait3A] : memref<10240x128xf32, #tpu.memory_space<vmem_shared>> -> memref<80x128xf32, #tpu.memory_space<vmem_shared>>
      %dma_wait3A_75 = arith.constant 0 : i32
      %dma_wait3A_76 = tpu.memref_slice %arg8[%add3A_62, %dma_wait3A_75] : memref<10240x128xf32, #tpu.memory_space<vmem_shared>> -> memref<80x128xf32, #tpu.memory_space<vmem_shared>>
      tpu.wait_dma2 semaphore(%run_scoped3A : memref<!tpu.dma_semaphore, #tpu.memory_space<semaphore_mem>>) src(%dma_wait3A_76 : memref<80x128xf32, #tpu.memory_space<vmem_shared>>) dst(%arg10 : memref<80x128xf32, #tpu.memory_space<vmem>>)
      tpu.yield
    }) : () -> ()
    "tpu.region"() ({
      %run_scoped3A = tpu.sem_alloc : memref<!tpu.dma_semaphore, #tpu.memory_space<semaphore_mem>>
      %dma_start3A = arith.constant 0 : i32
      %dma_start3A_71 = tpu.memref_slice %arg7[%arg0, %add3A_62, %dma_start3A] : memref<2x10240x128xf32, #tpu.memory_space<hbm>> -> memref<1x80x128xf32, #tpu.memory_space<hbm>>
      %dma_start3A_72 = tpu.memref_squeeze %dma_start3A_71 : memref<1x80x128xf32, #tpu.memory_space<hbm>> -> memref<80x128xf32, #tpu.memory_space<hbm>>
      %dma_start3A_73 = arith.constant 0 : i32
      %dma_start3A_74 = tpu.memref_slice %arg7[%arg0, %add3A_62, %dma_start3A_73] : memref<2x10240x128xf32, #tpu.memory_space<hbm>> -> memref<1x80x128xf32, #tpu.memory_space<hbm>>
      %dma_start3A_75 = tpu.memref_squeeze %dma_start3A_74 : memref<1x80x128xf32, #tpu.memory_space<hbm>> -> memref<80x128xf32, #tpu.memory_space<hbm>>
      tpu.enqueue_dma source(%arg10 : memref<80x128xf32, #tpu.memory_space<vmem>>) target(%dma_start3A_75 : memref<80x128xf32, #tpu.memory_space<hbm>>) target_semaphore(%run_scoped3A : memref<!tpu.dma_semaphore, #tpu.memory_space<semaphore_mem>>)
      %dma_wait3A = arith.constant 0 : i32
      %dma_wait3A_76 = tpu.memref_slice %arg7[%arg0, %add3A_62, %dma_wait3A] : memref<2x10240x128xf32, #tpu.memory_space<hbm>> -> memref<1x80x128xf32, #tpu.memory_space<hbm>>
      %dma_wait3A_77 = tpu.memref_squeeze %dma_wait3A_76 : memref<1x80x128xf32, #tpu.memory_space<hbm>> -> memref<80x128xf32, #tpu.memory_space<hbm>>
      %dma_wait3A_78 = arith.constant 0 : i32
      %dma_wait3A_79 = tpu.memref_slice %arg7[%arg0, %add3A_62, %dma_wait3A_78] : memref<2x10240x128xf32, #tpu.memory_space<hbm>> -> memref<1x80x128xf32, #tpu.memory_space<hbm>>
      %dma_wait3A_80 = tpu.memref_squeeze %dma_wait3A_79 : memref<1x80x128xf32, #tpu.memory_space<hbm>> -> memref<80x128xf32, #tpu.memory_space<hbm>>
      tpu.wait_dma2 semaphore(%run_scoped3A : memref<!tpu.dma_semaphore, #tpu.memory_space<semaphore_mem>>) src(%arg10 : memref<80x128xf32, #tpu.memory_space<vmem>>) dst(%dma_wait3A_80 : memref<80x128xf32, #tpu.memory_space<hbm>>)
      tpu.yield
    }) : () -> ()
    %mul3A_63 = arith.constant 640 : i32
    %mul3A_64 = arith.muli %arg1, %mul3A_63 : i32
    %add3A_65 = arith.constant 480 : i32
    %add3A_66 = arith.addi %mul3A_64, %add3A_65 : i32
    "tpu.region"() ({
      %run_scoped3A = tpu.sem_alloc : memref<!tpu.dma_semaphore, #tpu.memory_space<semaphore_mem>>
      %dma_start3A = arith.constant 0 : i32
      %dma_start3A_71 = tpu.memref_slice %arg8[%add3A_66, %dma_start3A] : memref<10240x128xf32, #tpu.memory_space<vmem_shared>> -> memref<80x128xf32, #tpu.memory_space<vmem_shared>>
      %dma_start3A_72 = arith.constant 0 : i32
      %dma_start3A_73 = tpu.memref_slice %arg8[%add3A_66, %dma_start3A_72] : memref<10240x128xf32, #tpu.memory_space<vmem_shared>> -> memref<80x128xf32, #tpu.memory_space<vmem_shared>>
      tpu.enqueue_dma source(%dma_start3A_73 : memref<80x128xf32, #tpu.memory_space<vmem_shared>>) target(%arg10 : memref<80x128xf32, #tpu.memory_space<vmem>>) target_semaphore(%run_scoped3A : memref<!tpu.dma_semaphore, #tpu.memory_space<semaphore_mem>>)
      %dma_wait3A = arith.constant 0 : i32
      %dma_wait3A_74 = tpu.memref_slice %arg8[%add3A_66, %dma_wait3A] : memref<10240x128xf32, #tpu.memory_space<vmem_shared>> -> memref<80x128xf32, #tpu.memory_space<vmem_shared>>
      %dma_wait3A_75 = arith.constant 0 : i32
      %dma_wait3A_76 = tpu.memref_slice %arg8[%add3A_66, %dma_wait3A_75] : memref<10240x128xf32, #tpu.memory_space<vmem_shared>> -> memref<80x128xf32, #tpu.memory_space<vmem_shared>>
      tpu.wait_dma2 semaphore(%run_scoped3A : memref<!tpu.dma_semaphore, #tpu.memory_space<semaphore_mem>>) src(%dma_wait3A_76 : memref<80x128xf32, #tpu.memory_space<vmem_shared>>) dst(%arg10 : memref<80x128xf32, #tpu.memory_space<vmem>>)
      tpu.yield
    }) : () -> ()
    "tpu.region"() ({
      %run_scoped3A = tpu.sem_alloc : memref<!tpu.dma_semaphore, #tpu.memory_space<semaphore_mem>>
      %dma_start3A = arith.constant 0 : i32
      %dma_start3A_71 = tpu.memref_slice %arg7[%arg0, %add3A_66, %dma_start3A] : memref<2x10240x128xf32, #tpu.memory_space<hbm>> -> memref<1x80x128xf32, #tpu.memory_space<hbm>>
      %dma_start3A_72 = tpu.memref_squeeze %dma_start3A_71 : memref<1x80x128xf32, #tpu.memory_space<hbm>> -> memref<80x128xf32, #tpu.memory_space<hbm>>
      %dma_start3A_73 = arith.constant 0 : i32
      %dma_start3A_74 = tpu.memref_slice %arg7[%arg0, %add3A_66, %dma_start3A_73] : memref<2x10240x128xf32, #tpu.memory_space<hbm>> -> memref<1x80x128xf32, #tpu.memory_space<hbm>>
      %dma_start3A_75 = tpu.memref_squeeze %dma_start3A_74 : memref<1x80x128xf32, #tpu.memory_space<hbm>> -> memref<80x128xf32, #tpu.memory_space<hbm>>
      tpu.enqueue_dma source(%arg10 : memref<80x128xf32, #tpu.memory_space<vmem>>) target(%dma_start3A_75 : memref<80x128xf32, #tpu.memory_space<hbm>>) target_semaphore(%run_scoped3A : memref<!tpu.dma_semaphore, #tpu.memory_space<semaphore_mem>>)
      %dma_wait3A = arith.constant 0 : i32
      %dma_wait3A_76 = tpu.memref_slice %arg7[%arg0, %add3A_66, %dma_wait3A] : memref<2x10240x128xf32, #tpu.memory_space<hbm>> -> memref<1x80x128xf32, #tpu.memory_space<hbm>>
      %dma_wait3A_77 = tpu.memref_squeeze %dma_wait3A_76 : memref<1x80x128xf32, #tpu.memory_space<hbm>> -> memref<80x128xf32, #tpu.memory_space<hbm>>
      %dma_wait3A_78 = arith.constant 0 : i32
      %dma_wait3A_79 = tpu.memref_slice %arg7[%arg0, %add3A_66, %dma_wait3A_78] : memref<2x10240x128xf32, #tpu.memory_space<hbm>> -> memref<1x80x128xf32, #tpu.memory_space<hbm>>
      %dma_wait3A_80 = tpu.memref_squeeze %dma_wait3A_79 : memref<1x80x128xf32, #tpu.memory_space<hbm>> -> memref<80x128xf32, #tpu.memory_space<hbm>>
      tpu.wait_dma2 semaphore(%run_scoped3A : memref<!tpu.dma_semaphore, #tpu.memory_space<semaphore_mem>>) src(%arg10 : memref<80x128xf32, #tpu.memory_space<vmem>>) dst(%dma_wait3A_80 : memref<80x128xf32, #tpu.memory_space<hbm>>)
      tpu.yield
    }) : () -> ()
    %mul3A_67 = arith.constant 640 : i32
    %mul3A_68 = arith.muli %arg1, %mul3A_67 : i32
    %add3A_69 = arith.constant 560 : i32
    %add3A_70 = arith.addi %mul3A_68, %add3A_69 : i32
    "tpu.region"() ({
      %run_scoped3A = tpu.sem_alloc : memref<!tpu.dma_semaphore, #tpu.memory_space<semaphore_mem>>
      %dma_start3A = arith.constant 0 : i32
      %dma_start3A_71 = tpu.memref_slice %arg8[%add3A_70, %dma_start3A] : memref<10240x128xf32, #tpu.memory_space<vmem_shared>> -> memref<80x128xf32, #tpu.memory_space<vmem_shared>>
      %dma_start3A_72 = arith.constant 0 : i32
      %dma_start3A_73 = tpu.memref_slice %arg8[%add3A_70, %dma_start3A_72] : memref<10240x128xf32, #tpu.memory_space<vmem_shared>> -> memref<80x128xf32, #tpu.memory_space<vmem_shared>>
      tpu.enqueue_dma source(%dma_start3A_73 : memref<80x128xf32, #tpu.memory_space<vmem_shared>>) target(%arg10 : memref<80x128xf32, #tpu.memory_space<vmem>>) target_semaphore(%run_scoped3A : memref<!tpu.dma_semaphore, #tpu.memory_space<semaphore_mem>>)
      %dma_wait3A = arith.constant 0 : i32
      %dma_wait3A_74 = tpu.memref_slice %arg8[%add3A_70, %dma_wait3A] : memref<10240x128xf32, #tpu.memory_space<vmem_shared>> -> memref<80x128xf32, #tpu.memory_space<vmem_shared>>
      %dma_wait3A_75 = arith.constant 0 : i32
      %dma_wait3A_76 = tpu.memref_slice %arg8[%add3A_70, %dma_wait3A_75] : memref<10240x128xf32, #tpu.memory_space<vmem_shared>> -> memref<80x128xf32, #tpu.memory_space<vmem_shared>>
      tpu.wait_dma2 semaphore(%run_scoped3A : memref<!tpu.dma_semaphore, #tpu.memory_space<semaphore_mem>>) src(%dma_wait3A_76 : memref<80x128xf32, #tpu.memory_space<vmem_shared>>) dst(%arg10 : memref<80x128xf32, #tpu.memory_space<vmem>>)
      tpu.yield
    }) : () -> ()
    "tpu.region"() ({
      %run_scoped3A = tpu.sem_alloc : memref<!tpu.dma_semaphore, #tpu.memory_space<semaphore_mem>>
      %dma_start3A = arith.constant 0 : i32
      %dma_start3A_71 = tpu.memref_slice %arg7[%arg0, %add3A_70, %dma_start3A] : memref<2x10240x128xf32, #tpu.memory_space<hbm>> -> memref<1x80x128xf32, #tpu.memory_space<hbm>>
      %dma_start3A_72 = tpu.memref_squeeze %dma_start3A_71 : memref<1x80x128xf32, #tpu.memory_space<hbm>> -> memref<80x128xf32, #tpu.memory_space<hbm>>
      %dma_start3A_73 = arith.constant 0 : i32
      %dma_start3A_74 = tpu.memref_slice %arg7[%arg0, %add3A_70, %dma_start3A_73] : memref<2x10240x128xf32, #tpu.memory_space<hbm>> -> memref<1x80x128xf32, #tpu.memory_space<hbm>>
      %dma_start3A_75 = tpu.memref_squeeze %dma_start3A_74 : memref<1x80x128xf32, #tpu.memory_space<hbm>> -> memref<80x128xf32, #tpu.memory_space<hbm>>
      tpu.enqueue_dma source(%arg10 : memref<80x128xf32, #tpu.memory_space<vmem>>) target(%dma_start3A_75 : memref<80x128xf32, #tpu.memory_space<hbm>>) target_semaphore(%run_scoped3A : memref<!tpu.dma_semaphore, #tpu.memory_space<semaphore_mem>>)
      %dma_wait3A = arith.constant 0 : i32
      %dma_wait3A_76 = tpu.memref_slice %arg7[%arg0, %add3A_70, %dma_wait3A] : memref<2x10240x128xf32, #tpu.memory_space<hbm>> -> memref<1x80x128xf32, #tpu.memory_space<hbm>>
      %dma_wait3A_77 = tpu.memref_squeeze %dma_wait3A_76 : memref<1x80x128xf32, #tpu.memory_space<hbm>> -> memref<80x128xf32, #tpu.memory_space<hbm>>
      %dma_wait3A_78 = arith.constant 0 : i32
      %dma_wait3A_79 = tpu.memref_slice %arg7[%arg0, %add3A_70, %dma_wait3A_78] : memref<2x10240x128xf32, #tpu.memory_space<hbm>> -> memref<1x80x128xf32, #tpu.memory_space<hbm>>
      %dma_wait3A_80 = tpu.memref_squeeze %dma_wait3A_79 : memref<1x80x128xf32, #tpu.memory_space<hbm>> -> memref<80x128xf32, #tpu.memory_space<hbm>>
      tpu.wait_dma2 semaphore(%run_scoped3A : memref<!tpu.dma_semaphore, #tpu.memory_space<semaphore_mem>>) src(%arg10 : memref<80x128xf32, #tpu.memory_space<vmem>>) dst(%dma_wait3A_80 : memref<80x128xf32, #tpu.memory_space<hbm>>)
      tpu.yield
    }) : () -> ()
    return
  }
}

#map = affine_map<(d0, d1) -> (0, 0, 0)>
#map1 = affine_map<(d0, d1) -> (0, 0)>
module attributes {stable_mosaic.version = 14 : i64} {
  func.func @hist_kernel(%arg0: i32, %arg1: i32, %arg2: memref<32x125x80xi32, #tpu.memory_space<hbm>>, %arg3: memref<10240x128xf32, #tpu.memory_space<hbm>>, %arg4: memref<2x10240x128xf32, #tpu.memory_space<hbm>>, %arg5: memref<10240x128xf32, #tpu.memory_space<vmem_shared>>, %arg6: memref<125x80xi32, #tpu.memory_space<vmem>>, %arg7: memref<80x128xf32, #tpu.memory_space<vmem>>) attributes {dimension_semantics = [#tpu.dimension_semantics<core_parallel>, #tpu.dimension_semantics<subcore_parallel>], iteration_bounds = array<i64: 2, 16>, scalar_prefetch = 0 : i64, scratch_operands = 3 : i64, tpu.core_type = #tpu.core_type<sc_vector_subcore>, window_params = [{transform_indices = #map}, {transform_indices = #map1}, {transform_indices = #map}]} {
    %mul3A = arith.constant 16 : i32
    %mul3A_0 = arith.muli %arg0, %mul3A : i32
    %add3A = arith.addi %mul3A_0, %arg1 : i32
    "tpu.region"() ({
      %run_scoped3A = tpu.sem_alloc : memref<!tpu.dma_semaphore, #tpu.memory_space<semaphore_mem>>
      %dma_start3A = arith.constant 0 : i32
      %dma_start3A_79 = arith.constant 0 : i32
      %dma_start3A_80 = tpu.memref_slice %arg3[%dma_start3A, %dma_start3A_79] : memref<10240x128xf32, #tpu.memory_space<hbm>> -> memref<80x128xf32, #tpu.memory_space<hbm>>
      %dma_start3A_81 = arith.constant 0 : i32
      %dma_start3A_82 = arith.constant 0 : i32
      %dma_start3A_83 = tpu.memref_slice %arg3[%dma_start3A_81, %dma_start3A_82] : memref<10240x128xf32, #tpu.memory_space<hbm>> -> memref<80x128xf32, #tpu.memory_space<hbm>>
      tpu.enqueue_dma source(%dma_start3A_83 : memref<80x128xf32, #tpu.memory_space<hbm>>) target(%arg7 : memref<80x128xf32, #tpu.memory_space<vmem>>) target_semaphore(%run_scoped3A : memref<!tpu.dma_semaphore, #tpu.memory_space<semaphore_mem>>)
      %dma_wait3A = arith.constant 0 : i32
      %dma_wait3A_84 = arith.constant 0 : i32
      %dma_wait3A_85 = tpu.memref_slice %arg3[%dma_wait3A, %dma_wait3A_84] : memref<10240x128xf32, #tpu.memory_space<hbm>> -> memref<80x128xf32, #tpu.memory_space<hbm>>
      %dma_wait3A_86 = arith.constant 0 : i32
      %dma_wait3A_87 = arith.constant 0 : i32
      %dma_wait3A_88 = tpu.memref_slice %arg3[%dma_wait3A_86, %dma_wait3A_87] : memref<10240x128xf32, #tpu.memory_space<hbm>> -> memref<80x128xf32, #tpu.memory_space<hbm>>
      tpu.wait_dma2 semaphore(%run_scoped3A : memref<!tpu.dma_semaphore, #tpu.memory_space<semaphore_mem>>) src(%dma_wait3A_88 : memref<80x128xf32, #tpu.memory_space<hbm>>) dst(%arg7 : memref<80x128xf32, #tpu.memory_space<vmem>>)
      tpu.yield
    }) : () -> ()
    %mul3A_1 = arith.constant 640 : i32
    %mul3A_2 = arith.muli %arg1, %mul3A_1 : i32
    %add3A_3 = arith.constant 0 : i32
    %add3A_4 = arith.addi %mul3A_2, %add3A_3 : i32
    "tpu.region"() ({
      %run_scoped3A = tpu.sem_alloc : memref<!tpu.dma_semaphore, #tpu.memory_space<semaphore_mem>>
      %dma_start3A = arith.constant 0 : i32
      %dma_start3A_79 = tpu.memref_slice %arg5[%add3A_4, %dma_start3A] : memref<10240x128xf32, #tpu.memory_space<vmem_shared>> -> memref<80x128xf32, #tpu.memory_space<vmem_shared>>
      %dma_start3A_80 = arith.constant 0 : i32
      %dma_start3A_81 = tpu.memref_slice %arg5[%add3A_4, %dma_start3A_80] : memref<10240x128xf32, #tpu.memory_space<vmem_shared>> -> memref<80x128xf32, #tpu.memory_space<vmem_shared>>
      tpu.enqueue_dma source(%arg7 : memref<80x128xf32, #tpu.memory_space<vmem>>) target(%dma_start3A_81 : memref<80x128xf32, #tpu.memory_space<vmem_shared>>) target_semaphore(%run_scoped3A : memref<!tpu.dma_semaphore, #tpu.memory_space<semaphore_mem>>)
      %dma_wait3A = arith.constant 0 : i32
      %dma_wait3A_82 = tpu.memref_slice %arg5[%add3A_4, %dma_wait3A] : memref<10240x128xf32, #tpu.memory_space<vmem_shared>> -> memref<80x128xf32, #tpu.memory_space<vmem_shared>>
      %dma_wait3A_83 = arith.constant 0 : i32
      %dma_wait3A_84 = tpu.memref_slice %arg5[%add3A_4, %dma_wait3A_83] : memref<10240x128xf32, #tpu.memory_space<vmem_shared>> -> memref<80x128xf32, #tpu.memory_space<vmem_shared>>
      tpu.wait_dma2 semaphore(%run_scoped3A : memref<!tpu.dma_semaphore, #tpu.memory_space<semaphore_mem>>) src(%arg7 : memref<80x128xf32, #tpu.memory_space<vmem>>) dst(%dma_wait3A_84 : memref<80x128xf32, #tpu.memory_space<vmem_shared>>)
      tpu.yield
    }) : () -> ()
    %mul3A_5 = arith.constant 640 : i32
    %mul3A_6 = arith.muli %arg1, %mul3A_5 : i32
    %add3A_7 = arith.constant 80 : i32
    %add3A_8 = arith.addi %mul3A_6, %add3A_7 : i32
    "tpu.region"() ({
      %run_scoped3A = tpu.sem_alloc : memref<!tpu.dma_semaphore, #tpu.memory_space<semaphore_mem>>
      %dma_start3A = arith.constant 0 : i32
      %dma_start3A_79 = tpu.memref_slice %arg5[%add3A_8, %dma_start3A] : memref<10240x128xf32, #tpu.memory_space<vmem_shared>> -> memref<80x128xf32, #tpu.memory_space<vmem_shared>>
      %dma_start3A_80 = arith.constant 0 : i32
      %dma_start3A_81 = tpu.memref_slice %arg5[%add3A_8, %dma_start3A_80] : memref<10240x128xf32, #tpu.memory_space<vmem_shared>> -> memref<80x128xf32, #tpu.memory_space<vmem_shared>>
      tpu.enqueue_dma source(%arg7 : memref<80x128xf32, #tpu.memory_space<vmem>>) target(%dma_start3A_81 : memref<80x128xf32, #tpu.memory_space<vmem_shared>>) target_semaphore(%run_scoped3A : memref<!tpu.dma_semaphore, #tpu.memory_space<semaphore_mem>>)
      %dma_wait3A = arith.constant 0 : i32
      %dma_wait3A_82 = tpu.memref_slice %arg5[%add3A_8, %dma_wait3A] : memref<10240x128xf32, #tpu.memory_space<vmem_shared>> -> memref<80x128xf32, #tpu.memory_space<vmem_shared>>
      %dma_wait3A_83 = arith.constant 0 : i32
      %dma_wait3A_84 = tpu.memref_slice %arg5[%add3A_8, %dma_wait3A_83] : memref<10240x128xf32, #tpu.memory_space<vmem_shared>> -> memref<80x128xf32, #tpu.memory_space<vmem_shared>>
      tpu.wait_dma2 semaphore(%run_scoped3A : memref<!tpu.dma_semaphore, #tpu.memory_space<semaphore_mem>>) src(%arg7 : memref<80x128xf32, #tpu.memory_space<vmem>>) dst(%dma_wait3A_84 : memref<80x128xf32, #tpu.memory_space<vmem_shared>>)
      tpu.yield
    }) : () -> ()
    %mul3A_9 = arith.constant 640 : i32
    %mul3A_10 = arith.muli %arg1, %mul3A_9 : i32
    %add3A_11 = arith.constant 160 : i32
    %add3A_12 = arith.addi %mul3A_10, %add3A_11 : i32
    "tpu.region"() ({
      %run_scoped3A = tpu.sem_alloc : memref<!tpu.dma_semaphore, #tpu.memory_space<semaphore_mem>>
      %dma_start3A = arith.constant 0 : i32
      %dma_start3A_79 = tpu.memref_slice %arg5[%add3A_12, %dma_start3A] : memref<10240x128xf32, #tpu.memory_space<vmem_shared>> -> memref<80x128xf32, #tpu.memory_space<vmem_shared>>
      %dma_start3A_80 = arith.constant 0 : i32
      %dma_start3A_81 = tpu.memref_slice %arg5[%add3A_12, %dma_start3A_80] : memref<10240x128xf32, #tpu.memory_space<vmem_shared>> -> memref<80x128xf32, #tpu.memory_space<vmem_shared>>
      tpu.enqueue_dma source(%arg7 : memref<80x128xf32, #tpu.memory_space<vmem>>) target(%dma_start3A_81 : memref<80x128xf32, #tpu.memory_space<vmem_shared>>) target_semaphore(%run_scoped3A : memref<!tpu.dma_semaphore, #tpu.memory_space<semaphore_mem>>)
      %dma_wait3A = arith.constant 0 : i32
      %dma_wait3A_82 = tpu.memref_slice %arg5[%add3A_12, %dma_wait3A] : memref<10240x128xf32, #tpu.memory_space<vmem_shared>> -> memref<80x128xf32, #tpu.memory_space<vmem_shared>>
      %dma_wait3A_83 = arith.constant 0 : i32
      %dma_wait3A_84 = tpu.memref_slice %arg5[%add3A_12, %dma_wait3A_83] : memref<10240x128xf32, #tpu.memory_space<vmem_shared>> -> memref<80x128xf32, #tpu.memory_space<vmem_shared>>
      tpu.wait_dma2 semaphore(%run_scoped3A : memref<!tpu.dma_semaphore, #tpu.memory_space<semaphore_mem>>) src(%arg7 : memref<80x128xf32, #tpu.memory_space<vmem>>) dst(%dma_wait3A_84 : memref<80x128xf32, #tpu.memory_space<vmem_shared>>)
      tpu.yield
    }) : () -> ()
    %mul3A_13 = arith.constant 640 : i32
    %mul3A_14 = arith.muli %arg1, %mul3A_13 : i32
    %add3A_15 = arith.constant 240 : i32
    %add3A_16 = arith.addi %mul3A_14, %add3A_15 : i32
    "tpu.region"() ({
      %run_scoped3A = tpu.sem_alloc : memref<!tpu.dma_semaphore, #tpu.memory_space<semaphore_mem>>
      %dma_start3A = arith.constant 0 : i32
      %dma_start3A_79 = tpu.memref_slice %arg5[%add3A_16, %dma_start3A] : memref<10240x128xf32, #tpu.memory_space<vmem_shared>> -> memref<80x128xf32, #tpu.memory_space<vmem_shared>>
      %dma_start3A_80 = arith.constant 0 : i32
      %dma_start3A_81 = tpu.memref_slice %arg5[%add3A_16, %dma_start3A_80] : memref<10240x128xf32, #tpu.memory_space<vmem_shared>> -> memref<80x128xf32, #tpu.memory_space<vmem_shared>>
      tpu.enqueue_dma source(%arg7 : memref<80x128xf32, #tpu.memory_space<vmem>>) target(%dma_start3A_81 : memref<80x128xf32, #tpu.memory_space<vmem_shared>>) target_semaphore(%run_scoped3A : memref<!tpu.dma_semaphore, #tpu.memory_space<semaphore_mem>>)
      %dma_wait3A = arith.constant 0 : i32
      %dma_wait3A_82 = tpu.memref_slice %arg5[%add3A_16, %dma_wait3A] : memref<10240x128xf32, #tpu.memory_space<vmem_shared>> -> memref<80x128xf32, #tpu.memory_space<vmem_shared>>
      %dma_wait3A_83 = arith.constant 0 : i32
      %dma_wait3A_84 = tpu.memref_slice %arg5[%add3A_16, %dma_wait3A_83] : memref<10240x128xf32, #tpu.memory_space<vmem_shared>> -> memref<80x128xf32, #tpu.memory_space<vmem_shared>>
      tpu.wait_dma2 semaphore(%run_scoped3A : memref<!tpu.dma_semaphore, #tpu.memory_space<semaphore_mem>>) src(%arg7 : memref<80x128xf32, #tpu.memory_space<vmem>>) dst(%dma_wait3A_84 : memref<80x128xf32, #tpu.memory_space<vmem_shared>>)
      tpu.yield
    }) : () -> ()
    %mul3A_17 = arith.constant 640 : i32
    %mul3A_18 = arith.muli %arg1, %mul3A_17 : i32
    %add3A_19 = arith.constant 320 : i32
    %add3A_20 = arith.addi %mul3A_18, %add3A_19 : i32
    "tpu.region"() ({
      %run_scoped3A = tpu.sem_alloc : memref<!tpu.dma_semaphore, #tpu.memory_space<semaphore_mem>>
      %dma_start3A = arith.constant 0 : i32
      %dma_start3A_79 = tpu.memref_slice %arg5[%add3A_20, %dma_start3A] : memref<10240x128xf32, #tpu.memory_space<vmem_shared>> -> memref<80x128xf32, #tpu.memory_space<vmem_shared>>
      %dma_start3A_80 = arith.constant 0 : i32
      %dma_start3A_81 = tpu.memref_slice %arg5[%add3A_20, %dma_start3A_80] : memref<10240x128xf32, #tpu.memory_space<vmem_shared>> -> memref<80x128xf32, #tpu.memory_space<vmem_shared>>
      tpu.enqueue_dma source(%arg7 : memref<80x128xf32, #tpu.memory_space<vmem>>) target(%dma_start3A_81 : memref<80x128xf32, #tpu.memory_space<vmem_shared>>) target_semaphore(%run_scoped3A : memref<!tpu.dma_semaphore, #tpu.memory_space<semaphore_mem>>)
      %dma_wait3A = arith.constant 0 : i32
      %dma_wait3A_82 = tpu.memref_slice %arg5[%add3A_20, %dma_wait3A] : memref<10240x128xf32, #tpu.memory_space<vmem_shared>> -> memref<80x128xf32, #tpu.memory_space<vmem_shared>>
      %dma_wait3A_83 = arith.constant 0 : i32
      %dma_wait3A_84 = tpu.memref_slice %arg5[%add3A_20, %dma_wait3A_83] : memref<10240x128xf32, #tpu.memory_space<vmem_shared>> -> memref<80x128xf32, #tpu.memory_space<vmem_shared>>
      tpu.wait_dma2 semaphore(%run_scoped3A : memref<!tpu.dma_semaphore, #tpu.memory_space<semaphore_mem>>) src(%arg7 : memref<80x128xf32, #tpu.memory_space<vmem>>) dst(%dma_wait3A_84 : memref<80x128xf32, #tpu.memory_space<vmem_shared>>)
      tpu.yield
    }) : () -> ()
    %mul3A_21 = arith.constant 640 : i32
    %mul3A_22 = arith.muli %arg1, %mul3A_21 : i32
    %add3A_23 = arith.constant 400 : i32
    %add3A_24 = arith.addi %mul3A_22, %add3A_23 : i32
    "tpu.region"() ({
      %run_scoped3A = tpu.sem_alloc : memref<!tpu.dma_semaphore, #tpu.memory_space<semaphore_mem>>
      %dma_start3A = arith.constant 0 : i32
      %dma_start3A_79 = tpu.memref_slice %arg5[%add3A_24, %dma_start3A] : memref<10240x128xf32, #tpu.memory_space<vmem_shared>> -> memref<80x128xf32, #tpu.memory_space<vmem_shared>>
      %dma_start3A_80 = arith.constant 0 : i32
      %dma_start3A_81 = tpu.memref_slice %arg5[%add3A_24, %dma_start3A_80] : memref<10240x128xf32, #tpu.memory_space<vmem_shared>> -> memref<80x128xf32, #tpu.memory_space<vmem_shared>>
      tpu.enqueue_dma source(%arg7 : memref<80x128xf32, #tpu.memory_space<vmem>>) target(%dma_start3A_81 : memref<80x128xf32, #tpu.memory_space<vmem_shared>>) target_semaphore(%run_scoped3A : memref<!tpu.dma_semaphore, #tpu.memory_space<semaphore_mem>>)
      %dma_wait3A = arith.constant 0 : i32
      %dma_wait3A_82 = tpu.memref_slice %arg5[%add3A_24, %dma_wait3A] : memref<10240x128xf32, #tpu.memory_space<vmem_shared>> -> memref<80x128xf32, #tpu.memory_space<vmem_shared>>
      %dma_wait3A_83 = arith.constant 0 : i32
      %dma_wait3A_84 = tpu.memref_slice %arg5[%add3A_24, %dma_wait3A_83] : memref<10240x128xf32, #tpu.memory_space<vmem_shared>> -> memref<80x128xf32, #tpu.memory_space<vmem_shared>>
      tpu.wait_dma2 semaphore(%run_scoped3A : memref<!tpu.dma_semaphore, #tpu.memory_space<semaphore_mem>>) src(%arg7 : memref<80x128xf32, #tpu.memory_space<vmem>>) dst(%dma_wait3A_84 : memref<80x128xf32, #tpu.memory_space<vmem_shared>>)
      tpu.yield
    }) : () -> ()
    %mul3A_25 = arith.constant 640 : i32
    %mul3A_26 = arith.muli %arg1, %mul3A_25 : i32
    %add3A_27 = arith.constant 480 : i32
    %add3A_28 = arith.addi %mul3A_26, %add3A_27 : i32
    "tpu.region"() ({
      %run_scoped3A = tpu.sem_alloc : memref<!tpu.dma_semaphore, #tpu.memory_space<semaphore_mem>>
      %dma_start3A = arith.constant 0 : i32
      %dma_start3A_79 = tpu.memref_slice %arg5[%add3A_28, %dma_start3A] : memref<10240x128xf32, #tpu.memory_space<vmem_shared>> -> memref<80x128xf32, #tpu.memory_space<vmem_shared>>
      %dma_start3A_80 = arith.constant 0 : i32
      %dma_start3A_81 = tpu.memref_slice %arg5[%add3A_28, %dma_start3A_80] : memref<10240x128xf32, #tpu.memory_space<vmem_shared>> -> memref<80x128xf32, #tpu.memory_space<vmem_shared>>
      tpu.enqueue_dma source(%arg7 : memref<80x128xf32, #tpu.memory_space<vmem>>) target(%dma_start3A_81 : memref<80x128xf32, #tpu.memory_space<vmem_shared>>) target_semaphore(%run_scoped3A : memref<!tpu.dma_semaphore, #tpu.memory_space<semaphore_mem>>)
      %dma_wait3A = arith.constant 0 : i32
      %dma_wait3A_82 = tpu.memref_slice %arg5[%add3A_28, %dma_wait3A] : memref<10240x128xf32, #tpu.memory_space<vmem_shared>> -> memref<80x128xf32, #tpu.memory_space<vmem_shared>>
      %dma_wait3A_83 = arith.constant 0 : i32
      %dma_wait3A_84 = tpu.memref_slice %arg5[%add3A_28, %dma_wait3A_83] : memref<10240x128xf32, #tpu.memory_space<vmem_shared>> -> memref<80x128xf32, #tpu.memory_space<vmem_shared>>
      tpu.wait_dma2 semaphore(%run_scoped3A : memref<!tpu.dma_semaphore, #tpu.memory_space<semaphore_mem>>) src(%arg7 : memref<80x128xf32, #tpu.memory_space<vmem>>) dst(%dma_wait3A_84 : memref<80x128xf32, #tpu.memory_space<vmem_shared>>)
      tpu.yield
    }) : () -> ()
    %mul3A_29 = arith.constant 640 : i32
    %mul3A_30 = arith.muli %arg1, %mul3A_29 : i32
    %add3A_31 = arith.constant 560 : i32
    %add3A_32 = arith.addi %mul3A_30, %add3A_31 : i32
    "tpu.region"() ({
      %run_scoped3A = tpu.sem_alloc : memref<!tpu.dma_semaphore, #tpu.memory_space<semaphore_mem>>
      %dma_start3A = arith.constant 0 : i32
      %dma_start3A_79 = tpu.memref_slice %arg5[%add3A_32, %dma_start3A] : memref<10240x128xf32, #tpu.memory_space<vmem_shared>> -> memref<80x128xf32, #tpu.memory_space<vmem_shared>>
      %dma_start3A_80 = arith.constant 0 : i32
      %dma_start3A_81 = tpu.memref_slice %arg5[%add3A_32, %dma_start3A_80] : memref<10240x128xf32, #tpu.memory_space<vmem_shared>> -> memref<80x128xf32, #tpu.memory_space<vmem_shared>>
      tpu.enqueue_dma source(%arg7 : memref<80x128xf32, #tpu.memory_space<vmem>>) target(%dma_start3A_81 : memref<80x128xf32, #tpu.memory_space<vmem_shared>>) target_semaphore(%run_scoped3A : memref<!tpu.dma_semaphore, #tpu.memory_space<semaphore_mem>>)
      %dma_wait3A = arith.constant 0 : i32
      %dma_wait3A_82 = tpu.memref_slice %arg5[%add3A_32, %dma_wait3A] : memref<10240x128xf32, #tpu.memory_space<vmem_shared>> -> memref<80x128xf32, #tpu.memory_space<vmem_shared>>
      %dma_wait3A_83 = arith.constant 0 : i32
      %dma_wait3A_84 = tpu.memref_slice %arg5[%add3A_32, %dma_wait3A_83] : memref<10240x128xf32, #tpu.memory_space<vmem_shared>> -> memref<80x128xf32, #tpu.memory_space<vmem_shared>>
      tpu.wait_dma2 semaphore(%run_scoped3A : memref<!tpu.dma_semaphore, #tpu.memory_space<semaphore_mem>>) src(%arg7 : memref<80x128xf32, #tpu.memory_space<vmem>>) dst(%dma_wait3A_84 : memref<80x128xf32, #tpu.memory_space<vmem_shared>>)
      tpu.yield
    }) : () -> ()
    %scan3A = arith.constant 0 : i32
    %scan3A_33 = arith.constant 0 : i32
    %scan3A_34 = arith.constant 640 : i32
    %scan3A_35 = arith.addi %scan3A_33, %scan3A_34 : i32
    %scan3A_36 = arith.constant 1 : i32
    %scan3A_37 = scf.for %scan3A_79 = %scan3A_33 to %scan3A_35 step %scan3A_36 iter_args(%scan3A_80 = %scan3A) -> (i32)  : i32 {
      %broadcast_in_dim3A = arith.constant 1.000000e+00 : f32
      %broadcast_in_dim3A_81 = vector.broadcast %broadcast_in_dim3A : f32 to vector<16xf32>
      %jit3A = arith.constant 8 : i32
      %div3A = arith.divsi %scan3A_79, %jit3A : i32
      %sign3A = arith.constant 0 : i32
      %sign3A_82 = arith.cmpi sgt, %scan3A_79, %sign3A : i32
      %sign3A_83 = arith.extui %sign3A_82 : i1 to i32
      %sign3A_84 = arith.constant 0 : i32
      %sign3A_85 = arith.cmpi slt, %scan3A_79, %sign3A_84 : i32
      %sign3A_86 = arith.extui %sign3A_85 : i1 to i32
      %sign3A_87 = arith.subi %sign3A_83, %sign3A_86 : i32
      %sign3A_88 = arith.constant 0 : i32
      %sign3A_89 = arith.cmpi sgt, %jit3A, %sign3A_88 : i32
      %sign3A_90 = arith.extui %sign3A_89 : i1 to i32
      %sign3A_91 = arith.constant 0 : i32
      %sign3A_92 = arith.cmpi slt, %jit3A, %sign3A_91 : i32
      %sign3A_93 = arith.extui %sign3A_92 : i1 to i32
      %sign3A_94 = arith.subi %sign3A_90, %sign3A_93 : i32
      %ne3A = arith.cmpi ne, %sign3A_87, %sign3A_94 : i32
      %rem3A = arith.remsi %scan3A_79, %jit3A : i32
      %ne3A_95 = arith.constant 0 : i32
      %ne3A_96 = arith.cmpi ne, %rem3A, %ne3A_95 : i32
      %and3A = arith.andi %ne3A, %ne3A_96 : i1
      %sub3A = arith.constant 1 : i32
      %sub3A_97 = arith.subi %div3A, %sub3A : i32
      %select_n3A = arith.select %and3A, %sub3A_97, %div3A : i32
      %jit3A_98 = arith.constant 8 : i32
      %eq3A = arith.constant 0 : i32
      %eq3A_99 = arith.cmpi eq, %jit3A_98, %eq3A : i32
      %jit3A_100 = arith.constant 1 : i32
      %select_n3A_101 = arith.select %eq3A_99, %jit3A_100, %jit3A_98 : i32
      %rem3A_102 = arith.remsi %scan3A_79, %select_n3A_101 : i32
      %ne3A_103 = arith.constant 0 : i32
      %ne3A_104 = arith.cmpi ne, %rem3A_102, %ne3A_103 : i32
      %lt3A = arith.constant 0 : i32
      %lt3A_105 = arith.cmpi slt, %rem3A_102, %lt3A : i32
      %lt3A_106 = arith.constant 0 : i32
      %lt3A_107 = arith.cmpi slt, %select_n3A_101, %lt3A_106 : i32
      %ne3A_108 = arith.xori %lt3A_105, %lt3A_107 : i1
      %and3A_109 = arith.andi %ne3A_108, %ne3A_104 : i1
      %add3A_110 = arith.addi %rem3A_102, %select_n3A_101 : i32
      %select_n3A_111 = arith.select %and3A_109, %add3A_110, %rem3A_102 : i32
      %mul3A_112 = arith.constant 16 : i32
      %mul3A_113 = arith.muli %select_n3A_111, %mul3A_112 : i32
      %swap3A = arith.index_cast %select_n3A : i32 to index
      %swap3A_114 = arith.index_cast %mul3A_113 : i32 to index
      %swap3A_115 = tpu.vector_load %arg7[%swap3A, %swap3A_114] {strides = array<i32>} : memref<80x128xf32, #tpu.memory_space<vmem>>, vector<1x16xf32>,
      %swap3A_116 = vector.shape_cast %swap3A_115 : vector<1x16xf32> to vector<16xf32>
      %swap3A_117 = vector.shape_cast %broadcast_in_dim3A_81 : vector<16xf32> to vector<1x16xf32>
      tpu.vector_store %arg7[%swap3A, %swap3A_114], %swap3A_117 {strides = array<i32>} : memref<80x128xf32, #tpu.memory_space<vmem>>, vector<1x16xf32>,
      %scan3A_118 = arith.constant 0 : i32
      scf.yield %scan3A_118 : i32
    }
    %scan3A_38 = arith.constant 640 : i32
    %barrier3A = arith.constant 0 : index
    tpu.barrier barrier_id(%barrier3A)
    "tpu.region"() ({
      %run_scoped3A = tpu.sem_alloc : memref<!tpu.dma_semaphore, #tpu.memory_space<semaphore_mem>>
      %dma_start3A = arith.constant 0 : i32
      %dma_start3A_79 = arith.constant 0 : i32
      %dma_start3A_80 = tpu.memref_slice %arg2[%add3A, %dma_start3A, %dma_start3A_79] : memref<32x125x80xi32, #tpu.memory_space<hbm>> -> memref<1x125x80xi32, #tpu.memory_space<hbm>>
      %dma_start3A_81 = tpu.memref_squeeze %dma_start3A_80 : memref<1x125x80xi32, #tpu.memory_space<hbm>> -> memref<125x80xi32, #tpu.memory_space<hbm>>
      %dma_start3A_82 = arith.constant 0 : i32
      %dma_start3A_83 = arith.constant 0 : i32
      %dma_start3A_84 = tpu.memref_slice %arg2[%add3A, %dma_start3A_82, %dma_start3A_83] : memref<32x125x80xi32, #tpu.memory_space<hbm>> -> memref<1x125x80xi32, #tpu.memory_space<hbm>>
      %dma_start3A_85 = tpu.memref_squeeze %dma_start3A_84 : memref<1x125x80xi32, #tpu.memory_space<hbm>> -> memref<125x80xi32, #tpu.memory_space<hbm>>
      tpu.enqueue_dma source(%dma_start3A_85 : memref<125x80xi32, #tpu.memory_space<hbm>>) target(%arg6 : memref<125x80xi32, #tpu.memory_space<vmem>>) target_semaphore(%run_scoped3A : memref<!tpu.dma_semaphore, #tpu.memory_space<semaphore_mem>>)
      %dma_wait3A = arith.constant 0 : i32
      %dma_wait3A_86 = arith.constant 0 : i32
      %dma_wait3A_87 = tpu.memref_slice %arg2[%add3A, %dma_wait3A, %dma_wait3A_86] : memref<32x125x80xi32, #tpu.memory_space<hbm>> -> memref<1x125x80xi32, #tpu.memory_space<hbm>>
      %dma_wait3A_88 = tpu.memref_squeeze %dma_wait3A_87 : memref<1x125x80xi32, #tpu.memory_space<hbm>> -> memref<125x80xi32, #tpu.memory_space<hbm>>
      %dma_wait3A_89 = arith.constant 0 : i32
      %dma_wait3A_90 = arith.constant 0 : i32
      %dma_wait3A_91 = tpu.memref_slice %arg2[%add3A, %dma_wait3A_89, %dma_wait3A_90] : memref<32x125x80xi32, #tpu.memory_space<hbm>> -> memref<1x125x80xi32, #tpu.memory_space<hbm>>
      %dma_wait3A_92 = tpu.memref_squeeze %dma_wait3A_91 : memref<1x125x80xi32, #tpu.memory_space<hbm>> -> memref<125x80xi32, #tpu.memory_space<hbm>>
      tpu.wait_dma2 semaphore(%run_scoped3A : memref<!tpu.dma_semaphore, #tpu.memory_space<semaphore_mem>>) src(%dma_wait3A_92 : memref<125x80xi32, #tpu.memory_space<hbm>>) dst(%arg6 : memref<125x80xi32, #tpu.memory_space<vmem>>)
      tpu.yield
    }) : () -> ()
    %scan3A_39 = arith.constant 0 : i32
    %scan3A_40 = arith.constant 0 : i32
    %scan3A_41 = arith.constant 125 : i32
    %scan3A_42 = arith.addi %scan3A_40, %scan3A_41 : i32
    %scan3A_43 = arith.constant 1 : i32
    %scan3A_44 = scf.for %scan3A_79 = %scan3A_40 to %scan3A_42 step %scan3A_43 iter_args(%scan3A_80 = %scan3A_39) -> (i32)  : i32 {
      "tpu.region"() ({
        %run_scoped3A = tpu.sem_alloc : memref<!tpu.dma_semaphore, #tpu.memory_space<semaphore_mem>>
        %dma_start3A = arith.constant 0 : i32
        %dma_start3A_82 = tpu.memref_slice %arg6[%scan3A_79, %dma_start3A] : memref<125x80xi32, #tpu.memory_space<vmem>> -> memref<1x80xi32, #tpu.memory_space<vmem>>
        %dma_start3A_83 = tpu.memref_squeeze %dma_start3A_82 : memref<1x80xi32, #tpu.memory_space<vmem>> -> memref<80xi32, #tpu.memory_space<vmem>>
        %dma_start3A_84 = arith.constant 0 : i32
        %dma_start3A_85 = arith.constant 0 : i32
        %dma_start3A_86 = tpu.memref_slice %arg5[%dma_start3A_84, %dma_start3A_85] : memref<10240x128xf32, #tpu.memory_space<vmem_shared>> -> memref<10240x128xf32, #tpu.memory_space<vmem_shared>>
        tpu.enqueue_indirect_dma source(%arg7 : memref<80x128xf32, #tpu.memory_space<vmem>>) target(%dma_start3A_86 : memref<10240x128xf32, #tpu.memory_space<vmem_shared>>) offsets(%dma_start3A_83 : memref<80xi32, #tpu.memory_space<vmem>>) semaphore(%run_scoped3A : memref<!tpu.dma_semaphore, #tpu.memory_space<semaphore_mem>>) {add = true}
        %dma_wait3A = arith.constant 0 : i32
        %dma_wait3A_87 = tpu.memref_slice %arg6[%scan3A_79, %dma_wait3A] : memref<125x80xi32, #tpu.memory_space<vmem>> -> memref<1x80xi32, #tpu.memory_space<vmem>>
        %dma_wait3A_88 = tpu.memref_squeeze %dma_wait3A_87 : memref<1x80xi32, #tpu.memory_space<vmem>> -> memref<80xi32, #tpu.memory_space<vmem>>
        %dma_wait3A_89 = arith.constant 0 : i32
        %dma_wait3A_90 = arith.constant 0 : i32
        %dma_wait3A_91 = tpu.memref_slice %arg5[%dma_wait3A_89, %dma_wait3A_90] : memref<10240x128xf32, #tpu.memory_space<vmem_shared>> -> memref<10240x128xf32, #tpu.memory_space<vmem_shared>>
        tpu.wait_indirect_dma semaphore(%run_scoped3A : memref<!tpu.dma_semaphore, #tpu.memory_space<semaphore_mem>>) src(%arg7 : memref<80x128xf32, #tpu.memory_space<vmem>>) dst(%dma_wait3A_91 : memref<10240x128xf32, #tpu.memory_space<vmem_shared>>)
        tpu.yield
      }) : () -> ()
      %scan3A_81 = arith.constant 0 : i32
      scf.yield %scan3A_81 : i32
    }
    %scan3A_45 = arith.constant 125 : i32
    %barrier3A_46 = arith.constant 0 : index
    tpu.barrier barrier_id(%barrier3A_46)
    %mul3A_47 = arith.constant 640 : i32
    %mul3A_48 = arith.muli %arg1, %mul3A_47 : i32
    %add3A_49 = arith.constant 0 : i32
    %add3A_50 = arith.addi %mul3A_48, %add3A_49 : i32
    "tpu.region"() ({
      %run_scoped3A = tpu.sem_alloc : memref<!tpu.dma_semaphore, #tpu.memory_space<semaphore_mem>>
      %dma_start3A = arith.constant 0 : i32
      %dma_start3A_79 = tpu.memref_slice %arg5[%add3A_50, %dma_start3A] : memref<10240x128xf32, #tpu.memory_space<vmem_shared>> -> memref<80x128xf32, #tpu.memory_space<vmem_shared>>
      %dma_start3A_80 = arith.constant 0 : i32
      %dma_start3A_81 = tpu.memref_slice %arg5[%add3A_50, %dma_start3A_80] : memref<10240x128xf32, #tpu.memory_space<vmem_shared>> -> memref<80x128xf32, #tpu.memory_space<vmem_shared>>
      tpu.enqueue_dma source(%dma_start3A_81 : memref<80x128xf32, #tpu.memory_space<vmem_shared>>) target(%arg7 : memref<80x128xf32, #tpu.memory_space<vmem>>) target_semaphore(%run_scoped3A : memref<!tpu.dma_semaphore, #tpu.memory_space<semaphore_mem>>)
      %dma_wait3A = arith.constant 0 : i32
      %dma_wait3A_82 = tpu.memref_slice %arg5[%add3A_50, %dma_wait3A] : memref<10240x128xf32, #tpu.memory_space<vmem_shared>> -> memref<80x128xf32, #tpu.memory_space<vmem_shared>>
      %dma_wait3A_83 = arith.constant 0 : i32
      %dma_wait3A_84 = tpu.memref_slice %arg5[%add3A_50, %dma_wait3A_83] : memref<10240x128xf32, #tpu.memory_space<vmem_shared>> -> memref<80x128xf32, #tpu.memory_space<vmem_shared>>
      tpu.wait_dma2 semaphore(%run_scoped3A : memref<!tpu.dma_semaphore, #tpu.memory_space<semaphore_mem>>) src(%dma_wait3A_84 : memref<80x128xf32, #tpu.memory_space<vmem_shared>>) dst(%arg7 : memref<80x128xf32, #tpu.memory_space<vmem>>)
      tpu.yield
    }) : () -> ()
    "tpu.region"() ({
      %run_scoped3A = tpu.sem_alloc : memref<!tpu.dma_semaphore, #tpu.memory_space<semaphore_mem>>
      %dma_start3A = arith.constant 0 : i32
      %dma_start3A_79 = tpu.memref_slice %arg4[%arg0, %add3A_50, %dma_start3A] : memref<2x10240x128xf32, #tpu.memory_space<hbm>> -> memref<1x80x128xf32, #tpu.memory_space<hbm>>
      %dma_start3A_80 = tpu.memref_squeeze %dma_start3A_79 : memref<1x80x128xf32, #tpu.memory_space<hbm>> -> memref<80x128xf32, #tpu.memory_space<hbm>>
      %dma_start3A_81 = arith.constant 0 : i32
      %dma_start3A_82 = tpu.memref_slice %arg4[%arg0, %add3A_50, %dma_start3A_81] : memref<2x10240x128xf32, #tpu.memory_space<hbm>> -> memref<1x80x128xf32, #tpu.memory_space<hbm>>
      %dma_start3A_83 = tpu.memref_squeeze %dma_start3A_82 : memref<1x80x128xf32, #tpu.memory_space<hbm>> -> memref<80x128xf32, #tpu.memory_space<hbm>>
      tpu.enqueue_dma source(%arg7 : memref<80x128xf32, #tpu.memory_space<vmem>>) target(%dma_start3A_83 : memref<80x128xf32, #tpu.memory_space<hbm>>) target_semaphore(%run_scoped3A : memref<!tpu.dma_semaphore, #tpu.memory_space<semaphore_mem>>)
      %dma_wait3A = arith.constant 0 : i32
      %dma_wait3A_84 = tpu.memref_slice %arg4[%arg0, %add3A_50, %dma_wait3A] : memref<2x10240x128xf32, #tpu.memory_space<hbm>> -> memref<1x80x128xf32, #tpu.memory_space<hbm>>
      %dma_wait3A_85 = tpu.memref_squeeze %dma_wait3A_84 : memref<1x80x128xf32, #tpu.memory_space<hbm>> -> memref<80x128xf32, #tpu.memory_space<hbm>>
      %dma_wait3A_86 = arith.constant 0 : i32
      %dma_wait3A_87 = tpu.memref_slice %arg4[%arg0, %add3A_50, %dma_wait3A_86] : memref<2x10240x128xf32, #tpu.memory_space<hbm>> -> memref<1x80x128xf32, #tpu.memory_space<hbm>>
      %dma_wait3A_88 = tpu.memref_squeeze %dma_wait3A_87 : memref<1x80x128xf32, #tpu.memory_space<hbm>> -> memref<80x128xf32, #tpu.memory_space<hbm>>
      tpu.wait_dma2 semaphore(%run_scoped3A : memref<!tpu.dma_semaphore, #tpu.memory_space<semaphore_mem>>) src(%arg7 : memref<80x128xf32, #tpu.memory_space<vmem>>) dst(%dma_wait3A_88 : memref<80x128xf32, #tpu.memory_space<hbm>>)
      tpu.yield
    }) : () -> ()
    %mul3A_51 = arith.constant 640 : i32
    %mul3A_52 = arith.muli %arg1, %mul3A_51 : i32
    %add3A_53 = arith.constant 80 : i32
    %add3A_54 = arith.addi %mul3A_52, %add3A_53 : i32
    "tpu.region"() ({
      %run_scoped3A = tpu.sem_alloc : memref<!tpu.dma_semaphore, #tpu.memory_space<semaphore_mem>>
      %dma_start3A = arith.constant 0 : i32
      %dma_start3A_79 = tpu.memref_slice %arg5[%add3A_54, %dma_start3A] : memref<10240x128xf32, #tpu.memory_space<vmem_shared>> -> memref<80x128xf32, #tpu.memory_space<vmem_shared>>
      %dma_start3A_80 = arith.constant 0 : i32
      %dma_start3A_81 = tpu.memref_slice %arg5[%add3A_54, %dma_start3A_80] : memref<10240x128xf32, #tpu.memory_space<vmem_shared>> -> memref<80x128xf32, #tpu.memory_space<vmem_shared>>
      tpu.enqueue_dma source(%dma_start3A_81 : memref<80x128xf32, #tpu.memory_space<vmem_shared>>) target(%arg7 : memref<80x128xf32, #tpu.memory_space<vmem>>) target_semaphore(%run_scoped3A : memref<!tpu.dma_semaphore, #tpu.memory_space<semaphore_mem>>)
      %dma_wait3A = arith.constant 0 : i32
      %dma_wait3A_82 = tpu.memref_slice %arg5[%add3A_54, %dma_wait3A] : memref<10240x128xf32, #tpu.memory_space<vmem_shared>> -> memref<80x128xf32, #tpu.memory_space<vmem_shared>>
      %dma_wait3A_83 = arith.constant 0 : i32
      %dma_wait3A_84 = tpu.memref_slice %arg5[%add3A_54, %dma_wait3A_83] : memref<10240x128xf32, #tpu.memory_space<vmem_shared>> -> memref<80x128xf32, #tpu.memory_space<vmem_shared>>
      tpu.wait_dma2 semaphore(%run_scoped3A : memref<!tpu.dma_semaphore, #tpu.memory_space<semaphore_mem>>) src(%dma_wait3A_84 : memref<80x128xf32, #tpu.memory_space<vmem_shared>>) dst(%arg7 : memref<80x128xf32, #tpu.memory_space<vmem>>)
      tpu.yield
    }) : () -> ()
    "tpu.region"() ({
      %run_scoped3A = tpu.sem_alloc : memref<!tpu.dma_semaphore, #tpu.memory_space<semaphore_mem>>
      %dma_start3A = arith.constant 0 : i32
      %dma_start3A_79 = tpu.memref_slice %arg4[%arg0, %add3A_54, %dma_start3A] : memref<2x10240x128xf32, #tpu.memory_space<hbm>> -> memref<1x80x128xf32, #tpu.memory_space<hbm>>
      %dma_start3A_80 = tpu.memref_squeeze %dma_start3A_79 : memref<1x80x128xf32, #tpu.memory_space<hbm>> -> memref<80x128xf32, #tpu.memory_space<hbm>>
      %dma_start3A_81 = arith.constant 0 : i32
      %dma_start3A_82 = tpu.memref_slice %arg4[%arg0, %add3A_54, %dma_start3A_81] : memref<2x10240x128xf32, #tpu.memory_space<hbm>> -> memref<1x80x128xf32, #tpu.memory_space<hbm>>
      %dma_start3A_83 = tpu.memref_squeeze %dma_start3A_82 : memref<1x80x128xf32, #tpu.memory_space<hbm>> -> memref<80x128xf32, #tpu.memory_space<hbm>>
      tpu.enqueue_dma source(%arg7 : memref<80x128xf32, #tpu.memory_space<vmem>>) target(%dma_start3A_83 : memref<80x128xf32, #tpu.memory_space<hbm>>) target_semaphore(%run_scoped3A : memref<!tpu.dma_semaphore, #tpu.memory_space<semaphore_mem>>)
      %dma_wait3A = arith.constant 0 : i32
      %dma_wait3A_84 = tpu.memref_slice %arg4[%arg0, %add3A_54, %dma_wait3A] : memref<2x10240x128xf32, #tpu.memory_space<hbm>> -> memref<1x80x128xf32, #tpu.memory_space<hbm>>
      %dma_wait3A_85 = tpu.memref_squeeze %dma_wait3A_84 : memref<1x80x128xf32, #tpu.memory_space<hbm>> -> memref<80x128xf32, #tpu.memory_space<hbm>>
      %dma_wait3A_86 = arith.constant 0 : i32
      %dma_wait3A_87 = tpu.memref_slice %arg4[%arg0, %add3A_54, %dma_wait3A_86] : memref<2x10240x128xf32, #tpu.memory_space<hbm>> -> memref<1x80x128xf32, #tpu.memory_space<hbm>>
      %dma_wait3A_88 = tpu.memref_squeeze %dma_wait3A_87 : memref<1x80x128xf32, #tpu.memory_space<hbm>> -> memref<80x128xf32, #tpu.memory_space<hbm>>
      tpu.wait_dma2 semaphore(%run_scoped3A : memref<!tpu.dma_semaphore, #tpu.memory_space<semaphore_mem>>) src(%arg7 : memref<80x128xf32, #tpu.memory_space<vmem>>) dst(%dma_wait3A_88 : memref<80x128xf32, #tpu.memory_space<hbm>>)
      tpu.yield
    }) : () -> ()
    %mul3A_55 = arith.constant 640 : i32
    %mul3A_56 = arith.muli %arg1, %mul3A_55 : i32
    %add3A_57 = arith.constant 160 : i32
    %add3A_58 = arith.addi %mul3A_56, %add3A_57 : i32
    "tpu.region"() ({
      %run_scoped3A = tpu.sem_alloc : memref<!tpu.dma_semaphore, #tpu.memory_space<semaphore_mem>>
      %dma_start3A = arith.constant 0 : i32
      %dma_start3A_79 = tpu.memref_slice %arg5[%add3A_58, %dma_start3A] : memref<10240x128xf32, #tpu.memory_space<vmem_shared>> -> memref<80x128xf32, #tpu.memory_space<vmem_shared>>
      %dma_start3A_80 = arith.constant 0 : i32
      %dma_start3A_81 = tpu.memref_slice %arg5[%add3A_58, %dma_start3A_80] : memref<10240x128xf32, #tpu.memory_space<vmem_shared>> -> memref<80x128xf32, #tpu.memory_space<vmem_shared>>
      tpu.enqueue_dma source(%dma_start3A_81 : memref<80x128xf32, #tpu.memory_space<vmem_shared>>) target(%arg7 : memref<80x128xf32, #tpu.memory_space<vmem>>) target_semaphore(%run_scoped3A : memref<!tpu.dma_semaphore, #tpu.memory_space<semaphore_mem>>)
      %dma_wait3A = arith.constant 0 : i32
      %dma_wait3A_82 = tpu.memref_slice %arg5[%add3A_58, %dma_wait3A] : memref<10240x128xf32, #tpu.memory_space<vmem_shared>> -> memref<80x128xf32, #tpu.memory_space<vmem_shared>>
      %dma_wait3A_83 = arith.constant 0 : i32
      %dma_wait3A_84 = tpu.memref_slice %arg5[%add3A_58, %dma_wait3A_83] : memref<10240x128xf32, #tpu.memory_space<vmem_shared>> -> memref<80x128xf32, #tpu.memory_space<vmem_shared>>
      tpu.wait_dma2 semaphore(%run_scoped3A : memref<!tpu.dma_semaphore, #tpu.memory_space<semaphore_mem>>) src(%dma_wait3A_84 : memref<80x128xf32, #tpu.memory_space<vmem_shared>>) dst(%arg7 : memref<80x128xf32, #tpu.memory_space<vmem>>)
      tpu.yield
    }) : () -> ()
    "tpu.region"() ({
      %run_scoped3A = tpu.sem_alloc : memref<!tpu.dma_semaphore, #tpu.memory_space<semaphore_mem>>
      %dma_start3A = arith.constant 0 : i32
      %dma_start3A_79 = tpu.memref_slice %arg4[%arg0, %add3A_58, %dma_start3A] : memref<2x10240x128xf32, #tpu.memory_space<hbm>> -> memref<1x80x128xf32, #tpu.memory_space<hbm>>
      %dma_start3A_80 = tpu.memref_squeeze %dma_start3A_79 : memref<1x80x128xf32, #tpu.memory_space<hbm>> -> memref<80x128xf32, #tpu.memory_space<hbm>>
      %dma_start3A_81 = arith.constant 0 : i32
      %dma_start3A_82 = tpu.memref_slice %arg4[%arg0, %add3A_58, %dma_start3A_81] : memref<2x10240x128xf32, #tpu.memory_space<hbm>> -> memref<1x80x128xf32, #tpu.memory_space<hbm>>
      %dma_start3A_83 = tpu.memref_squeeze %dma_start3A_82 : memref<1x80x128xf32, #tpu.memory_space<hbm>> -> memref<80x128xf32, #tpu.memory_space<hbm>>
      tpu.enqueue_dma source(%arg7 : memref<80x128xf32, #tpu.memory_space<vmem>>) target(%dma_start3A_83 : memref<80x128xf32, #tpu.memory_space<hbm>>) target_semaphore(%run_scoped3A : memref<!tpu.dma_semaphore, #tpu.memory_space<semaphore_mem>>)
      %dma_wait3A = arith.constant 0 : i32
      %dma_wait3A_84 = tpu.memref_slice %arg4[%arg0, %add3A_58, %dma_wait3A] : memref<2x10240x128xf32, #tpu.memory_space<hbm>> -> memref<1x80x128xf32, #tpu.memory_space<hbm>>
      %dma_wait3A_85 = tpu.memref_squeeze %dma_wait3A_84 : memref<1x80x128xf32, #tpu.memory_space<hbm>> -> memref<80x128xf32, #tpu.memory_space<hbm>>
      %dma_wait3A_86 = arith.constant 0 : i32
      %dma_wait3A_87 = tpu.memref_slice %arg4[%arg0, %add3A_58, %dma_wait3A_86] : memref<2x10240x128xf32, #tpu.memory_space<hbm>> -> memref<1x80x128xf32, #tpu.memory_space<hbm>>
      %dma_wait3A_88 = tpu.memref_squeeze %dma_wait3A_87 : memref<1x80x128xf32, #tpu.memory_space<hbm>> -> memref<80x128xf32, #tpu.memory_space<hbm>>
      tpu.wait_dma2 semaphore(%run_scoped3A : memref<!tpu.dma_semaphore, #tpu.memory_space<semaphore_mem>>) src(%arg7 : memref<80x128xf32, #tpu.memory_space<vmem>>) dst(%dma_wait3A_88 : memref<80x128xf32, #tpu.memory_space<hbm>>)
      tpu.yield
    }) : () -> ()
    %mul3A_59 = arith.constant 640 : i32
    %mul3A_60 = arith.muli %arg1, %mul3A_59 : i32
    %add3A_61 = arith.constant 240 : i32
    %add3A_62 = arith.addi %mul3A_60, %add3A_61 : i32
    "tpu.region"() ({
      %run_scoped3A = tpu.sem_alloc : memref<!tpu.dma_semaphore, #tpu.memory_space<semaphore_mem>>
      %dma_start3A = arith.constant 0 : i32
      %dma_start3A_79 = tpu.memref_slice %arg5[%add3A_62, %dma_start3A] : memref<10240x128xf32, #tpu.memory_space<vmem_shared>> -> memref<80x128xf32, #tpu.memory_space<vmem_shared>>
      %dma_start3A_80 = arith.constant 0 : i32
      %dma_start3A_81 = tpu.memref_slice %arg5[%add3A_62, %dma_start3A_80] : memref<10240x128xf32, #tpu.memory_space<vmem_shared>> -> memref<80x128xf32, #tpu.memory_space<vmem_shared>>
      tpu.enqueue_dma source(%dma_start3A_81 : memref<80x128xf32, #tpu.memory_space<vmem_shared>>) target(%arg7 : memref<80x128xf32, #tpu.memory_space<vmem>>) target_semaphore(%run_scoped3A : memref<!tpu.dma_semaphore, #tpu.memory_space<semaphore_mem>>)
      %dma_wait3A = arith.constant 0 : i32
      %dma_wait3A_82 = tpu.memref_slice %arg5[%add3A_62, %dma_wait3A] : memref<10240x128xf32, #tpu.memory_space<vmem_shared>> -> memref<80x128xf32, #tpu.memory_space<vmem_shared>>
      %dma_wait3A_83 = arith.constant 0 : i32
      %dma_wait3A_84 = tpu.memref_slice %arg5[%add3A_62, %dma_wait3A_83] : memref<10240x128xf32, #tpu.memory_space<vmem_shared>> -> memref<80x128xf32, #tpu.memory_space<vmem_shared>>
      tpu.wait_dma2 semaphore(%run_scoped3A : memref<!tpu.dma_semaphore, #tpu.memory_space<semaphore_mem>>) src(%dma_wait3A_84 : memref<80x128xf32, #tpu.memory_space<vmem_shared>>) dst(%arg7 : memref<80x128xf32, #tpu.memory_space<vmem>>)
      tpu.yield
    }) : () -> ()
    "tpu.region"() ({
      %run_scoped3A = tpu.sem_alloc : memref<!tpu.dma_semaphore, #tpu.memory_space<semaphore_mem>>
      %dma_start3A = arith.constant 0 : i32
      %dma_start3A_79 = tpu.memref_slice %arg4[%arg0, %add3A_62, %dma_start3A] : memref<2x10240x128xf32, #tpu.memory_space<hbm>> -> memref<1x80x128xf32, #tpu.memory_space<hbm>>
      %dma_start3A_80 = tpu.memref_squeeze %dma_start3A_79 : memref<1x80x128xf32, #tpu.memory_space<hbm>> -> memref<80x128xf32, #tpu.memory_space<hbm>>
      %dma_start3A_81 = arith.constant 0 : i32
      %dma_start3A_82 = tpu.memref_slice %arg4[%arg0, %add3A_62, %dma_start3A_81] : memref<2x10240x128xf32, #tpu.memory_space<hbm>> -> memref<1x80x128xf32, #tpu.memory_space<hbm>>
      %dma_start3A_83 = tpu.memref_squeeze %dma_start3A_82 : memref<1x80x128xf32, #tpu.memory_space<hbm>> -> memref<80x128xf32, #tpu.memory_space<hbm>>
      tpu.enqueue_dma source(%arg7 : memref<80x128xf32, #tpu.memory_space<vmem>>) target(%dma_start3A_83 : memref<80x128xf32, #tpu.memory_space<hbm>>) target_semaphore(%run_scoped3A : memref<!tpu.dma_semaphore, #tpu.memory_space<semaphore_mem>>)
      %dma_wait3A = arith.constant 0 : i32
      %dma_wait3A_84 = tpu.memref_slice %arg4[%arg0, %add3A_62, %dma_wait3A] : memref<2x10240x128xf32, #tpu.memory_space<hbm>> -> memref<1x80x128xf32, #tpu.memory_space<hbm>>
      %dma_wait3A_85 = tpu.memref_squeeze %dma_wait3A_84 : memref<1x80x128xf32, #tpu.memory_space<hbm>> -> memref<80x128xf32, #tpu.memory_space<hbm>>
      %dma_wait3A_86 = arith.constant 0 : i32
      %dma_wait3A_87 = tpu.memref_slice %arg4[%arg0, %add3A_62, %dma_wait3A_86] : memref<2x10240x128xf32, #tpu.memory_space<hbm>> -> memref<1x80x128xf32, #tpu.memory_space<hbm>>
      %dma_wait3A_88 = tpu.memref_squeeze %dma_wait3A_87 : memref<1x80x128xf32, #tpu.memory_space<hbm>> -> memref<80x128xf32, #tpu.memory_space<hbm>>
      tpu.wait_dma2 semaphore(%run_scoped3A : memref<!tpu.dma_semaphore, #tpu.memory_space<semaphore_mem>>) src(%arg7 : memref<80x128xf32, #tpu.memory_space<vmem>>) dst(%dma_wait3A_88 : memref<80x128xf32, #tpu.memory_space<hbm>>)
      tpu.yield
    }) : () -> ()
    %mul3A_63 = arith.constant 640 : i32
    %mul3A_64 = arith.muli %arg1, %mul3A_63 : i32
    %add3A_65 = arith.constant 320 : i32
    %add3A_66 = arith.addi %mul3A_64, %add3A_65 : i32
    "tpu.region"() ({
      %run_scoped3A = tpu.sem_alloc : memref<!tpu.dma_semaphore, #tpu.memory_space<semaphore_mem>>
      %dma_start3A = arith.constant 0 : i32
      %dma_start3A_79 = tpu.memref_slice %arg5[%add3A_66, %dma_start3A] : memref<10240x128xf32, #tpu.memory_space<vmem_shared>> -> memref<80x128xf32, #tpu.memory_space<vmem_shared>>
      %dma_start3A_80 = arith.constant 0 : i32
      %dma_start3A_81 = tpu.memref_slice %arg5[%add3A_66, %dma_start3A_80] : memref<10240x128xf32, #tpu.memory_space<vmem_shared>> -> memref<80x128xf32, #tpu.memory_space<vmem_shared>>
      tpu.enqueue_dma source(%dma_start3A_81 : memref<80x128xf32, #tpu.memory_space<vmem_shared>>) target(%arg7 : memref<80x128xf32, #tpu.memory_space<vmem>>) target_semaphore(%run_scoped3A : memref<!tpu.dma_semaphore, #tpu.memory_space<semaphore_mem>>)
      %dma_wait3A = arith.constant 0 : i32
      %dma_wait3A_82 = tpu.memref_slice %arg5[%add3A_66, %dma_wait3A] : memref<10240x128xf32, #tpu.memory_space<vmem_shared>> -> memref<80x128xf32, #tpu.memory_space<vmem_shared>>
      %dma_wait3A_83 = arith.constant 0 : i32
      %dma_wait3A_84 = tpu.memref_slice %arg5[%add3A_66, %dma_wait3A_83] : memref<10240x128xf32, #tpu.memory_space<vmem_shared>> -> memref<80x128xf32, #tpu.memory_space<vmem_shared>>
      tpu.wait_dma2 semaphore(%run_scoped3A : memref<!tpu.dma_semaphore, #tpu.memory_space<semaphore_mem>>) src(%dma_wait3A_84 : memref<80x128xf32, #tpu.memory_space<vmem_shared>>) dst(%arg7 : memref<80x128xf32, #tpu.memory_space<vmem>>)
      tpu.yield
    }) : () -> ()
    "tpu.region"() ({
      %run_scoped3A = tpu.sem_alloc : memref<!tpu.dma_semaphore, #tpu.memory_space<semaphore_mem>>
      %dma_start3A = arith.constant 0 : i32
      %dma_start3A_79 = tpu.memref_slice %arg4[%arg0, %add3A_66, %dma_start3A] : memref<2x10240x128xf32, #tpu.memory_space<hbm>> -> memref<1x80x128xf32, #tpu.memory_space<hbm>>
      %dma_start3A_80 = tpu.memref_squeeze %dma_start3A_79 : memref<1x80x128xf32, #tpu.memory_space<hbm>> -> memref<80x128xf32, #tpu.memory_space<hbm>>
      %dma_start3A_81 = arith.constant 0 : i32
      %dma_start3A_82 = tpu.memref_slice %arg4[%arg0, %add3A_66, %dma_start3A_81] : memref<2x10240x128xf32, #tpu.memory_space<hbm>> -> memref<1x80x128xf32, #tpu.memory_space<hbm>>
      %dma_start3A_83 = tpu.memref_squeeze %dma_start3A_82 : memref<1x80x128xf32, #tpu.memory_space<hbm>> -> memref<80x128xf32, #tpu.memory_space<hbm>>
      tpu.enqueue_dma source(%arg7 : memref<80x128xf32, #tpu.memory_space<vmem>>) target(%dma_start3A_83 : memref<80x128xf32, #tpu.memory_space<hbm>>) target_semaphore(%run_scoped3A : memref<!tpu.dma_semaphore, #tpu.memory_space<semaphore_mem>>)
      %dma_wait3A = arith.constant 0 : i32
      %dma_wait3A_84 = tpu.memref_slice %arg4[%arg0, %add3A_66, %dma_wait3A] : memref<2x10240x128xf32, #tpu.memory_space<hbm>> -> memref<1x80x128xf32, #tpu.memory_space<hbm>>
      %dma_wait3A_85 = tpu.memref_squeeze %dma_wait3A_84 : memref<1x80x128xf32, #tpu.memory_space<hbm>> -> memref<80x128xf32, #tpu.memory_space<hbm>>
      %dma_wait3A_86 = arith.constant 0 : i32
      %dma_wait3A_87 = tpu.memref_slice %arg4[%arg0, %add3A_66, %dma_wait3A_86] : memref<2x10240x128xf32, #tpu.memory_space<hbm>> -> memref<1x80x128xf32, #tpu.memory_space<hbm>>
      %dma_wait3A_88 = tpu.memref_squeeze %dma_wait3A_87 : memref<1x80x128xf32, #tpu.memory_space<hbm>> -> memref<80x128xf32, #tpu.memory_space<hbm>>
      tpu.wait_dma2 semaphore(%run_scoped3A : memref<!tpu.dma_semaphore, #tpu.memory_space<semaphore_mem>>) src(%arg7 : memref<80x128xf32, #tpu.memory_space<vmem>>) dst(%dma_wait3A_88 : memref<80x128xf32, #tpu.memory_space<hbm>>)
      tpu.yield
    }) : () -> ()
    %mul3A_67 = arith.constant 640 : i32
    %mul3A_68 = arith.muli %arg1, %mul3A_67 : i32
    %add3A_69 = arith.constant 400 : i32
    %add3A_70 = arith.addi %mul3A_68, %add3A_69 : i32
    "tpu.region"() ({
      %run_scoped3A = tpu.sem_alloc : memref<!tpu.dma_semaphore, #tpu.memory_space<semaphore_mem>>
      %dma_start3A = arith.constant 0 : i32
      %dma_start3A_79 = tpu.memref_slice %arg5[%add3A_70, %dma_start3A] : memref<10240x128xf32, #tpu.memory_space<vmem_shared>> -> memref<80x128xf32, #tpu.memory_space<vmem_shared>>
      %dma_start3A_80 = arith.constant 0 : i32
      %dma_start3A_81 = tpu.memref_slice %arg5[%add3A_70, %dma_start3A_80] : memref<10240x128xf32, #tpu.memory_space<vmem_shared>> -> memref<80x128xf32, #tpu.memory_space<vmem_shared>>
      tpu.enqueue_dma source(%dma_start3A_81 : memref<80x128xf32, #tpu.memory_space<vmem_shared>>) target(%arg7 : memref<80x128xf32, #tpu.memory_space<vmem>>) target_semaphore(%run_scoped3A : memref<!tpu.dma_semaphore, #tpu.memory_space<semaphore_mem>>)
      %dma_wait3A = arith.constant 0 : i32
      %dma_wait3A_82 = tpu.memref_slice %arg5[%add3A_70, %dma_wait3A] : memref<10240x128xf32, #tpu.memory_space<vmem_shared>> -> memref<80x128xf32, #tpu.memory_space<vmem_shared>>
      %dma_wait3A_83 = arith.constant 0 : i32
      %dma_wait3A_84 = tpu.memref_slice %arg5[%add3A_70, %dma_wait3A_83] : memref<10240x128xf32, #tpu.memory_space<vmem_shared>> -> memref<80x128xf32, #tpu.memory_space<vmem_shared>>
      tpu.wait_dma2 semaphore(%run_scoped3A : memref<!tpu.dma_semaphore, #tpu.memory_space<semaphore_mem>>) src(%dma_wait3A_84 : memref<80x128xf32, #tpu.memory_space<vmem_shared>>) dst(%arg7 : memref<80x128xf32, #tpu.memory_space<vmem>>)
      tpu.yield
    }) : () -> ()
    "tpu.region"() ({
      %run_scoped3A = tpu.sem_alloc : memref<!tpu.dma_semaphore, #tpu.memory_space<semaphore_mem>>
      %dma_start3A = arith.constant 0 : i32
      %dma_start3A_79 = tpu.memref_slice %arg4[%arg0, %add3A_70, %dma_start3A] : memref<2x10240x128xf32, #tpu.memory_space<hbm>> -> memref<1x80x128xf32, #tpu.memory_space<hbm>>
      %dma_start3A_80 = tpu.memref_squeeze %dma_start3A_79 : memref<1x80x128xf32, #tpu.memory_space<hbm>> -> memref<80x128xf32, #tpu.memory_space<hbm>>
      %dma_start3A_81 = arith.constant 0 : i32
      %dma_start3A_82 = tpu.memref_slice %arg4[%arg0, %add3A_70, %dma_start3A_81] : memref<2x10240x128xf32, #tpu.memory_space<hbm>> -> memref<1x80x128xf32, #tpu.memory_space<hbm>>
      %dma_start3A_83 = tpu.memref_squeeze %dma_start3A_82 : memref<1x80x128xf32, #tpu.memory_space<hbm>> -> memref<80x128xf32, #tpu.memory_space<hbm>>
      tpu.enqueue_dma source(%arg7 : memref<80x128xf32, #tpu.memory_space<vmem>>) target(%dma_start3A_83 : memref<80x128xf32, #tpu.memory_space<hbm>>) target_semaphore(%run_scoped3A : memref<!tpu.dma_semaphore, #tpu.memory_space<semaphore_mem>>)
      %dma_wait3A = arith.constant 0 : i32
      %dma_wait3A_84 = tpu.memref_slice %arg4[%arg0, %add3A_70, %dma_wait3A] : memref<2x10240x128xf32, #tpu.memory_space<hbm>> -> memref<1x80x128xf32, #tpu.memory_space<hbm>>
      %dma_wait3A_85 = tpu.memref_squeeze %dma_wait3A_84 : memref<1x80x128xf32, #tpu.memory_space<hbm>> -> memref<80x128xf32, #tpu.memory_space<hbm>>
      %dma_wait3A_86 = arith.constant 0 : i32
      %dma_wait3A_87 = tpu.memref_slice %arg4[%arg0, %add3A_70, %dma_wait3A_86] : memref<2x10240x128xf32, #tpu.memory_space<hbm>> -> memref<1x80x128xf32, #tpu.memory_space<hbm>>
      %dma_wait3A_88 = tpu.memref_squeeze %dma_wait3A_87 : memref<1x80x128xf32, #tpu.memory_space<hbm>> -> memref<80x128xf32, #tpu.memory_space<hbm>>
      tpu.wait_dma2 semaphore(%run_scoped3A : memref<!tpu.dma_semaphore, #tpu.memory_space<semaphore_mem>>) src(%arg7 : memref<80x128xf32, #tpu.memory_space<vmem>>) dst(%dma_wait3A_88 : memref<80x128xf32, #tpu.memory_space<hbm>>)
      tpu.yield
    }) : () -> ()
    %mul3A_71 = arith.constant 640 : i32
    %mul3A_72 = arith.muli %arg1, %mul3A_71 : i32
    %add3A_73 = arith.constant 480 : i32
    %add3A_74 = arith.addi %mul3A_72, %add3A_73 : i32
    "tpu.region"() ({
      %run_scoped3A = tpu.sem_alloc : memref<!tpu.dma_semaphore, #tpu.memory_space<semaphore_mem>>
      %dma_start3A = arith.constant 0 : i32
      %dma_start3A_79 = tpu.memref_slice %arg5[%add3A_74, %dma_start3A] : memref<10240x128xf32, #tpu.memory_space<vmem_shared>> -> memref<80x128xf32, #tpu.memory_space<vmem_shared>>
      %dma_start3A_80 = arith.constant 0 : i32
      %dma_start3A_81 = tpu.memref_slice %arg5[%add3A_74, %dma_start3A_80] : memref<10240x128xf32, #tpu.memory_space<vmem_shared>> -> memref<80x128xf32, #tpu.memory_space<vmem_shared>>
      tpu.enqueue_dma source(%dma_start3A_81 : memref<80x128xf32, #tpu.memory_space<vmem_shared>>) target(%arg7 : memref<80x128xf32, #tpu.memory_space<vmem>>) target_semaphore(%run_scoped3A : memref<!tpu.dma_semaphore, #tpu.memory_space<semaphore_mem>>)
      %dma_wait3A = arith.constant 0 : i32
      %dma_wait3A_82 = tpu.memref_slice %arg5[%add3A_74, %dma_wait3A] : memref<10240x128xf32, #tpu.memory_space<vmem_shared>> -> memref<80x128xf32, #tpu.memory_space<vmem_shared>>
      %dma_wait3A_83 = arith.constant 0 : i32
      %dma_wait3A_84 = tpu.memref_slice %arg5[%add3A_74, %dma_wait3A_83] : memref<10240x128xf32, #tpu.memory_space<vmem_shared>> -> memref<80x128xf32, #tpu.memory_space<vmem_shared>>
      tpu.wait_dma2 semaphore(%run_scoped3A : memref<!tpu.dma_semaphore, #tpu.memory_space<semaphore_mem>>) src(%dma_wait3A_84 : memref<80x128xf32, #tpu.memory_space<vmem_shared>>) dst(%arg7 : memref<80x128xf32, #tpu.memory_space<vmem>>)
      tpu.yield
    }) : () -> ()
    "tpu.region"() ({
      %run_scoped3A = tpu.sem_alloc : memref<!tpu.dma_semaphore, #tpu.memory_space<semaphore_mem>>
      %dma_start3A = arith.constant 0 : i32
      %dma_start3A_79 = tpu.memref_slice %arg4[%arg0, %add3A_74, %dma_start3A] : memref<2x10240x128xf32, #tpu.memory_space<hbm>> -> memref<1x80x128xf32, #tpu.memory_space<hbm>>
      %dma_start3A_80 = tpu.memref_squeeze %dma_start3A_79 : memref<1x80x128xf32, #tpu.memory_space<hbm>> -> memref<80x128xf32, #tpu.memory_space<hbm>>
      %dma_start3A_81 = arith.constant 0 : i32
      %dma_start3A_82 = tpu.memref_slice %arg4[%arg0, %add3A_74, %dma_start3A_81] : memref<2x10240x128xf32, #tpu.memory_space<hbm>> -> memref<1x80x128xf32, #tpu.memory_space<hbm>>
      %dma_start3A_83 = tpu.memref_squeeze %dma_start3A_82 : memref<1x80x128xf32, #tpu.memory_space<hbm>> -> memref<80x128xf32, #tpu.memory_space<hbm>>
      tpu.enqueue_dma source(%arg7 : memref<80x128xf32, #tpu.memory_space<vmem>>) target(%dma_start3A_83 : memref<80x128xf32, #tpu.memory_space<hbm>>) target_semaphore(%run_scoped3A : memref<!tpu.dma_semaphore, #tpu.memory_space<semaphore_mem>>)
      %dma_wait3A = arith.constant 0 : i32
      %dma_wait3A_84 = tpu.memref_slice %arg4[%arg0, %add3A_74, %dma_wait3A] : memref<2x10240x128xf32, #tpu.memory_space<hbm>> -> memref<1x80x128xf32, #tpu.memory_space<hbm>>
      %dma_wait3A_85 = tpu.memref_squeeze %dma_wait3A_84 : memref<1x80x128xf32, #tpu.memory_space<hbm>> -> memref<80x128xf32, #tpu.memory_space<hbm>>
      %dma_wait3A_86 = arith.constant 0 : i32
      %dma_wait3A_87 = tpu.memref_slice %arg4[%arg0, %add3A_74, %dma_wait3A_86] : memref<2x10240x128xf32, #tpu.memory_space<hbm>> -> memref<1x80x128xf32, #tpu.memory_space<hbm>>
      %dma_wait3A_88 = tpu.memref_squeeze %dma_wait3A_87 : memref<1x80x128xf32, #tpu.memory_space<hbm>> -> memref<80x128xf32, #tpu.memory_space<hbm>>
      tpu.wait_dma2 semaphore(%run_scoped3A : memref<!tpu.dma_semaphore, #tpu.memory_space<semaphore_mem>>) src(%arg7 : memref<80x128xf32, #tpu.memory_space<vmem>>) dst(%dma_wait3A_88 : memref<80x128xf32, #tpu.memory_space<hbm>>)
      tpu.yield
    }) : () -> ()
    %mul3A_75 = arith.constant 640 : i32
    %mul3A_76 = arith.muli %arg1, %mul3A_75 : i32
    %add3A_77 = arith.constant 560 : i32
    %add3A_78 = arith.addi %mul3A_76, %add3A_77 : i32
    "tpu.region"() ({
      %run_scoped3A = tpu.sem_alloc : memref<!tpu.dma_semaphore, #tpu.memory_space<semaphore_mem>>
      %dma_start3A = arith.constant 0 : i32
      %dma_start3A_79 = tpu.memref_slice %arg5[%add3A_78, %dma_start3A] : memref<10240x128xf32, #tpu.memory_space<vmem_shared>> -> memref<80x128xf32, #tpu.memory_space<vmem_shared>>
      %dma_start3A_80 = arith.constant 0 : i32
      %dma_start3A_81 = tpu.memref_slice %arg5[%add3A_78, %dma_start3A_80] : memref<10240x128xf32, #tpu.memory_space<vmem_shared>> -> memref<80x128xf32, #tpu.memory_space<vmem_shared>>
      tpu.enqueue_dma source(%dma_start3A_81 : memref<80x128xf32, #tpu.memory_space<vmem_shared>>) target(%arg7 : memref<80x128xf32, #tpu.memory_space<vmem>>) target_semaphore(%run_scoped3A : memref<!tpu.dma_semaphore, #tpu.memory_space<semaphore_mem>>)
      %dma_wait3A = arith.constant 0 : i32
      %dma_wait3A_82 = tpu.memref_slice %arg5[%add3A_78, %dma_wait3A] : memref<10240x128xf32, #tpu.memory_space<vmem_shared>> -> memref<80x128xf32, #tpu.memory_space<vmem_shared>>
      %dma_wait3A_83 = arith.constant 0 : i32
      %dma_wait3A_84 = tpu.memref_slice %arg5[%add3A_78, %dma_wait3A_83] : memref<10240x128xf32, #tpu.memory_space<vmem_shared>> -> memref<80x128xf32, #tpu.memory_space<vmem_shared>>
      tpu.wait_dma2 semaphore(%run_scoped3A : memref<!tpu.dma_semaphore, #tpu.memory_space<semaphore_mem>>) src(%dma_wait3A_84 : memref<80x128xf32, #tpu.memory_space<vmem_shared>>) dst(%arg7 : memref<80x128xf32, #tpu.memory_space<vmem>>)
      tpu.yield
    }) : () -> ()
    "tpu.region"() ({
      %run_scoped3A = tpu.sem_alloc : memref<!tpu.dma_semaphore, #tpu.memory_space<semaphore_mem>>
      %dma_start3A = arith.constant 0 : i32
      %dma_start3A_79 = tpu.memref_slice %arg4[%arg0, %add3A_78, %dma_start3A] : memref<2x10240x128xf32, #tpu.memory_space<hbm>> -> memref<1x80x128xf32, #tpu.memory_space<hbm>>
      %dma_start3A_80 = tpu.memref_squeeze %dma_start3A_79 : memref<1x80x128xf32, #tpu.memory_space<hbm>> -> memref<80x128xf32, #tpu.memory_space<hbm>>
      %dma_start3A_81 = arith.constant 0 : i32
      %dma_start3A_82 = tpu.memref_slice %arg4[%arg0, %add3A_78, %dma_start3A_81] : memref<2x10240x128xf32, #tpu.memory_space<hbm>> -> memref<1x80x128xf32, #tpu.memory_space<hbm>>
      %dma_start3A_83 = tpu.memref_squeeze %dma_start3A_82 : memref<1x80x128xf32, #tpu.memory_space<hbm>> -> memref<80x128xf32, #tpu.memory_space<hbm>>
      tpu.enqueue_dma source(%arg7 : memref<80x128xf32, #tpu.memory_space<vmem>>) target(%dma_start3A_83 : memref<80x128xf32, #tpu.memory_space<hbm>>) target_semaphore(%run_scoped3A : memref<!tpu.dma_semaphore, #tpu.memory_space<semaphore_mem>>)
      %dma_wait3A = arith.constant 0 : i32
      %dma_wait3A_84 = tpu.memref_slice %arg4[%arg0, %add3A_78, %dma_wait3A] : memref<2x10240x128xf32, #tpu.memory_space<hbm>> -> memref<1x80x128xf32, #tpu.memory_space<hbm>>
      %dma_wait3A_85 = tpu.memref_squeeze %dma_wait3A_84 : memref<1x80x128xf32, #tpu.memory_space<hbm>> -> memref<80x128xf32, #tpu.memory_space<hbm>>
      %dma_wait3A_86 = arith.constant 0 : i32
      %dma_wait3A_87 = tpu.memref_slice %arg4[%arg0, %add3A_78, %dma_wait3A_86] : memref<2x10240x128xf32, #tpu.memory_space<hbm>> -> memref<1x80x128xf32, #tpu.memory_space<hbm>>
      %dma_wait3A_88 = tpu.memref_squeeze %dma_wait3A_87 : memref<1x80x128xf32, #tpu.memory_space<hbm>> -> memref<80x128xf32, #tpu.memory_space<hbm>>
      tpu.wait_dma2 semaphore(%run_scoped3A : memref<!tpu.dma_semaphore, #tpu.memory_space<semaphore_mem>>) src(%arg7 : memref<80x128xf32, #tpu.memory_space<vmem>>) dst(%dma_wait3A_88 : memref<80x128xf32, #tpu.memory_space<hbm>>)
      tpu.yield
    }) : () -> ()
    return
  }
}

module attributes {stable_mosaic.version = 14 : i64} {
  func.func @_ef_body(%arg0: i32, %arg1: memref<2000x16xf32, #tpu.memory_space<vmem>>, %arg2: memref<16x128xf32, #tpu.memory_space<vmem>>, %arg3: memref<1x128xf32, #tpu.memory_space<vmem>>, %arg4: memref<2000x128xf32, #tpu.memory_space<vmem>>) attributes {dimension_semantics = [#tpu.dimension_semantics<arbitrary>], iteration_bounds = array<i64: 160>, scalar_prefetch = 0 : i64, scratch_operands = 0 : i64, tpu.core_type = #tpu.core_type<tc>, window_params = [{transform_indices = @transform_0, window_bounds = array<i64: 2000, 16>}, {pipeline_mode = #tpu.pipeline_mode<synchronous>, transform_indices = @transform_1, window_bounds = array<i64: 16, 128>}, {pipeline_mode = #tpu.pipeline_mode<synchronous>, transform_indices = @transform_2, window_bounds = array<i64: 1, 128>}, {transform_indices = @transform_3, window_bounds = array<i64: 2000, 128>}]} {
    %get3A = arith.constant 0 : index
    %get3A_0 = arith.constant 0 : index
    %get3A_1 = vector.load %arg1[%get3A, %get3A_0] : memref<2000x16xf32, #tpu.memory_space<vmem>>, vector<2000x16xf32>
    %get3A_2 = arith.constant 0 : index
    %get3A_3 = arith.constant 0 : index
    %get3A_4 = vector.load %arg2[%get3A_2, %get3A_3] : memref<16x128xf32, #tpu.memory_space<vmem>>, vector<16x128xf32>
    %dot_general3A = arith.constant dense<0.000000e+00> : vector<2000x128xf32>
    %dot_general3A_5 = tpu.matmul %get3A_1, %get3A_4, %dot_general3A {dimension_numbers = #tpu.dot_dimension_numbers<[1], [0], [0], [1], [0, 0, 1, 1], [], []>, transpose_lhs_hint = false} : vector<2000x16xf32>, vector<16x128xf32>, vector<2000x128xf32> -> vector<2000x128xf32>
    %get3A_6 = arith.constant 0 : index
    %get3A_7 = arith.constant 0 : index
    %get3A_8 = vector.load %arg3[%get3A_6, %get3A_7] : memref<1x128xf32, #tpu.memory_space<vmem>>, vector<1x128xf32>
    %add3A = vector.broadcast %get3A_8 : vector<1x128xf32> to vector<2000x128xf32>
    %add3A_9 = arith.addf %dot_general3A_5, %add3A : vector<2000x128xf32>
    %max3A = arith.constant 0.000000e+00 : f32
    %max3A_10 = vector.broadcast %max3A : f32 to vector<2000x128xf32>
    %max3A_11 = arith.maximumf %add3A_9, %max3A_10 : vector<2000x128xf32>
    %swap3A = arith.constant 0 : index
    %swap3A_12 = arith.constant 0 : index
    %swap3A_13 = vector.load %arg4[%swap3A, %swap3A_12] : memref<2000x128xf32, #tpu.memory_space<vmem>>, vector<2000x128xf32>
    tpu.vector_store %arg4[%swap3A, %swap3A_12], %max3A_11 {strides = array<i32>} : memref<2000x128xf32, #tpu.memory_space<vmem>>, vector<2000x128xf32>,
    return
  }
  func.func @transform_0(%arg0: i32) -> (i32, i32) {
    %c0_i32 = arith.constant 0 : i32
    %c0_i32_0 = arith.constant 0 : i32
    return %arg0, %c0_i32 : i32, i32
  }
  func.func @transform_1(%arg0: i32) -> (i32, i32) {
    %c0_i32 = arith.constant 0 : i32
    %c0_i32_0 = arith.constant 0 : i32
    %c0_i32_1 = arith.constant 0 : i32
    return %c0_i32, %c0_i32_0 : i32, i32
  }
  func.func @transform_2(%arg0: i32) -> (i32, i32) {
    %c0_i32 = arith.constant 0 : i32
    %c0_i32_0 = arith.constant 0 : i32
    %c0_i32_1 = arith.constant 0 : i32
    return %c0_i32, %c0_i32_0 : i32, i32
  }
  func.func @transform_3(%arg0: i32) -> (i32, i32) {
    %c0_i32 = arith.constant 0 : i32
    %c0_i32_0 = arith.constant 0 : i32
    return %arg0, %c0_i32 : i32, i32
  }
}

module attributes {stable_mosaic.version = 14 : i64} {
  func.func @_h2_body(%arg0: i32, %arg1: memref<400x128xf32, #tpu.memory_space<vmem>>, %arg2: memref<400x128xf32, #tpu.memory_space<vmem>>, %arg3: memref<400x128xf32, #tpu.memory_space<vmem>>, %arg4: memref<1x128xf32, #tpu.memory_space<vmem>>, %arg5: memref<1x128xf32, #tpu.memory_space<vmem>>, %arg6: memref<128x128xf32, #tpu.memory_space<vmem>>, %arg7: memref<400x128xf32, #tpu.memory_space<vmem>>) attributes {dimension_semantics = [#tpu.dimension_semantics<arbitrary>], iteration_bounds = array<i64: 25>, scalar_prefetch = 0 : i64, scratch_operands = 0 : i64, tpu.core_type = #tpu.core_type<tc>, window_params = [{transform_indices = @transform_0, window_bounds = array<i64: 400, 128>}, {transform_indices = @transform_1, window_bounds = array<i64: 400, 128>}, {transform_indices = @transform_2, window_bounds = array<i64: 400, 128>}, {pipeline_mode = #tpu.pipeline_mode<synchronous>, transform_indices = @transform_3, window_bounds = array<i64: 1, 128>}, {pipeline_mode = #tpu.pipeline_mode<synchronous>, transform_indices = @transform_4, window_bounds = array<i64: 1, 128>}, {pipeline_mode = #tpu.pipeline_mode<synchronous>, transform_indices = @transform_5, window_bounds = array<i64: 128, 128>}, {transform_indices = @transform_6, window_bounds = array<i64: 400, 128>}]} {
    %get3A = arith.constant 0 : index
    %get3A_0 = arith.constant 0 : index
    %get3A_1 = vector.load %arg1[%get3A, %get3A_0] : memref<400x128xf32, #tpu.memory_space<vmem>>, vector<400x128xf32>
    %reduce_sum3A = arith.constant dense<0.000000e+00> : vector<400xf32>
    %reduce_sum3A_2 = vector.multi_reduction <add>, %get3A_1, %reduce_sum3A [1] : vector<400x128xf32> to vector<400xf32>
    %broadcast_in_dim3A = vector.shape_cast %reduce_sum3A_2 : vector<400xf32> to vector<400x1xf32>
    %div3A = arith.constant 1.280000e+02 : f32
    %div3A_3 = vector.broadcast %div3A : f32 to vector<400x1xf32>
    %div3A_4 = arith.divf %broadcast_in_dim3A, %div3A_3 : vector<400x1xf32>
    %sub3A = vector.broadcast %div3A_4 : vector<400x1xf32> to vector<400x128xf32>
    %sub3A_5 = arith.subf %get3A_1, %sub3A : vector<400x128xf32>
    %square3A = arith.mulf %sub3A_5, %sub3A_5 : vector<400x128xf32>
    %reduce_sum3A_6 = arith.constant dense<0.000000e+00> : vector<400xf32>
    %reduce_sum3A_7 = vector.multi_reduction <add>, %square3A, %reduce_sum3A_6 [1] : vector<400x128xf32> to vector<400xf32>
    %broadcast_in_dim3A_8 = vector.shape_cast %reduce_sum3A_7 : vector<400xf32> to vector<400x1xf32>
    %div3A_9 = arith.constant 1.280000e+02 : f32
    %div3A_10 = vector.broadcast %div3A_9 : f32 to vector<400x1xf32>
    %div3A_11 = arith.divf %broadcast_in_dim3A_8, %div3A_10 : vector<400x1xf32>
    %sub3A_12 = vector.broadcast %div3A_4 : vector<400x1xf32> to vector<400x128xf32>
    %sub3A_13 = arith.subf %get3A_1, %sub3A_12 : vector<400x128xf32>
    %add3A = arith.constant 9.99999974E-6 : f32
    %add3A_14 = vector.broadcast %add3A : f32 to vector<400x1xf32>
    %add3A_15 = arith.addf %div3A_11, %add3A_14 : vector<400x1xf32>
    %sqrt3A = math.sqrt %add3A_15 : vector<400x1xf32>
    %div3A_16 = vector.broadcast %sqrt3A : vector<400x1xf32> to vector<400x128xf32>
    %div3A_17 = arith.divf %sub3A_13, %div3A_16 : vector<400x128xf32>
    %get3A_18 = arith.constant 0 : index
    %get3A_19 = arith.constant 0 : index
    %get3A_20 = vector.load %arg4[%get3A_18, %get3A_19] : memref<1x128xf32, #tpu.memory_space<vmem>>, vector<1x128xf32>
    %mul3A = vector.broadcast %get3A_20 : vector<1x128xf32> to vector<400x128xf32>
    %mul3A_21 = arith.mulf %div3A_17, %mul3A : vector<400x128xf32>
    %get3A_22 = arith.constant 0 : index
    %get3A_23 = arith.constant 0 : index
    %get3A_24 = vector.load %arg5[%get3A_22, %get3A_23] : memref<1x128xf32, #tpu.memory_space<vmem>>, vector<1x128xf32>
    %add3A_25 = vector.broadcast %get3A_24 : vector<1x128xf32> to vector<400x128xf32>
    %add3A_26 = arith.addf %mul3A_21, %add3A_25 : vector<400x128xf32>
    %get3A_27 = arith.constant 0 : index
    %get3A_28 = arith.constant 0 : index
    %get3A_29 = vector.load %arg6[%get3A_27, %get3A_28] : memref<128x128xf32, #tpu.memory_space<vmem>>, vector<128x128xf32>
    %dot_general3A = arith.constant dense<0.000000e+00> : vector<400x128xf32>
    %dot_general3A_30 = tpu.matmul %add3A_26, %get3A_29, %dot_general3A {dimension_numbers = #tpu.dot_dimension_numbers<[1], [0], [0], [1], [0, 0, 1, 1], [], []>, transpose_lhs_hint = false} : vector<400x128xf32>, vector<128x128xf32>, vector<400x128xf32> -> vector<400x128xf32>
    %get3A_31 = arith.constant 0 : index
    %get3A_32 = arith.constant 0 : index
    %get3A_33 = vector.load %arg2[%get3A_31, %get3A_32] : memref<400x128xf32, #tpu.memory_space<vmem>>, vector<400x1xf32>
    %add3A_34 = arith.constant 1.000000e+00 : f32
    %add3A_35 = vector.broadcast %add3A_34 : f32 to vector<400x1xf32>
    %add3A_36 = arith.addf %add3A_35, %get3A_33 : vector<400x1xf32>
    %get3A_37 = arith.constant 0 : index
    %get3A_38 = arith.constant 0 : index
    %get3A_39 = vector.load %arg3[%get3A_37, %get3A_38] : memref<400x128xf32, #tpu.memory_space<vmem>>, vector<400x1xf32>
    %add3A_40 = arith.addf %add3A_36, %get3A_39 : vector<400x1xf32>
    %rsqrt3A = math.rsqrt %add3A_40 : vector<400x1xf32>
    %mul3A_41 = vector.broadcast %rsqrt3A : vector<400x1xf32> to vector<400x128xf32>
    %mul3A_42 = arith.mulf %dot_general3A_30, %mul3A_41 : vector<400x128xf32>
    %swap3A = arith.constant 0 : index
    %swap3A_43 = arith.constant 0 : index
    %swap3A_44 = vector.load %arg7[%swap3A, %swap3A_43] : memref<400x128xf32, #tpu.memory_space<vmem>>, vector<400x128xf32>
    tpu.vector_store %arg7[%swap3A, %swap3A_43], %mul3A_42 {strides = array<i32>} : memref<400x128xf32, #tpu.memory_space<vmem>>, vector<400x128xf32>,
    return
  }
  func.func @transform_0(%arg0: i32) -> (i32, i32) {
    %c0_i32 = arith.constant 0 : i32
    %c0_i32_0 = arith.constant 0 : i32
    return %arg0, %c0_i32 : i32, i32
  }
  func.func @transform_1(%arg0: i32) -> (i32, i32) {
    %c0_i32 = arith.constant 0 : i32
    %c0_i32_0 = arith.constant 0 : i32
    return %arg0, %c0_i32 : i32, i32
  }
  func.func @transform_2(%arg0: i32) -> (i32, i32) {
    %c0_i32 = arith.constant 0 : i32
    %c0_i32_0 = arith.constant 0 : i32
    return %arg0, %c0_i32 : i32, i32
  }
  func.func @transform_3(%arg0: i32) -> (i32, i32) {
    %c0_i32 = arith.constant 0 : i32
    %c0_i32_0 = arith.constant 0 : i32
    %c0_i32_1 = arith.constant 0 : i32
    return %c0_i32, %c0_i32_0 : i32, i32
  }
  func.func @transform_4(%arg0: i32) -> (i32, i32) {
    %c0_i32 = arith.constant 0 : i32
    %c0_i32_0 = arith.constant 0 : i32
    %c0_i32_1 = arith.constant 0 : i32
    return %c0_i32, %c0_i32_0 : i32, i32
  }
  func.func @transform_5(%arg0: i32) -> (i32, i32) {
    %c0_i32 = arith.constant 0 : i32
    %c0_i32_0 = arith.constant 0 : i32
    %c0_i32_1 = arith.constant 0 : i32
    return %c0_i32, %c0_i32_0 : i32, i32
  }
  func.func @transform_6(%arg0: i32) -> (i32, i32) {
    %c0_i32 = arith.constant 0 : i32
    %c0_i32_0 = arith.constant 0 : i32
    return %arg0, %c0_i32 : i32, i32
  }
}

module attributes {stable_mosaic.version = 14 : i64} {
  func.func @_out_body(%arg0: i32, %arg1: memref<400x128xf32, #tpu.memory_space<vmem>>, %arg2: memref<400x128xf32, #tpu.memory_space<vmem>>, %arg3: memref<400x128xf32, #tpu.memory_space<vmem>>, %arg4: memref<400x128xf32, #tpu.memory_space<vmem>>, %arg5: memref<400x128xf32, #tpu.memory_space<vmem>>, %arg6: memref<1x128xf32, #tpu.memory_space<vmem>>, %arg7: memref<400x128xf32, #tpu.memory_space<vmem>>) attributes {dimension_semantics = [#tpu.dimension_semantics<arbitrary>], iteration_bounds = array<i64: 25>, scalar_prefetch = 0 : i64, scratch_operands = 0 : i64, tpu.core_type = #tpu.core_type<tc>, window_params = [{transform_indices = @transform_0, window_bounds = array<i64: 400, 128>}, {transform_indices = @transform_1, window_bounds = array<i64: 400, 128>}, {transform_indices = @transform_2, window_bounds = array<i64: 400, 128>}, {transform_indices = @transform_3, window_bounds = array<i64: 400, 128>}, {transform_indices = @transform_4, window_bounds = array<i64: 400, 128>}, {pipeline_mode = #tpu.pipeline_mode<synchronous>, transform_indices = @transform_5, window_bounds = array<i64: 1, 128>}, {transform_indices = @transform_6, window_bounds = array<i64: 400, 128>}]} {
    %get3A = arith.constant 0 : index
    %get3A_0 = arith.constant 0 : index
    %get3A_1 = vector.load %arg4[%get3A, %get3A_0] : memref<400x128xf32, #tpu.memory_space<vmem>>, vector<400x1xf32>
    %add3A = arith.constant 1.000000e+00 : f32
    %add3A_2 = vector.broadcast %add3A : f32 to vector<400x1xf32>
    %add3A_3 = arith.addf %add3A_2, %get3A_1 : vector<400x1xf32>
    %get3A_4 = arith.constant 0 : index
    %get3A_5 = arith.constant 0 : index
    %get3A_6 = vector.load %arg5[%get3A_4, %get3A_5] : memref<400x128xf32, #tpu.memory_space<vmem>>, vector<400x1xf32>
    %add3A_7 = arith.addf %add3A_3, %get3A_6 : vector<400x1xf32>
    %rsqrt3A = math.rsqrt %add3A_7 : vector<400x1xf32>
    %get3A_8 = arith.constant 0 : index
    %get3A_9 = arith.constant 0 : index
    %get3A_10 = vector.load %arg1[%get3A_8, %get3A_9] : memref<400x128xf32, #tpu.memory_space<vmem>>, vector<400x128xf32>
    %get3A_11 = arith.constant 0 : index
    %get3A_12 = arith.constant 0 : index
    %get3A_13 = vector.load %arg3[%get3A_11, %get3A_12] : memref<400x128xf32, #tpu.memory_space<vmem>>, vector<400x128xf32>
    %add3A_14 = arith.addf %get3A_10, %get3A_13 : vector<400x128xf32>
    %mul3A = vector.broadcast %rsqrt3A : vector<400x1xf32> to vector<400x128xf32>
    %mul3A_15 = arith.mulf %mul3A, %add3A_14 : vector<400x128xf32>
    %get3A_16 = arith.constant 0 : index
    %get3A_17 = arith.constant 0 : index
    %get3A_18 = vector.load %arg6[%get3A_16, %get3A_17] : memref<1x128xf32, #tpu.memory_space<vmem>>, vector<1x128xf32>
    %add3A_19 = vector.broadcast %get3A_18 : vector<1x128xf32> to vector<400x128xf32>
    %add3A_20 = arith.addf %mul3A_15, %add3A_19 : vector<400x128xf32>
    %get3A_21 = arith.constant 0 : index
    %get3A_22 = arith.constant 0 : index
    %get3A_23 = vector.load %arg2[%get3A_21, %get3A_22] : memref<400x128xf32, #tpu.memory_space<vmem>>, vector<400x128xf32>
    %add3A_24 = arith.addf %add3A_20, %get3A_23 : vector<400x128xf32>
    %max3A = arith.constant 0.000000e+00 : f32
    %max3A_25 = vector.broadcast %max3A : f32 to vector<400x128xf32>
    %max3A_26 = arith.maximumf %add3A_24, %max3A_25 : vector<400x128xf32>
    %swap3A = arith.constant 0 : index
    %swap3A_27 = arith.constant 0 : index
    %swap3A_28 = vector.load %arg7[%swap3A, %swap3A_27] : memref<400x128xf32, #tpu.memory_space<vmem>>, vector<400x128xf32>
    tpu.vector_store %arg7[%swap3A, %swap3A_27], %max3A_26 {strides = array<i32>} : memref<400x128xf32, #tpu.memory_space<vmem>>, vector<400x128xf32>,
    return
  }
  func.func @transform_0(%arg0: i32) -> (i32, i32) {
    %c0_i32 = arith.constant 0 : i32
    %c0_i32_0 = arith.constant 0 : i32
    return %arg0, %c0_i32 : i32, i32
  }
  func.func @transform_1(%arg0: i32) -> (i32, i32) {
    %c0_i32 = arith.constant 0 : i32
    %c0_i32_0 = arith.constant 0 : i32
    return %arg0, %c0_i32 : i32, i32
  }
  func.func @transform_2(%arg0: i32) -> (i32, i32) {
    %c0_i32 = arith.constant 0 : i32
    %c0_i32_0 = arith.constant 0 : i32
    return %arg0, %c0_i32 : i32, i32
  }
  func.func @transform_3(%arg0: i32) -> (i32, i32) {
    %c0_i32 = arith.constant 0 : i32
    %c0_i32_0 = arith.constant 0 : i32
    return %arg0, %c0_i32 : i32, i32
  }
  func.func @transform_4(%arg0: i32) -> (i32, i32) {
    %c0_i32 = arith.constant 0 : i32
    %c0_i32_0 = arith.constant 0 : i32
    return %arg0, %c0_i32 : i32, i32
  }
  func.func @transform_5(%arg0: i32) -> (i32, i32) {
    %c0_i32 = arith.constant 0 : i32
    %c0_i32_0 = arith.constant 0 : i32
    %c0_i32_1 = arith.constant 0 : i32
    return %c0_i32, %c0_i32_0 : i32, i32
  }
  func.func @transform_6(%arg0: i32) -> (i32, i32) {
    %c0_i32 = arith.constant 0 : i32
    %c0_i32_0 = arith.constant 0 : i32
    return %arg0, %c0_i32 : i32, i32
  }
}

</mosaic_0001>

<sc_bundles>
// kernel: kernel.10.cloned.1.call-start
scs
__scs_entry_jumppad:
0x0: {  	(pc) =	sbr.rel $0x88, $3  }
0x1: {  	(tag) =	ssettag $0x0;
	lr =	simm.s32 $0x1  }
0x2: {  	[smem:$0x3F98] =	sst lr;
	_ =	strace $0xD0000000  }
0x3: {  	_ = 	snop  }
0x4: {  	_ = 	snop  }
0x5: {  	_ = 	snop  }
0x6: {  	_ = 	snop  }
0x7: {  	_ = 	snop  }
__scs_overlays_trampoline_lowered:
0x8: {  	[smem:$0x3FA7] =	sst s0  }
0x9: {  	[smem:$0x3FA8] =	sst s1  }
0xa: {  	[smem:$0x3FA9] =	sst s2  }
0xb: {  	[smem:$0x3FAA] =	sst s3  }
0xc: {  	[smem:$0x3FAB] =	sst s4  }
0xd: {  	[smem:$0x3FAC] =	sst s5  }
0xe: {  	[smem:$0x3FAD] =	sst s6  }
0xf: {  	[smem:$0x3FAE] =	sst s7  }
0x10: {  	[smem:$0x3FAF] =	sst s8  }
0x11: {  	[smem:$0x3FB0] =	sst s9;
	s0 =	simm.s32 @!p0 $0x0  }
0x12: {  	s1 =	sld [smem:$0x3F96];
	s0 =	simm.s32 @p0 $0x1  }
0x13: {  	[smem:$0x3FB1] =	sst s0;
	s0 =	simm.s32 @!p1 $0x0  }
0x14: {  	s2 =	sld [smem:$0x3F95];
	s0 =	simm.s32 @p1 $0x1  }
0x15: {  	[smem:$0x3FB2] =	sst s0;
	s0 =	simm.s32 @!p2 $0x0  }
0x16: {  	s3 =	sld [smem:$0x3FDB];
	s0 =	simm.s32 @p2 $0x1  }
0x17: {  	s4 =	simm.s32 $0x1BF5;
	[smem:$0x3FB4] =	sst s0  }
0x18: {  	s0 =	sld [smem:$0x3F97];
	_ =	swait.ge [sflag:s4], $0x0  }
0x19: {  	s7 =	sld [smem:$0x3F98]  }
0x1a: {  	s8 =	sadd.s32 $0xFFFFE003, lr  }
0x1b: {  	s9 =	sadd.s32 $0xFFFFFEF7, lr;
	s5 =	simm.s32 $0xFFFFFFFF;
	p2 =	slt.u32 s8, $0xFFFFF086  }
0x1c: {  	p1 =	slt.u32 s9, $0xF7A;
	s5 =	simm.s32 @!p2 $0x0  }
0x1d: {  	s5 =	simm.s32 @p1 $0x1;
	p0 =	seq.s32 s7, s2  }
0x1e: {  	s7 =	smul.u32 @!p0 $0xF7A, s2;
	p2 =	seq.s32 @!p0 s5, $0x0  }
0x1f: {  	s9 =	smul.u32 $0xF7A, s1;
	s8 =	simm.s32 @!p0 $0x1BF5;
	p2 =	por !p2, p0  }
0x20: {  	[sflag:s8] =	ssyncset.s32 @!p0 $0xFFFFF086;
	s6 =	sadd.s32 @!p0 s3, s7;
	s7 =	simm.s32 @!p0 $0x108  }
0x21: {  	s3 =	sadd.s32 s3, s9;
	s6 =	sadd.s32 @!p0 $0x88, s6;
	s7 =	simm.s32 @p2 $0x1082  }
0x22: {  	[simem:s7], [sflag:s8] =	dma.local @!p0 [hbm:s6], $0xF7A  }
0x23: {  	s9 =	sor.u32 $0xD0000000, s2;
	s6 =	simm.s32 $0x108;
	_ =	swait.ge @!p0 [sflag:s8], $0x0  }
0x24: {  	s3 =	sadd.s32 $0x88, s3;
	s6 =	simm.s32 @!p1 $0x1082;
	[sflag:s4] =	ssyncset.s32 $0xFFFFF086  }
0x25: {  	[simem:s6], [sflag:s4] =	dma.local [hbm:s3], $0xF7A  }
0x26: {  	[smem:$0x3F98] =	sst s1;
	(tag) =	ssettag s2;
	_ =	strace s9  }
0x27: {  	s1 =	sld [smem:$0x3FA8]  }
0x28: {  	s2 =	sld [smem:$0x3FA9]  }
0x29: {  	s4 =	sld [smem:$0x3FAB]  }
0x2a: {  	p0 =	seq.s32 s5, $0x0;
	s5 =	sld [smem:$0x3FAC]  }
0x2b: {  	s6 =	sld [smem:$0x3FAD]  }
0x2c: {  	s7 =	sld [smem:$0x3FAE]  }
0x2d: {  	s3 =	simm.s32 $0x108;
	s8 =	sld [smem:$0x3FAF]  }
0x2e: {  	s3 =	simm.s32 @!p0 $0x1082;
	s9 =	sld [smem:$0x3FB0]  }
0x2f: {  	lr =	sadd.s32 s0, s3;
	s0 =	sld [smem:$0x3FA7]  }
0x30: {  	s3 =	sld [smem:$0x3FAA]  }
0x31: {  	[smem:$0x3FB3] =	sst s10  }
0x32: {  	s10 =	sld [smem:$0x3FB1];
	_ =	sdelay $0x3  }
0x33: {  	p0 =	seq.s32 s10, $0x1;
	s10 =	sld [smem:$0x3FB3];
	_ =	sdelay $0x3  }
0x34: {  	[smem:$0x3FB3] =	sst s10  }
0x35: {  	s10 =	sld [smem:$0x3FB2];
	_ =	sdelay $0x3  }
0x36: {  	p1 =	seq.s32 s10, $0x1;
	s10 =	sld [smem:$0x3FB3];
	_ =	sdelay $0x3  }
0x37: {  	[smem:$0x3FB3] =	sst s10  }
0x38: {  	s10 =	sld [smem:$0x3FB4]  }
0x39: {  	_ = 	snop;
	(pc) =	sbr.ind lr, $3  }
0x3a: {  	_ = 	snop  }
0x3b: {  	_ = 	snop  }
0x3c: {  	p2 =	seq.s32 s10, $0x1;
	s10 =	sld [smem:$0x3FB3]  }
0x3d: {  	_ =	shalt  }
0x3e: {  	_ =	shalt  }
0x3f: {  	_ =	shalt  }
0x40: {  	_ =	shalt  }
0x41: {  	_ =	shalt  }
0x42: {  	_ =	shalt  }
0x43: {  	_ =	shalt  }
0x44: {  	_ =	shalt  }
0x45: {  	_ =	shalt  }
0x46: {  	_ =	shalt  }
0x47: {  	_ =	shalt  }
0x48: {  	_ =	shalt  }
0x49: {  	_ =	shalt  }
0x4a: {  	_ =	shalt  }
0x4b: {  	_ =	shalt  }
0x4c: {  	_ =	shalt  }
0x4d: {  	_ =	shalt  }
0x4e: {  	_ =	shalt  }
0x4f: {  	_ =	shalt  }
0x50: {  	_ =	shalt  }
0x51: {  	_ =	shalt  }
0x52: {  	_ =	shalt  }
0x53: {  	_ =	shalt  }
0x54: {  	_ =	shalt  }
0x55: {  	_ =	shalt  }
0x56: {  	_ =	shalt  }
0x57: {  	_ =	shalt  }
0x58: {  	_ =	shalt  }
0x59: {  	_ =	shalt  }
0x5a: {  	_ =	shalt  }
0x5b: {  	_ =	shalt  }
0x5c: {  	_ =	shalt  }
0x5d: {  	_ =	shalt  }
0x5e: {  	_ =	shalt  }
0x5f: {  	_ =	shalt  }
0x60: {  	_ =	shalt  }
0x61: {  	_ =	shalt  }
0x62: {  	_ =	shalt  }
0x63: {  	_ =	shalt  }
0x64: {  	_ =	shalt  }
0x65: {  	_ =	shalt  }
0x66: {  	_ =	shalt  }
0x67: {  	_ =	shalt  }
0x68: {  	_ =	shalt  }
0x69: {  	_ =	shalt  }
0x6a: {  	_ =	shalt  }
0x6b: {  	_ =	shalt  }
0x6c: {  	_ =	shalt  }
0x6d: {  	_ =	shalt  }
0x6e: {  	_ =	shalt  }
0x6f: {  	_ =	shalt  }
0x70: {  	_ =	shalt  }
0x71: {  	_ =	shalt  }
0x72: {  	_ =	shalt  }
0x73: {  	_ =	shalt  }
0x74: {  	_ =	shalt  }
0x75: {  	_ =	shalt  }
0x76: {  	_ =	shalt  }
0x77: {  	_ =	shalt  }
0x78: {  	_ =	shalt  }
0x79: {  	_ =	shalt  }
0x7a: {  	_ =	shalt  }
0x7b: {  	_ =	shalt  }
0x7c: {  	_ =	shalt  }
0x7d: {  	_ =	shalt  }
0x7e: {  	_ =	shalt  }
0x7f: {  	_ =	shalt  }
0x80: {  	_ =	shalt  }
0x81: {  	_ =	shalt  }
0x82: {  	_ =	shalt  }
0x83: {  	_ =	shalt  }
0x84: {  	_ =	shalt  }
0x85: {  	_ =	shalt  }
0x86: {  	_ =	shalt  }
0x87: {  	_ =	shalt  }
.Lfunc_end0:
.L_simem_size_0:
called_computation.1_lowered:
.L_overlay_start_0:
0x88: {  	s2 =	sld [smem:$0x3FD9]  }
0x89: {  	s3 =	sld [smem:$0x3FFE];
	_ =	sdelay $0x1  }
0x8a: {  	s1 =	srdreg.scid  }
0x8b: {  	s0 =	sand.u32 $0x1, s1  }
0x8c: {  	s17 =	sshll.u32 s0, $0xA;
	s2 =	sadd.s32 s3, s2  }
0x8d: {  	s2 =	sadd.s32 s2, s17  }
0x8e: {  	[smem:$0x3FBF] =	sst s2  }
0x8f: {  	_ = 	snop  }
0x90: {  	s2 =	sld [smem:$0x3FD0];
	(tm) =	ssettm $0x1  }
0x91: {  	s18 =	sld [smem:$0x3FFB];
	_ =	sdelay $0x3  }
0x92: {  	_ =	strace s18  }
0x93: {  	s3 =	sld [smem:$0x3FFC];
	_ =	sdelay $0x3  }
0x94: {  	_ =	strace s3  }
0x95: {  	s3 =	sld [smem:$0x3FFD];
	_ =	sdelay $0x3  }
0x96: {  	_ =	strace s3  }
0x97: {  	_ =	strace $0x8FFFFFFF  }
0x98: {  	s19 =	sld [smem:$0x3FDB];
	_ =	sdelay $0x1  }
0x99: {  	s4 =	simm.s32 $_scs_section_size  }
0x9a: {  	s5 =	simm.s32 $_size__tile_overlayer_lowered;
	s6 =	simm.s32 $_tile_overlayer_lowered  }
0x9b: {  	s22 =	simm.s32 $0x1BFF;
	s21 =	sshll.u32 s6, $0x1;
	s3 =	sadd.s32 s4, s19  }
0x9c: {  	s7 =	simm.s32 $0x0;
	s20 =	sshll.u32 s5, $0x1;
	s5 =	sadd.s32 s21, s3  }
0x9d: {  	[timem:s7], [sflag:s22] =	dma.local [hbm:s5], s20  }
0x9e: {  	_ =	swait.ge [sflag:s22], s20  }
0x9f: {  	s4 =	ssub.s32 $0x0, s20;
	[sflag:s22] =	ssyncset.done $0x0  }
0xa0: {  	[sflag:s22] =	ssyncadd.s32 s4;
	_ =	sdelay $0x1  }
0xa1: {  	s23 =	simm.s32 $0x1B8B  }
0xa2: {  	_ =	swait.ge [sflag:s23], $0x1  }
0xa3: {  	[sflag:s23] =	ssyncset.done $0x0  }
0xa4: {  	s25 =	simm.s32 $0x1B8E;
	s24 =	sld [smem:$0x3FFE];
	[sflag:s23] =	ssyncadd.s32 $0xFFFFFFFF  }
0xa5: {  	s26 =	simm.s32 $execute0_lowered;
	[smem:$0x3FD2] =	sst s25  }
0xa6: {  	s5 =	sshll.u32 s26, $0x1;
	_ =	strace $0x80000049;
	[dreg:$0x1] =	wrdreg $0xFFFFFFFF  }
0xa7: {  	s28 =	simm.s32 $_size_execute0_lowered;
	s3 =	sadd.s32 s3, s5;
	[dreg:$0x0] =	wrdreg $0x0  }
0xa8: {  	s5 =	sshll.u32 s28, $0x1;
	[dreg:$0x2] =	wrdreg s3  }
0xa9: {  	[dreg:$0x3] =	wrdreg s5  }
0xaa: {  	[dreg:$0x4] =	wrdreg $0xC0  }
0xab: {  	_ =	task [dreg:s7], $0x5FFFF  }
0xac: {  	[dreg:$0x1] =	wrdreg $0xFFFFFFFF  }
0xad: {  	[dreg:$0x0] =	wrdreg $0x60  }
0xae: {  	[dreg:$0x2] =	wrdreg s24  }
0xaf: {  	[dreg:$0x3] =	wrdreg s2  }
0xb0: {  	[dreg:$0x4] =	wrdreg $0x0  }
0xb1: {  	[dreg:$0x5] =	wrdreg $0x9  }
0xb2: {  	_ =	task.clear_ibuf [dreg:s7], $0x6FFFF;
	_ =	strace $0x90000049  }
0xb3: {  	s29 =	simm.s32 $0x9;
	_ =	strace $0x8000004B  }
0xb4: {  	_ =	swait.ge [sflag:s29], $0x1  }
0xb5: {  	[sflag:s29] =	ssyncadd.s32 $0xFFFFFFFF  }
0xb6: {  	_ =	strace $0x9000004B  }
0xb7: {  	_ =	sfence  }
0xb8: {  	s30 =	sld [smem:$0x0];
	_ =	sdelay $0x2  }
0xb9: {  	s31 =	sshll.u32 s1, $0xD;
	s1 =	sshrl.u32 s1, $0x2  }
0xba: {  	s3 =	sand.u32 $0x4000, s31;
	s1 =	sadd.s32 s1, s30  }
0xbb: {  	s0 =	sor.u32 s3, s0;
	s1 =	sshll.u32 s1, $0x11  }
0xbc: {  	s0 =	sor.u32 s1, s0  }
0xbd: {  	s0 =	sadd.s32 $0x8F2B, s0  }
0xbe: {  	[sflag:s0] =	ssyncadd.remote.s32 $0x1  }
0xbf: {  	_ =	sfence.sel $0xFFFF  }
0xc0: {  	[dreg:$0x0] =	wrdreg $0xFFFFFFFF;
	(pc) =	sbr.abs _section_cstart, $3  }
0xc1: {  	[dreg:$0x1] =	wrdreg $0xFFFFFFFF  }
0xc2: {  	_ =	task.clear_ibuf [dreg:s7], $0x2FFFF;
	_ =	strace $0x9FFFFFFF  }
0xc3: {  	(tm) =	ssettm $0x7FFFFFFF  }
tec
execute0_lowered:
.L_overlay_start_1:
0x0: {  	(tag) =	ssettag $0x1  }
0x1: {  	s0 =	rddreg [dreg:$0x0]  }
0x2: {  	s1 =	rddreg [dreg:$0x1]  }
0x3: {  	s2 =	rddreg [dreg:$0x2];
	s3 =	simm.s32 $0x0;
	s4 =	srdreg.scid  }
0x4: {  	s20 =	stileid.u32;
	s30 =	simm.s32 $0x15000;
	s31 =	simm.s32 $0x3  }
0x5: {  	[smem:$0x7FF] =	sst s3;
	s4 =	sand.u32 $0x1, s4;
	s8 =	smul.u32 $0x14000, s20  }
0x6: {  	s5 =	sadd.s32 $0x8F600, s0;
	s9 =	sadd.s32 $0xA3600, s0;
	s29 =	smul.u32 $0xA000, s20  }
0x7: {  	_ =	strace $0x8000004A;
	s6 =	ssub.s32 $0x2, s4;
	s12 =	smul.u32 $0x140000, s4  }
0x8: {  	p0 =	sne.s32 s4, $0x0;
	s4 =	simm.s32 $0x1;
	s7 =	sshrl.u32 s6, $0x1  }
0x9: {  	s10 =	sor.u32 $0x2800, s8;
	s11 =	sadd.s32 $0x5000, s8;
	s13 =	sadd.s32 $0x7800, s8  }
0xa: {  	s16 =	sadd.s32 $0xA000, s8;
	s17 =	sadd.s32 $0xC800, s8;
	s18 =	sadd.s32 $0xF000, s8  }
0xb: {  	s6 =	ssub.s32 s6, s7;
	s7 =	smul.u32 $0x50000, s20;
	s14 =	sadd.s32 s8, s12  }
0xc: {  	s15 =	sadd.s32 s12, s10;
	s8 =	sadd.s32 $0x11800, s8;
	s26 =	sadd.s32 s12, s11  }
0xd: {  	s28 =	sadd.s32 s12, s13;
	s19 =	sadd.s32 s12, s16;
	s22 =	sadd.s32 s12, s17  }
0xe: {  	s23 =	sadd.s32 s12, s18;
	s13 =	sadd.s32 s13, s2;
	s16 =	sadd.s32 s16, s2  }
0xf: {  	s17 =	sadd.s32 s17, s2;
	s18 =	sadd.s32 s18, s2;
	[dreg:$0x10] =	wrdreg s13  }
0x10: {  	s14 =	sshrl.u32 s14, $0x3;
	s15 =	sshrl.u32 s15, $0x3;
	[dreg:$0x11] =	wrdreg s16  }
0x11: {  	s19 =	sshrl.u32 s19, $0x3;
	s12 =	sadd.s32 s12, s8;
	[dreg:$0x12] =	wrdreg s17  }
0x12: {  	s24 =	sshrl.u32 s23, $0x3;
	[dreg:$0x13] =	wrdreg s18;
	s14 =	sadd.s32 s9, s14  }
0x13: {  	s25 =	sadd.s32 s9, s15;
	s15 =	sshrl.u32 s28, $0x3;
	[dreg:$0x4] =	wrdreg s14  }
0x14: {  	s21 =	sadd.s32 s9, s19;
	s12 =	sshrl.u32 s12, $0x3;
	[dreg:$0x5] =	wrdreg s25  }
0x15: {  	s19 =	sadd.s32 s10, s2;
	s28 =	smax.u32 s6, $0x1;
	[dreg:$0x8] =	wrdreg s21  }
0x16: {  	s6 =	simm.s32 $0x50;
	s10 =	simm.s32 $0x0;
	[dreg:$0x15] =	wrdreg s28  }
0x17: {  	s14 =	sshrl.u32 s26, $0x3;
	s21 =	sadd.s32 s11, s2;
	[dreg:$0xe] =	wrdreg s19  }
0x18: {  	s25 =	sshrl.u32 s7, $0x2;
	s14 =	sadd.s32 s9, s14;
	[dreg:$0xf] =	wrdreg s21  }
0x19: {  	s26 =	smul.u32 $0x4E200, s20;
	[dreg:$0x6] =	wrdreg s14;
	s14 =	sadd.s32 s9, s15  }
0x1a: {  	[dreg:$0x7] =	wrdreg s14;
	s14 =	sshrl.u32 s22, $0x3;
	s22 =	sadd.s32 s8, s2  }
0x1b: {  	s7 =	simm.s32 $0x2;
	s14 =	sadd.s32 s9, s14;
	[dreg:$0x14] =	wrdreg s22  }
0x1c: {  	s15 =	sadd.s32 $0x585600, s0;
	[dreg:$0x9] =	wrdreg s14;
	s14 =	sadd.s32 s9, s24  }
0x1d: {  	s8 =	simm.s32 $0x17800;
	s9 =	sadd.s32 s9, s12;
	[dreg:$0xa] =	wrdreg s14  }
0x1e: {  	[dreg:$0xb] =	wrdreg s9;
	s14 =	sadd.s32 $0x7B600, s0;
	s0 =	sadd.s32 $0x3600, s0  }
0x1f: {  	s12 =	sadd.s32 s25, s2;
	[dreg:$0xc] =	wrdreg s0;
	s0 =	sadd.s32 s26, s15  }
0x20: {  	s25 =	smul.u32 $0x4E20, s20;
	[dreg:$0xd] =	wrdreg s12;
	s0 =	sadd.s32 $0x500, s0  }
0x21: {  	s9 =	simm.s32 $0x14C00;
	[dreg:$0x16] =	wrdreg s0;
	s0 =	simm.s32 $0x14000  }
.LBB2_1:
0x22: {  	s11 =	rddreg [dreg:$0xc]  }
0x23: {  	[tilespmem:s30], [sflag:$0x3] =	stream.linear.gather [hbm4b:s11+s3], $0x2800, $0x38;
	[tilespmem:$0x1B000] =	vst v63  }
0x24: {  	_ =	swait.ge [sflag:s31], $0x2800  }
0x25: {  	[sflag:s31] =	ssyncset.done $0x0  }
0x26: {  	[sflag:s31] =	ssyncadd.s32 $0xFFFFD800  }
0x27: {  	[spmem:s12] =	stream.linear.scatter [tilespmem:s30], [sflag:$0x3], $0x2800, $0x38;
	[tilespmem:$0x1B000] =	vst v63  }
0x28: {  	_ =	swait.ge [sflag:s31], $0x2800  }
0x29: {  	[sflag:s31] =	ssyncset.done $0x0  }
0x2a: {  	[sflag:s31] =	ssyncadd.s32 $0xFFFFD800  }
0x2b: {  	[spmem:s19] =	stream.linear.scatter [tilespmem:s30], [sflag:$0x3], $0x2800, $0x38;
	[tilespmem:$0x1B000] =	vst v63  }
0x2c: {  	_ =	swait.ge [sflag:s31], $0x2800  }
0x2d: {  	[sflag:s31] =	ssyncset.done $0x0  }
0x2e: {  	[sflag:s31] =	ssyncadd.s32 $0xFFFFD800  }
0x2f: {  	[spmem:s21] =	stream.linear.scatter [tilespmem:s30], [sflag:$0x3], $0x2800, $0x38;
	[tilespmem:$0x1B000] =	vst v63  }
0x30: {  	_ =	swait.ge [sflag:s31], $0x2800  }
0x31: {  	[sflag:s31] =	ssyncset.done $0x0  }
0x32: {  	[sflag:s31] =	ssyncadd.s32 $0xFFFFD800  }
0x33: {  	[spmem:s13] =	stream.linear.scatter [tilespmem:s30], [sflag:$0x3], $0x2800, $0x38;
	[tilespmem:$0x1B000] =	vst v63  }
0x34: {  	_ =	swait.ge [sflag:s31], $0x2800  }
0x35: {  	[sflag:s31] =	ssyncset.done $0x0  }
0x36: {  	[sflag:s31] =	ssyncadd.s32 $0xFFFFD800  }
0x37: {  	[spmem:s16] =	stream.linear.scatter [tilespmem:s30], [sflag:$0x3], $0x2800, $0x38;
	[tilespmem:$0x1B000] =	vst v63  }
0x38: {  	_ =	swait.ge [sflag:s31], $0x2800  }
0x39: {  	[sflag:s31] =	ssyncset.done $0x0  }
0x3a: {  	[sflag:s31] =	ssyncadd.s32 $0xFFFFD800  }
0x3b: {  	[spmem:s17] =	stream.linear.scatter [tilespmem:s30], [sflag:$0x3], $0x2800, $0x38;
	[tilespmem:$0x1B000] =	vst v63  }
0x3c: {  	_ =	swait.ge [sflag:s31], $0x2800  }
0x3d: {  	[sflag:s31] =	ssyncset.done $0x0  }
0x3e: {  	[sflag:s31] =	ssyncadd.s32 $0xFFFFD800  }
0x3f: {  	[spmem:s18] =	stream.linear.scatter [tilespmem:s30], [sflag:$0x3], $0x2800, $0x38;
	[tilespmem:$0x1B000] =	vst v63  }
0x40: {  	_ =	swait.ge [sflag:s31], $0x2800  }
0x41: {  	[sflag:s31] =	ssyncset.done $0x0  }
0x42: {  	[sflag:s31] =	ssyncadd.s32 $0xFFFFD800  }
0x43: {  	[spmem:s22] =	stream.linear.scatter [tilespmem:s30], [sflag:$0x3], $0x2800, $0x38;
	[tilespmem:$0x1B000] =	vst v63  }
0x44: {  	_ =	swait.ge [sflag:s31], $0x2800  }
0x45: {  	[sflag:s31] =	ssyncset.done $0x0  }
0x46: {  	[sflag:s31] =	ssyncadd.s32 $0xFFFFD800  }
0x47: {  	[bflag:$0x0] =	sbarrier.arrive $0xFFFF  }
0x48: {  	s12 =	simm.s32 $0x0;
	s28 =	rddreg [dreg:$0x16]  }
.LBB2_2:
0x49: {  	s11 =	sshll.u32 s12, $0xC  }
0x4a: {  	s11 =	sadd.s32 s29, s11  }
0x4b: {  	s11 =	sshrl.u32 s11, $0x3  }
0x4c: {  	s13 =	sadd.s32 s14, s11  }
0x4d: {  	[tilespmem:s0], [sflag:$0x3] =	stream.linear.gather [hbm4b:s13+s3], $0xC80, $0x38;
	[tilespmem:$0x1B000] =	vst v63  }
0x4e: {  	s13 =	smul.u32 @p0 $0x7D0, s12;
	_ =	sdelay $0x1  }
0x4f: {  	_ =	swait.ge [sflag:s31], $0xC80;
	s13 =	sadd.s32 @p0 s25, s13  }
0x50: {  	s16 =	simm.s32 @p0 $0x15000;
	[sflag:s31] =	ssyncset.done $0x0;
	s13 =	sshll.u32 @p0 s13, $0x4  }
0x51: {  	[sflag:s31] =	ssyncadd.s32 $0xFFFFF380;
	s17 =	sadd.s32 @p0 s15, s13;
	s13 =	simm.s32 @p0 $0x0  }
0x52: {  	[tilespmem:s16], [sflag:$0x1] =	stream.linear.gather @p0 [hbm4b:s17+s13], $0x2800, $0x38;
	[tilespmem:$0x1B000] =	vst v63  }
0x53: {  	s18 =	simm.s32 @!p0 $0x1A000;
	s11 =	sadd.s32 @!p0 s5, s11;
	s17 =	simm.s32 @!p0 $0x0  }
0x54: {  	[tilespmem:s18], [sflag:$0x3] =	stream.linear.gather @!p0 [hbm4b:s11+s17], $0xC80, $0x38;
	[tilespmem:$0x1B000] =	vst v63  }
0x55: {  	s11 =	simm.s32 @!p0 $0x3  }
0x56: {  	_ =	swait.ge @!p0 [sflag:s11], $0xC80  }
0x57: {  	[sflag:s11] =	ssyncset.done @!p0 $0x0  }
0x58: {  	s26 =	simm.s32 @!p0 $0x50;
	[sflag:s11] =	ssyncadd.s32 @!p0 $0xFFFFF380;
	s11 =	simm.s32 @!p0 $0x15000  }
0x59: {  	[tilespmem:s11], [sflag:$0x1] =	stream.indirect.gather @!p0 [hbm4b:s1+s26], $0x80, s18, s26, $0xb8;
	[tilespmem:$0x1B000] =	vst v63  }
0x5a: {  	s17 =	simm.s32 @p0 $0x17800  }
0x5b: {  	[tilespmem:s17], [sflag:$0x2] =	stream.linear.gather @p0 [hbm4b:s28+s13], $0x2800, $0x38;
	[tilespmem:$0x1B000] =	vst v63  }
0x5c: {  	s19 =	simm.s32 @!p0 $0x1A080;
	s18 =	simm.s32 @!p0 $0x17800  }
0x5d: {  	[tilespmem:s18], [sflag:$0x2] =	stream.indirect.gather @!p0 [hbm4b:s1+s26], $0x80, s19, s26, $0xb8;
	[tilespmem:$0x1B000] =	vst v63  }
0x5e: {  	_ =	swait.ge [sflag:s4], $0x2800  }
0x5f: {  	[sflag:s4] =	ssyncset.done $0x0  }
0x60: {  	s23 =	simm.s32 $0x14000;
	[sflag:s4] =	ssyncadd.s32 $0xFFFFD800  }
0x61: {  	[spmem:s2] =	stream.indirect.scatter.add.f32 [tilespmem:s30], [sflag:$0x3], $0x80, s23, s6, $0xb8;
	[tilespmem:$0x1B000] =	vst v63  }
0x62: {  	_ =	swait.ge [sflag:s31], $0x2800  }
0x63: {  	[sflag:s31] =	ssyncset.done $0x0  }
0x64: {  	s19 =	sadd.s32 @p0 $0x500, s28;
	[sflag:s31] =	ssyncadd.s32 $0xFFFFD800  }
0x65: {  	[tilespmem:s16], [sflag:$0x1] =	stream.linear.gather @p0 [hbm4b:s19+s13], $0x2800, $0x38;
	[tilespmem:$0x1B000] =	vst v63  }
0x66: {  	s19 =	simm.s32 @!p0 $0x1A100  }
0x67: {  	[tilespmem:s11], [sflag:$0x1] =	stream.indirect.gather @!p0 [hbm4b:s1+s26], $0x80, s19, s26, $0xb8;
	[tilespmem:$0x1B000] =	vst v63  }
0x68: {  	_ =	swait.ge [sflag:s7], $0x2800  }
0x69: {  	[sflag:s7] =	ssyncset.done $0x0  }
0x6a: {  	s24 =	simm.s32 $0x14080;
	[sflag:s7] =	ssyncadd.s32 $0xFFFFD800  }
0x6b: {  	[spmem:s2] =	stream.indirect.scatter.add.f32 [tilespmem:s8], [sflag:$0x3], $0x80, s24, s6, $0xb8;
	[tilespmem:$0x1B000] =	vst v63  }
0x6c: {  	s20 =	simm.s32 $0x400;
	_ =	swait.ge [sflag:s31], $0x2800  }
0x6d: {  	s21 =	simm.s32 $0x800;
	s19 =	sadd.s32 $0xA00, s28;
	[sflag:s31] =	ssyncset.done $0x0  }
.LBB2_3:
0x6e: {  	s22 =	sshra.s32 @!p0 s20, $0x2;
	[sflag:s31] =	ssyncadd.s32 $0xFFFFD800;
	s23 =	smov.u32 s21  }
0x6f: {  	[tilespmem:s17], [sflag:$0x2] =	stream.linear.gather @p0 [hbm4b:s19+s13], $0x2800, $0x38;
	[tilespmem:$0x1B000] =	vst v63  }
0x70: {  	s21 =	sadd.s32 $0x400, s21;
	s24 =	sadd.s32 @!p0 $0x1A080, s22  }
0x71: {  	[tilespmem:s18], [sflag:$0x2] =	stream.indirect.gather @!p0 [hbm4b:s1+s26], $0x80, s24, s26, $0xb8;
	[tilespmem:$0x1B000] =	vst v63  }
0x72: {  	p1 =	sne.s32 s21, $0x3000;
	_ =	swait.ge [sflag:s4], $0x2800  }
0x73: {  	s24 =	sshra.s32 s20, $0x2;
	s20 =	smov.u32 s23;
	[sflag:s4] =	ssyncset.done $0x0  }
0x74: {  	s23 =	sadd.s32 $0x14000, s24;
	[sflag:s4] =	ssyncadd.s32 $0xFFFFD800  }
0x75: {  	[spmem:s2] =	stream.indirect.scatter.add.f32 [tilespmem:s30], [sflag:$0x3], $0x80, s23, s6, $0xb8;
	[tilespmem:$0x1B000] =	vst v63  }
0x76: {  	_ =	swait.ge [sflag:s31], $0x2800  }
0x77: {  	[sflag:s31] =	ssyncset.done $0x0  }
0x78: {  	s23 =	sadd.s32 @p0 $0x500, s19;
	[sflag:s31] =	ssyncadd.s32 $0xFFFFD800  }
0x79: {  	[tilespmem:s16], [sflag:$0x1] =	stream.linear.gather @p0 [hbm4b:s23+s13], $0x2800, $0x38;
	[tilespmem:$0x1B000] =	vst v63  }
0x7a: {  	s22 =	sadd.s32 @!p0 $0x1A100, s22  }
0x7b: {  	[tilespmem:s11], [sflag:$0x1] =	stream.indirect.gather @!p0 [hbm4b:s1+s26], $0x80, s22, s26, $0xb8;
	[tilespmem:$0x1B000] =	vst v63  }
0x7c: {  	_ =	swait.ge [sflag:s7], $0x2800  }
.Ltmp0:
0x7d: {  	[sflag:s7] =	ssyncset.done $0x0;
	(pc) =	sbr.rel @p1 .LBB2_3-.Ltmp0, $4  }
0x7e: {  	s22 =	sadd.s32 $0x14080, s24;
	[sflag:s7] =	ssyncadd.s32 $0xFFFFD800  }
0x7f: {  	[spmem:s2] =	stream.indirect.scatter.add.f32 [tilespmem:s8], [sflag:$0x3], $0x80, s22, s6, $0xb8;
	[tilespmem:$0x1B000] =	vst v63  }
0x80: {  	_ =	swait.ge [sflag:s31], $0x2800  }
0x81: {  	s19 =	sadd.s32 $0xA00, s19;
	[sflag:s31] =	ssyncset.done $0x0  }
0x82: {  	s17 =	simm.s32 @p0 $0x17800;
	s18 =	sshra.s32 @!p0 s20, $0x2;
	[sflag:s31] =	ssyncadd.s32 $0xFFFFD800  }
0x83: {  	[tilespmem:s17], [sflag:$0x2] =	stream.linear.gather @p0 [hbm4b:s19+s13], $0x2800, $0x38;
	[tilespmem:$0x1B000] =	vst v63  }
0x84: {  	s21 =	simm.s32 @!p0 $0x17800;
	s17 =	sadd.s32 @!p0 $0x1A080, s18  }
0x85: {  	[tilespmem:s21], [sflag:$0x2] =	stream.indirect.gather @!p0 [hbm4b:s1+s26], $0x80, s17, s26, $0xb8;
	[tilespmem:$0x1B000] =	vst v63  }
0x86: {  	_ =	swait.ge [sflag:s4], $0x2800  }
0x87: {  	s24 =	sshra.s32 s20, $0x2;
	[sflag:s4] =	ssyncset.done $0x0  }
0x88: {  	s20 =	sadd.s32 $0x14000, s24;
	[sflag:s4] =	ssyncadd.s32 $0xFFFFD800  }
0x89: {  	[spmem:s2] =	stream.indirect.scatter.add.f32 [tilespmem:s30], [sflag:$0x3], $0x80, s20, s6, $0xb8;
	[tilespmem:$0x1B000] =	vst v63  }
0x8a: {  	_ =	swait.ge [sflag:s31], $0x2800  }
0x8b: {  	[sflag:s31] =	ssyncset.done $0x0  }
0x8c: {  	s19 =	sadd.s32 @p0 $0x500, s19;
	[sflag:s31] =	ssyncadd.s32 $0xFFFFD800  }
0x8d: {  	[tilespmem:s16], [sflag:$0x1] =	stream.linear.gather @p0 [hbm4b:s19+s13], $0x2800, $0x38;
	[tilespmem:$0x1B000] =	vst v63  }
0x8e: {  	s13 =	sadd.s32 @!p0 $0x1A100, s18  }
0x8f: {  	[tilespmem:s11], [sflag:$0x1] =	stream.indirect.gather @!p0 [hbm4b:s1+s26], $0x80, s13, s26, $0xb8;
	[tilespmem:$0x1B000] =	vst v63  }
0x90: {  	_ =	swait.ge [sflag:s7], $0x2800  }
0x91: {  	[sflag:s7] =	ssyncset.done $0x0  }
0x92: {  	s26 =	sadd.s32 $0x14080, s24;
	[sflag:s7] =	ssyncadd.s32 $0xFFFFD800  }
0x93: {  	[spmem:s2] =	stream.indirect.scatter.add.f32 [tilespmem:s8], [sflag:$0x3], $0x80, s26, s6, $0xb8;
	[tilespmem:$0x1B000] =	vst v63  }
0x94: {  	_ =	swait.ge [sflag:s31], $0x2800  }
0x95: {  	[sflag:s31] =	ssyncset.done $0x0  }
0x96: {  	[sflag:s31] =	ssyncadd.s32 $0xFFFFD800  }
0x97: {  	s12 =	sadd.s32 $0x1, s12;
	_ =	swait.ge [sflag:s4], $0x2800  }
0x98: {  	p1 =	sne.s32 s12, $0xA;
	[sflag:s4] =	ssyncset.done $0x0  }
.Ltmp1:
0x99: {  	[sflag:s4] =	ssyncadd.s32 $0xFFFFD800;
	(pc) =	sbr.rel @p1 .LBB2_2-.Ltmp1, $4  }
0x9a: {  	[spmem:s2] =	stream.indirect.scatter.add.f32 [tilespmem:s30], [sflag:$0x3], $0x80, s9, s6, $0xb8;
	[tilespmem:$0x1B000] =	vst v63  }
0x9b: {  	_ =	swait.ge [sflag:s31], $0x2800  }
0x9c: {  	[sflag:s31] =	ssyncset.done $0x0  }
0x9d: {  	s28 =	sadd.s32 $0x7D00, s28;
	[sflag:s31] =	ssyncadd.s32 $0xFFFFD800  }
0x9e: {  	[bflag:$0x0] =	sbarrier.arrive $0xFFFF  }
0x9f: {  	s12 =	rddreg [dreg:$0xd]  }
0xa0: {  	[tilespmem:s30], [sflag:$0x3] =	stream.linear.gather [spmem:s12], $0x2800, $0x38;
	[tilespmem:$0x1B000] =	vst v63  }
0xa1: {  	_ =	swait.ge [sflag:s31], $0x2800  }
0xa2: {  	[sflag:s31] =	ssyncset.done $0x0  }
0xa3: {  	s11 =	rddreg [dreg:$0x4];
	[sflag:s31] =	ssyncadd.s32 $0xFFFFD800  }
0xa4: {  	[hbm4b:s11+s3] =	stream.linear.scatter [tilespmem:s30], [sflag:$0x3], $0x2800, $0x38;
	[tilespmem:$0x1B000] =	vst v63  }
0xa5: {  	_ =	swait.ge [sflag:s31], $0x2800  }
0xa6: {  	[sflag:s31] =	ssyncset.done $0x0  }
0xa7: {  	s19 =	rddreg [dreg:$0xe];
	[sflag:s31] =	ssyncadd.s32 $0xFFFFD800  }
0xa8: {  	[tilespmem:s30], [sflag:$0x3] =	stream.linear.gather [spmem:s19], $0x2800, $0x38;
	[tilespmem:$0x1B000] =	vst v63  }
0xa9: {  	_ =	swait.ge [sflag:s31], $0x2800  }
0xaa: {  	[sflag:s31] =	ssyncset.done $0x0  }
0xab: {  	s17 =	rddreg [dreg:$0x5];
	[sflag:s31] =	ssyncadd.s32 $0xFFFFD800  }
0xac: {  	[hbm4b:s17+s3] =	stream.linear.scatter [tilespmem:s30], [sflag:$0x3], $0x2800, $0x38;
	[tilespmem:$0x1B000] =	vst v63  }
0xad: {  	_ =	swait.ge [sflag:s31], $0x2800  }
0xae: {  	[sflag:s31] =	ssyncset.done $0x0  }
0xaf: {  	s21 =	rddreg [dreg:$0xf];
	[sflag:s31] =	ssyncadd.s32 $0xFFFFD800  }
0xb0: {  	[tilespmem:s30], [sflag:$0x3] =	stream.linear.gather [spmem:s21], $0x2800, $0x38;
	[tilespmem:$0x1B000] =	vst v63  }
0xb1: {  	_ =	swait.ge [sflag:s31], $0x2800  }
0xb2: {  	[sflag:s31] =	ssyncset.done $0x0  }
0xb3: {  	s18 =	rddreg [dreg:$0x6];
	[sflag:s31] =	ssyncadd.s32 $0xFFFFD800  }
0xb4: {  	[hbm4b:s18+s3] =	stream.linear.scatter [tilespmem:s30], [sflag:$0x3], $0x2800, $0x38;
	[tilespmem:$0x1B000] =	vst v63  }
0xb5: {  	_ =	swait.ge [sflag:s31], $0x2800  }
0xb6: {  	[sflag:s31] =	ssyncset.done $0x0  }
0xb7: {  	s13 =	rddreg [dreg:$0x10];
	[sflag:s31] =	ssyncadd.s32 $0xFFFFD800  }
0xb8: {  	[tilespmem:s30], [sflag:$0x3] =	stream.linear.gather [spmem:s13], $0x2800, $0x38;
	[tilespmem:$0x1B000] =	vst v63  }
0xb9: {  	_ =	swait.ge [sflag:s31], $0x2800  }
0xba: {  	[sflag:s31] =	ssyncset.done $0x0  }
0xbb: {  	s20 =	rddreg [dreg:$0x7];
	[sflag:s31] =	ssyncadd.s32 $0xFFFFD800  }
0xbc: {  	[hbm4b:s20+s3] =	stream.linear.scatter [tilespmem:s30], [sflag:$0x3], $0x2800, $0x38;
	[tilespmem:$0x1B000] =	vst v63  }
0xbd: {  	_ =	swait.ge [sflag:s31], $0x2800  }
0xbe: {  	[sflag:s31] =	ssyncset.done $0x0  }
0xbf: {  	s16 =	rddreg [dreg:$0x11];
	[sflag:s31] =	ssyncadd.s32 $0xFFFFD800  }
0xc0: {  	[tilespmem:s30], [sflag:$0x3] =	stream.linear.gather [spmem:s16], $0x2800, $0x38;
	[tilespmem:$0x1B000] =	vst v63  }
0xc1: {  	_ =	swait.ge [sflag:s31], $0x2800  }
0xc2: {  	[sflag:s31] =	ssyncset.done $0x0  }
0xc3: {  	s22 =	rddreg [dreg:$0x8];
	[sflag:s31] =	ssyncadd.s32 $0xFFFFD800  }
0xc4: {  	[hbm4b:s22+s3] =	stream.linear.scatter [tilespmem:s30], [sflag:$0x3], $0x2800, $0x38;
	[tilespmem:$0x1B000] =	vst v63  }
0xc5: {  	_ =	swait.ge [sflag:s31], $0x2800  }
0xc6: {  	[sflag:s31] =	ssyncset.done $0x0  }
0xc7: {  	s17 =	rddreg [dreg:$0x12];
	[sflag:s31] =	ssyncadd.s32 $0xFFFFD800  }
0xc8: {  	[tilespmem:s30], [sflag:$0x3] =	stream.linear.gather [spmem:s17], $0x2800, $0x38;
	[tilespmem:$0x1B000] =	vst v63  }
0xc9: {  	_ =	swait.ge [sflag:s31], $0x2800  }
0xca: {  	[sflag:s31] =	ssyncset.done $0x0  }
0xcb: {  	s23 =	rddreg [dreg:$0x9];
	[sflag:s31] =	ssyncadd.s32 $0xFFFFD800  }
0xcc: {  	[hbm4b:s23+s3] =	stream.linear.scatter [tilespmem:s30], [sflag:$0x3], $0x2800, $0x38;
	[tilespmem:$0x1B000] =	vst v63  }
0xcd: {  	_ =	swait.ge [sflag:s31], $0x2800  }
0xce: {  	[sflag:s31] =	ssyncset.done $0x0  }
0xcf: {  	s18 =	rddreg [dreg:$0x13];
	[sflag:s31] =	ssyncadd.s32 $0xFFFFD800  }
0xd0: {  	[tilespmem:s30], [sflag:$0x3] =	stream.linear.gather [spmem:s18], $0x2800, $0x38;
	[tilespmem:$0x1B000] =	vst v63  }
0xd1: {  	_ =	swait.ge [sflag:s31], $0x2800  }
0xd2: {  	[sflag:s31] =	ssyncset.done $0x0  }
0xd3: {  	s24 =	rddreg [dreg:$0xa];
	[sflag:s31] =	ssyncadd.s32 $0xFFFFD800  }
0xd4: {  	[hbm4b:s24+s3] =	stream.linear.scatter [tilespmem:s30], [sflag:$0x3], $0x2800, $0x38;
	[tilespmem:$0x1B000] =	vst v63  }
0xd5: {  	_ =	swait.ge [sflag:s31], $0x2800  }
0xd6: {  	[sflag:s31] =	ssyncset.done $0x0  }
0xd7: {  	s22 =	rddreg [dreg:$0x14];
	[sflag:s31] =	ssyncadd.s32 $0xFFFFD800  }
0xd8: {  	[tilespmem:s30], [sflag:$0x3] =	stream.linear.gather [spmem:s22], $0x2800, $0x38;
	[tilespmem:$0x1B000] =	vst v63  }
0xd9: {  	_ =	swait.ge [sflag:s31], $0x2800  }
0xda: {  	[sflag:s31] =	ssyncset.done $0x0  }
0xdb: {  	s26 =	rddreg [dreg:$0xb];
	[sflag:s31] =	ssyncadd.s32 $0xFFFFD800  }
0xdc: {  	[hbm4b:s26+s3] =	stream.linear.scatter [tilespmem:s30], [sflag:$0x3], $0x2800, $0x38;
	[tilespmem:$0x1B000] =	vst v63  }
0xdd: {  	_ =	swait.ge [sflag:s31], $0x2800  }
0xde: {  	s10 =	sadd.s32 $0x1, s10;
	s28 =	rddreg [dreg:$0x15]  }
0xdf: {  	p1 =	sne.s32 s10, s28  }
.Ltmp2:
0xe0: {  	_ = 	snop;
	(pc) =	sbr.rel @p1 .LBB2_1-.Ltmp2, $3  }
0xe1: {  	_ =	sdelay $0x1  }
0xe2: {  	[sflag:s31] =	ssyncset.done $0x0  }
0xe3: {  	[sflag:s31] =	ssyncadd.s32 $0xFFFFD800  }
0xe4: {  	_ =	sfence.sel $0x180000  }
0xe5: {  	[bflag:$0x0] =	sbarrier.arrive $0xFFFF  }
0xe6: {  	_ =	strace $0x9000004A  }
0xe7: {  	s0 =	stileid.u32;
	[bflag:$0x2] =	sbarrier.arrive $0xFFFF  }
0xe8: {  	p0 =	sne.s32 s0, $0x0;
	s0 =	rddreg [dreg:$0x3]  }
0xe9: {  	s0 =	sadd.s32 @!p0 $0x100000, s0  }
0xea: {  	[sflag:s0] =	ssyncadd.tile.s32 @!p0 $0x1;
	_ =	shalt  }
.Lfunc_end2:
_tile_overlayer_lowered:
.L_overlay_start_2:
0xeb: {  	(tag) =	ssettag $0x2  }
0xec: {  	s0 =	rddreg [dreg:$0x0];
	s2 =	stileid.u32  }
0xed: {  	s1 =	rddreg [dreg:$0x1];
	p0 =	sne.s32 s2, $0x0  }
0xee: {  	s3 =	rddreg [dreg:$0x2];
	[bflag:$0x3] =	sbarrier.arrive $0xFFFF;
	s2 =	simm.s32 @!p0 $0x1C03  }
0xef: {  	[timem:s3], [sflag:s2] =	dma.local @!p0 [hbm:s0], s1  }
0xf0: {  	s0 =	simm.s32 @!p0 $0x3  }
0xf1: {  	_ =	swait.ge @!p0 [sflag:s0], s1  }
0xf2: {  	s1 =	ssub.s32 @!p0 $0x0, s1;
	[sflag:s0] =	ssyncset.done @!p0 $0x0  }
0xf3: {  	[sflag:s0] =	ssyncadd.s32 @!p0 s1  }
0xf4: {  	[bflag:$0x3] =	sbarrier.arrive $0xFFFF  }
0xf5: {  	_ =	shalt  }

// kernel: kernel.7.cloned.1.call-start
scs
__scs_entry_jumppad:
0x0: {  	(pc) =	sbr.rel $0x88, $3  }
0x1: {  	(tag) =	ssettag $0x0;
	lr =	simm.s32 $0x1  }
0x2: {  	[smem:$0x3F98] =	sst lr;
	_ =	strace $0xD0000000  }
0x3: {  	_ = 	snop  }
0x4: {  	_ = 	snop  }
0x5: {  	_ = 	snop  }
0x6: {  	_ = 	snop  }
0x7: {  	_ = 	snop  }
__scs_overlays_trampoline_lowered:
0x8: {  	[smem:$0x3FA7] =	sst s0  }
0x9: {  	[smem:$0x3FA8] =	sst s1  }
0xa: {  	[smem:$0x3FA9] =	sst s2  }
0xb: {  	[smem:$0x3FAA] =	sst s3  }
0xc: {  	[smem:$0x3FAB] =	sst s4  }
0xd: {  	[smem:$0x3FAC] =	sst s5  }
0xe: {  	[smem:$0x3FAD] =	sst s6  }
0xf: {  	[smem:$0x3FAE] =	sst s7  }
0x10: {  	[smem:$0x3FAF] =	sst s8  }
0x11: {  	[smem:$0x3FB0] =	sst s9;
	s0 =	simm.s32 @!p0 $0x0  }
0x12: {  	s1 =	sld [smem:$0x3F96];
	s0 =	simm.s32 @p0 $0x1  }
0x13: {  	[smem:$0x3FB1] =	sst s0;
	s0 =	simm.s32 @!p1 $0x0  }
0x14: {  	s2 =	sld [smem:$0x3F95];
	s0 =	simm.s32 @p1 $0x1  }
0x15: {  	[smem:$0x3FB2] =	sst s0;
	s0 =	simm.s32 @!p2 $0x0  }
0x16: {  	s3 =	sld [smem:$0x3FDB];
	s0 =	simm.s32 @p2 $0x1  }
0x17: {  	s4 =	simm.s32 $0x1BF5;
	[smem:$0x3FB4] =	sst s0  }
0x18: {  	s0 =	sld [smem:$0x3F97];
	_ =	swait.ge [sflag:s4], $0x0  }
0x19: {  	s7 =	sld [smem:$0x3F98]  }
0x1a: {  	s8 =	sadd.s32 $0xFFFFE003, lr  }
0x1b: {  	s9 =	sadd.s32 $0xFFFFFEF7, lr;
	s5 =	simm.s32 $0xFFFFFFFF;
	p2 =	slt.u32 s8, $0xFFFFF086  }
0x1c: {  	p1 =	slt.u32 s9, $0xF7A;
	s5 =	simm.s32 @!p2 $0x0  }
0x1d: {  	s5 =	simm.s32 @p1 $0x1;
	p0 =	seq.s32 s7, s2  }
0x1e: {  	s7 =	smul.u32 @!p0 $0xF7A, s2;
	p2 =	seq.s32 @!p0 s5, $0x0  }
0x1f: {  	s9 =	smul.u32 $0xF7A, s1;
	s8 =	simm.s32 @!p0 $0x1BF5;
	p2 =	por !p2, p0  }
0x20: {  	[sflag:s8] =	ssyncset.s32 @!p0 $0xFFFFF086;
	s6 =	sadd.s32 @!p0 s3, s7;
	s7 =	simm.s32 @!p0 $0x108  }
0x21: {  	s3 =	sadd.s32 s3, s9;
	s6 =	sadd.s32 @!p0 $0x88, s6;
	s7 =	simm.s32 @p2 $0x1082  }
0x22: {  	[simem:s7], [sflag:s8] =	dma.local @!p0 [hbm:s6], $0xF7A  }
0x23: {  	s9 =	sor.u32 $0xD0000000, s2;
	s6 =	simm.s32 $0x108;
	_ =	swait.ge @!p0 [sflag:s8], $0x0  }
0x24: {  	s3 =	sadd.s32 $0x88, s3;
	s6 =	simm.s32 @!p1 $0x1082;
	[sflag:s4] =	ssyncset.s32 $0xFFFFF086  }
0x25: {  	[simem:s6], [sflag:s4] =	dma.local [hbm:s3], $0xF7A  }
0x26: {  	[smem:$0x3F98] =	sst s1;
	(tag) =	ssettag s2;
	_ =	strace s9  }
0x27: {  	s1 =	sld [smem:$0x3FA8]  }
0x28: {  	s2 =	sld [smem:$0x3FA9]  }
0x29: {  	s4 =	sld [smem:$0x3FAB]  }
0x2a: {  	p0 =	seq.s32 s5, $0x0;
	s5 =	sld [smem:$0x3FAC]  }
0x2b: {  	s6 =	sld [smem:$0x3FAD]  }
0x2c: {  	s7 =	sld [smem:$0x3FAE]  }
0x2d: {  	s3 =	simm.s32 $0x108;
	s8 =	sld [smem:$0x3FAF]  }
0x2e: {  	s3 =	simm.s32 @!p0 $0x1082;
	s9 =	sld [smem:$0x3FB0]  }
0x2f: {  	lr =	sadd.s32 s0, s3;
	s0 =	sld [smem:$0x3FA7]  }
0x30: {  	s3 =	sld [smem:$0x3FAA]  }
0x31: {  	[smem:$0x3FB3] =	sst s10  }
0x32: {  	s10 =	sld [smem:$0x3FB1];
	_ =	sdelay $0x3  }
0x33: {  	p0 =	seq.s32 s10, $0x1;
	s10 =	sld [smem:$0x3FB3];
	_ =	sdelay $0x3  }
0x34: {  	[smem:$0x3FB3] =	sst s10  }
0x35: {  	s10 =	sld [smem:$0x3FB2];
	_ =	sdelay $0x3  }
0x36: {  	p1 =	seq.s32 s10, $0x1;
	s10 =	sld [smem:$0x3FB3];
	_ =	sdelay $0x3  }
0x37: {  	[smem:$0x3FB3] =	sst s10  }
0x38: {  	s10 =	sld [smem:$0x3FB4]  }
0x39: {  	_ = 	snop;
	(pc) =	sbr.ind lr, $3  }
0x3a: {  	_ = 	snop  }
0x3b: {  	_ = 	snop  }
0x3c: {  	p2 =	seq.s32 s10, $0x1;
	s10 =	sld [smem:$0x3FB3]  }
0x3d: {  	_ =	shalt  }
0x3e: {  	_ =	shalt  }
0x3f: {  	_ =	shalt  }
0x40: {  	_ =	shalt  }
0x41: {  	_ =	shalt  }
0x42: {  	_ =	shalt  }
0x43: {  	_ =	shalt  }
0x44: {  	_ =	shalt  }
0x45: {  	_ =	shalt  }
0x46: {  	_ =	shalt  }
0x47: {  	_ =	shalt  }
0x48: {  	_ =	shalt  }
0x49: {  	_ =	shalt  }
0x4a: {  	_ =	shalt  }
0x4b: {  	_ =	shalt  }
0x4c: {  	_ =	shalt  }
0x4d: {  	_ =	shalt  }
0x4e: {  	_ =	shalt  }
0x4f: {  	_ =	shalt  }
0x50: {  	_ =	shalt  }
0x51: {  	_ =	shalt  }
0x52: {  	_ =	shalt  }
0x53: {  	_ =	shalt  }
0x54: {  	_ =	shalt  }
0x55: {  	_ =	shalt  }
0x56: {  	_ =	shalt  }
0x57: {  	_ =	shalt  }
0x58: {  	_ =	shalt  }
0x59: {  	_ =	shalt  }
0x5a: {  	_ =	shalt  }
0x5b: {  	_ =	shalt  }
0x5c: {  	_ =	shalt  }
0x5d: {  	_ =	shalt  }
0x5e: {  	_ =	shalt  }
0x5f: {  	_ =	shalt  }
0x60: {  	_ =	shalt  }
0x61: {  	_ =	shalt  }
0x62: {  	_ =	shalt  }
0x63: {  	_ =	shalt  }
0x64: {  	_ =	shalt  }
0x65: {  	_ =	shalt  }
0x66: {  	_ =	shalt  }
0x67: {  	_ =	shalt  }
0x68: {  	_ =	shalt  }
0x69: {  	_ =	shalt  }
0x6a: {  	_ =	shalt  }
0x6b: {  	_ =	shalt  }
0x6c: {  	_ =	shalt  }
0x6d: {  	_ =	shalt  }
0x6e: {  	_ =	shalt  }
0x6f: {  	_ =	shalt  }
0x70: {  	_ =	shalt  }
0x71: {  	_ =	shalt  }
0x72: {  	_ =	shalt  }
0x73: {  	_ =	shalt  }
0x74: {  	_ =	shalt  }
0x75: {  	_ =	shalt  }
0x76: {  	_ =	shalt  }
0x77: {  	_ =	shalt  }
0x78: {  	_ =	shalt  }
0x79: {  	_ =	shalt  }
0x7a: {  	_ =	shalt  }
0x7b: {  	_ =	shalt  }
0x7c: {  	_ =	shalt  }
0x7d: {  	_ =	shalt  }
0x7e: {  	_ =	shalt  }
0x7f: {  	_ =	shalt  }
0x80: {  	_ =	shalt  }
0x81: {  	_ =	shalt  }
0x82: {  	_ =	shalt  }
0x83: {  	_ =	shalt  }
0x84: {  	_ =	shalt  }
0x85: {  	_ =	shalt  }
0x86: {  	_ =	shalt  }
0x87: {  	_ =	shalt  }
.Lfunc_end0:
.L_simem_size_0:
called_computation_lowered:
.L_overlay_start_0:
0x88: {  	s2 =	sld [smem:$0x3FD9]  }
0x89: {  	s3 =	sld [smem:$0x3FFE];
	_ =	sdelay $0x1  }
0x8a: {  	s1 =	srdreg.scid  }
0x8b: {  	s0 =	sand.u32 $0x1, s1  }
0x8c: {  	s17 =	sshll.u32 s0, $0xA;
	s2 =	sadd.s32 s3, s2  }
0x8d: {  	s2 =	sadd.s32 s2, s17  }
0x8e: {  	[smem:$0x3FBF] =	sst s2  }
0x8f: {  	_ = 	snop  }
0x90: {  	s2 =	sld [smem:$0x3FD0];
	(tm) =	ssettm $0x1  }
0x91: {  	s18 =	sld [smem:$0x3FFB];
	_ =	sdelay $0x3  }
0x92: {  	_ =	strace s18  }
0x93: {  	s3 =	sld [smem:$0x3FFC];
	_ =	sdelay $0x3  }
0x94: {  	_ =	strace s3  }
0x95: {  	s3 =	sld [smem:$0x3FFD];
	_ =	sdelay $0x3  }
0x96: {  	_ =	strace s3  }
0x97: {  	_ =	strace $0x8FFFFFFF  }
0x98: {  	s19 =	sld [smem:$0x3FDB];
	_ =	sdelay $0x1  }
0x99: {  	s4 =	simm.s32 $_scs_section_size  }
0x9a: {  	s5 =	simm.s32 $_size__tile_overlayer_lowered;
	s6 =	simm.s32 $_tile_overlayer_lowered  }
0x9b: {  	s22 =	simm.s32 $0x1BFF;
	s21 =	sshll.u32 s6, $0x1;
	s3 =	sadd.s32 s4, s19  }
0x9c: {  	s7 =	simm.s32 $0x0;
	s20 =	sshll.u32 s5, $0x1;
	s5 =	sadd.s32 s21, s3  }
0x9d: {  	[timem:s7], [sflag:s22] =	dma.local [hbm:s5], s20  }
0x9e: {  	_ =	swait.ge [sflag:s22], s20  }
0x9f: {  	s4 =	ssub.s32 $0x0, s20;
	[sflag:s22] =	ssyncset.done $0x0  }
0xa0: {  	[sflag:s22] =	ssyncadd.s32 s4;
	_ =	sdelay $0x1  }
0xa1: {  	s23 =	simm.s32 $0x1B8B  }
0xa2: {  	_ =	swait.ge [sflag:s23], $0x1  }
0xa3: {  	[sflag:s23] =	ssyncset.done $0x0  }
0xa4: {  	s25 =	simm.s32 $0x1B8E;
	s24 =	sld [smem:$0x3FFE];
	[sflag:s23] =	ssyncadd.s32 $0xFFFFFFFF  }
0xa5: {  	s26 =	simm.s32 $execute0_lowered;
	[smem:$0x3FD2] =	sst s25  }
0xa6: {  	s5 =	sshll.u32 s26, $0x1;
	_ =	strace $0x80000046;
	[dreg:$0x1] =	wrdreg $0xFFFFFFFF  }
0xa7: {  	s28 =	simm.s32 $_size_execute0_lowered;
	s3 =	sadd.s32 s3, s5;
	[dreg:$0x0] =	wrdreg $0x0  }
0xa8: {  	s5 =	sshll.u32 s28, $0x1;
	[dreg:$0x2] =	wrdreg s3  }
0xa9: {  	[dreg:$0x3] =	wrdreg s5  }
0xaa: {  	[dreg:$0x4] =	wrdreg $0xC0  }
0xab: {  	_ =	task [dreg:s7], $0x5FFFF  }
0xac: {  	[dreg:$0x1] =	wrdreg $0xFFFFFFFF  }
0xad: {  	[dreg:$0x0] =	wrdreg $0x60  }
0xae: {  	[dreg:$0x2] =	wrdreg s2  }
0xaf: {  	[dreg:$0x3] =	wrdreg s24  }
0xb0: {  	[dreg:$0x4] =	wrdreg $0x0  }
0xb1: {  	[dreg:$0x5] =	wrdreg $0x9  }
0xb2: {  	_ =	task.clear_ibuf [dreg:s7], $0x6FFFF;
	_ =	strace $0x90000046  }
0xb3: {  	s29 =	simm.s32 $0x9;
	_ =	strace $0x80000048  }
0xb4: {  	_ =	swait.ge [sflag:s29], $0x1  }
0xb5: {  	[sflag:s29] =	ssyncadd.s32 $0xFFFFFFFF  }
0xb6: {  	_ =	strace $0x90000048  }
0xb7: {  	_ =	sfence  }
0xb8: {  	s30 =	sld [smem:$0x0];
	_ =	sdelay $0x2  }
0xb9: {  	s31 =	sshll.u32 s1, $0xD;
	s1 =	sshrl.u32 s1, $0x2  }
0xba: {  	s3 =	sand.u32 $0x4000, s31;
	s1 =	sadd.s32 s1, s30  }
0xbb: {  	s0 =	sor.u32 s3, s0;
	s1 =	sshll.u32 s1, $0x11  }
0xbc: {  	s0 =	sor.u32 s1, s0  }
0xbd: {  	s0 =	sadd.s32 $0x8F2B, s0  }
0xbe: {  	[sflag:s0] =	ssyncadd.remote.s32 $0x1  }
0xbf: {  	_ =	sfence.sel $0xFFFF  }
0xc0: {  	[dreg:$0x0] =	wrdreg $0xFFFFFFFF;
	(pc) =	sbr.abs _section_cstart, $3  }
0xc1: {  	[dreg:$0x1] =	wrdreg $0xFFFFFFFF  }
0xc2: {  	_ =	task.clear_ibuf [dreg:s7], $0x2FFFF;
	_ =	strace $0x9FFFFFFF  }
0xc3: {  	(tm) =	ssettm $0x7FFFFFFF  }
tec
execute0_lowered:
.L_overlay_start_1:
0x0: {  	(tag) =	ssettag $0x1  }
0x1: {  	s12 =	rddreg [dreg:$0x0]  }
0x2: {  	s5 =	rddreg [dreg:$0x1]  }
0x3: {  	s2 =	rddreg [dreg:$0x2];
	s4 =	srdreg.scid  }
0x4: {  	s3 =	simm.s32 $0x0;
	s1 =	stileid.u32;
	s26 =	simm.s32 $0x50  }
0x5: {  	s28 =	simm.s32 $0x0;
	s13 =	sand.u32 $0x1, s4;
	s7 =	smul.u32 $0x50000, s1  }
0x6: {  	[smem:$0x7FF] =	sst s3;
	s14 =	smul.u32 $0x14000, s1;
	s4 =	sadd.s32 $0x3600, s5  }
0x7: {  	s21 =	sadd.s32 $0x2B600, s5;
	s23 =	sshll.u32 s1, $0xB;
	s6 =	ssub.s32 $0x2, s13  }
0x8: {  	_ =	strace $0x80000047;
	s24 =	smul.u32 $0x140000, s13;
	s23 =	sadd.s32 s12, s23  }
0x9: {  	s13 =	sshll.u32 s13, $0xF;
	s8 =	sshrl.u32 s6, $0x1;
	s30 =	sshrl.u32 s7, $0x2  }
0xa: {  	s15 =	sor.u32 $0x2800, s14;
	s16 =	sadd.s32 $0x5000, s14;
	s17 =	sadd.s32 $0x7800, s14  }
0xb: {  	s18 =	sadd.s32 $0xA000, s14;
	s19 =	sadd.s32 $0xC800, s14;
	s20 =	sadd.s32 $0xF000, s14  }
0xc: {  	s25 =	sadd.s32 $0x11800, s14;
	s13 =	sadd.s32 s13, s23;
	s22 =	ssub.s32 s6, s8  }
0xd: {  	s5 =	sadd.s32 s30, s2;
	s6 =	sadd.s32 s15, s2;
	s7 =	sadd.s32 s16, s2  }
0xe: {  	s8 =	sadd.s32 s17, s2;
	s9 =	sadd.s32 s18, s2;
	s10 =	sadd.s32 s19, s2  }
0xf: {  	s11 =	sadd.s32 s20, s2;
	s12 =	sadd.s32 s25, s2;
	s14 =	sadd.s32 s14, s24  }
0x10: {  	s15 =	sadd.s32 s24, s15;
	s16 =	sadd.s32 s24, s16;
	s17 =	sadd.s32 s24, s17  }
0x11: {  	s18 =	sadd.s32 s24, s18;
	s19 =	sadd.s32 s24, s19;
	s20 =	sadd.s32 s24, s20  }
0x12: {  	s31 =	sadd.s32 s24, s25;
	s24 =	simm.s32 $0x1;
	s25 =	simm.s32 $0x14000  }
0x13: {  	s14 =	sshrl.u32 s14, $0x3;
	s15 =	sshrl.u32 s15, $0x3;
	s16 =	sshrl.u32 s16, $0x3  }
0x14: {  	s17 =	sshrl.u32 s17, $0x3;
	s18 =	sshrl.u32 s18, $0x3;
	s19 =	sshrl.u32 s19, $0x3  }
0x15: {  	s20 =	sshrl.u32 s20, $0x3;
	s23 =	sshrl.u32 s31, $0x3;
	s22 =	smax.u32 s22, $0x1  }
0x16: {  	s14 =	sadd.s32 s21, s14;
	s15 =	sadd.s32 s21, s15;
	s16 =	sadd.s32 s21, s16  }
0x17: {  	s17 =	sadd.s32 s21, s17;
	s18 =	sadd.s32 s21, s18;
	s19 =	sadd.s32 s21, s19  }
0x18: {  	v0 =	vimm.f32 $1.000000000e+00;
	s20 =	sadd.s32 s21, s20;
	s21 =	sadd.s32 s21, s23;
	s23 =	simm.s32 $0x18000  }
.LBB2_1:
0x19: {  	[tilespmem:s23], [sflag:$0x1] =	stream.linear.gather [hbm4b:s4+s3], $0x2800, $0x38;
	[tilespmem:$0x1A800] =	vst v63  }
0x1a: {  	_ =	swait.ge [sflag:s24], $0x2800  }
0x1b: {  	[sflag:s24] =	ssyncset.done $0x0  }
0x1c: {  	[sflag:s24] =	ssyncadd.s32 $0xFFFFD800  }
0x1d: {  	[spmem:s5] =	stream.linear.scatter [tilespmem:s23], [sflag:$0x1], $0x2800, $0x38;
	[tilespmem:$0x1A800] =	vst v63  }
0x1e: {  	_ =	swait.ge [sflag:s24], $0x2800  }
0x1f: {  	[sflag:s24] =	ssyncset.done $0x0  }
0x20: {  	[sflag:s24] =	ssyncadd.s32 $0xFFFFD800  }
0x21: {  	[spmem:s6] =	stream.linear.scatter [tilespmem:s23], [sflag:$0x1], $0x2800, $0x38;
	[tilespmem:$0x1A800] =	vst v63  }
0x22: {  	_ =	swait.ge [sflag:s24], $0x2800  }
0x23: {  	[sflag:s24] =	ssyncset.done $0x0  }
0x24: {  	[sflag:s24] =	ssyncadd.s32 $0xFFFFD800  }
0x25: {  	[spmem:s7] =	stream.linear.scatter [tilespmem:s23], [sflag:$0x1], $0x2800, $0x38;
	[tilespmem:$0x1A800] =	vst v63  }
0x26: {  	_ =	swait.ge [sflag:s24], $0x2800  }
0x27: {  	[sflag:s24] =	ssyncset.done $0x0  }
0x28: {  	[sflag:s24] =	ssyncadd.s32 $0xFFFFD800  }
0x29: {  	[spmem:s8] =	stream.linear.scatter [tilespmem:s23], [sflag:$0x1], $0x2800, $0x38;
	[tilespmem:$0x1A800] =	vst v63  }
0x2a: {  	_ =	swait.ge [sflag:s24], $0x2800  }
0x2b: {  	[sflag:s24] =	ssyncset.done $0x0  }
0x2c: {  	[sflag:s24] =	ssyncadd.s32 $0xFFFFD800  }
0x2d: {  	[spmem:s9] =	stream.linear.scatter [tilespmem:s23], [sflag:$0x1], $0x2800, $0x38;
	[tilespmem:$0x1A800] =	vst v63  }
0x2e: {  	_ =	swait.ge [sflag:s24], $0x2800  }
0x2f: {  	[sflag:s24] =	ssyncset.done $0x0  }
0x30: {  	[sflag:s24] =	ssyncadd.s32 $0xFFFFD800  }
0x31: {  	[spmem:s10] =	stream.linear.scatter [tilespmem:s23], [sflag:$0x1], $0x2800, $0x38;
	[tilespmem:$0x1A800] =	vst v63  }
0x32: {  	_ =	swait.ge [sflag:s24], $0x2800  }
0x33: {  	[sflag:s24] =	ssyncset.done $0x0  }
0x34: {  	[sflag:s24] =	ssyncadd.s32 $0xFFFFD800  }
0x35: {  	[spmem:s11] =	stream.linear.scatter [tilespmem:s23], [sflag:$0x1], $0x2800, $0x38;
	[tilespmem:$0x1A800] =	vst v63  }
0x36: {  	_ =	swait.ge [sflag:s24], $0x2800  }
0x37: {  	[sflag:s24] =	ssyncset.done $0x0  }
0x38: {  	[sflag:s24] =	ssyncadd.s32 $0xFFFFD800  }
0x39: {  	[spmem:s12] =	stream.linear.scatter [tilespmem:s23], [sflag:$0x1], $0x2800, $0x38;
	[tilespmem:$0x1A800] =	vst v63  }
0x3a: {  	s29 =	sand.u32 $0xFE00, s3;
	s30 =	sand.u32 $0x70, s3;
	_ =	swait.ge [sflag:s24], $0x2800  }
0x3b: {  	s31 =	sshrl.u32 s29, $0x2;
	s29 =	simm.s32 $0x40;
	[sflag:s24] =	ssyncset.done $0x0  }
0x3c: {  	s31 =	sor.u32 s30, s31;
	s30 =	simm.s32 $0x0;
	[sflag:s24] =	ssyncadd.s32 $0xFFFFD800  }
.LBB2_2:
0x3d: {  	p0 =	sne.s32 s29, $0x9FC0  }
0x3e: {  	[tilespmem:s31+$0x18000] =	vst v0;
	s30 =	sadd.s32 $0x10, s30;
	s31 =	smov.u32 s29;
	s29 =	sadd.s32 $0x40, s29  }
.Ltmp0:
0x3f: {  	(pc) =	sbr.rel @p0 .LBB2_2-.Ltmp0, $4  }
0x40: {  	_ = 	snop  }
0x41: {  	s31 =	sand.u32 $0xFE00, s31  }
0x42: {  	s0 =	sand.u32 $0x70, s30;
	s31 =	sshrl.u32 s31, $0x2  }
0x43: {  	s31 =	sor.u32 s0, s31  }
0x44: {  	[tilespmem:s31+$0x18000] =	vst v0  }
0x45: {  	s0 =	simm.s32 $0x0;
	[bflag:$0x0] =	sbarrier.arrive $0xFFFF  }
0x46: {  	[tilespmem:s25], [sflag:$0x1] =	stream.linear.gather [hbm4b:s13+s0], $0x3E80, $0x38;
	[tilespmem:$0x1A800] =	vst v63  }
0x47: {  	_ =	swait.ge [sflag:s24], $0x3E80  }
0x48: {  	[sflag:s24] =	ssyncset.done $0x0  }
0x49: {  	s31 =	simm.s32 $0x14000;
	[sflag:s24] =	ssyncadd.s32 $0xFFFFC180  }
0x4a: {  	[spmem:s2] =	stream.indirect.scatter.add.f32 [tilespmem:s23], [sflag:$0x1], $0x80, s31, s26, $0xb8;
	[tilespmem:$0x1A800] =	vst v63  }
0x4b: {  	s29 =	simm.s32 $0x200;
	_ =	swait.ge [sflag:s24], $0x2800  }
.LBB2_4:
0x4c: {  	s0 =	sshra.s32 s29, $0x2;
	[sflag:s24] =	ssyncset.done $0x0;
	p0 =	sne.s32 s29, $0xF800  }
.Ltmp1:
0x4d: {  	s0 =	sadd.s32 $0x14000, s0;
	[sflag:s24] =	ssyncadd.s32 $0xFFFFD800;
	(pc) =	sbr.rel @p0 .LBB2_4-.Ltmp1, $3  }
0x4e: {  	[spmem:s2] =	stream.indirect.scatter.add.f32 [tilespmem:s23], [sflag:$0x1], $0x80, s0, s26, $0xb8;
	[tilespmem:$0x1A800] =	vst v63  }
0x4f: {  	s29 =	sadd.s32 $0x200, s29;
	_ =	sdelay $0x1  }
0x50: {  	_ =	swait.ge [sflag:s24], $0x2800  }
0x51: {  	[sflag:s24] =	ssyncset.done $0x0  }
0x52: {  	[sflag:s24] =	ssyncadd.s32 $0xFFFFD800  }
0x53: {  	[bflag:$0x0] =	sbarrier.arrive $0xFFFF  }
0x54: {  	[tilespmem:s23], [sflag:$0x1] =	stream.linear.gather [spmem:s5], $0x2800, $0x38;
	[tilespmem:$0x1A800] =	vst v63  }
0x55: {  	_ =	swait.ge [sflag:s24], $0x2800  }
0x56: {  	[sflag:s24] =	ssyncset.done $0x0  }
0x57: {  	[sflag:s24] =	ssyncadd.s32 $0xFFFFD800  }
0x58: {  	[hbm4b:s14+s3] =	stream.linear.scatter [tilespmem:s23], [sflag:$0x1], $0x2800, $0x38;
	[tilespmem:$0x1A800] =	vst v63  }
0x59: {  	_ =	swait.ge [sflag:s24], $0x2800  }
0x5a: {  	[sflag:s24] =	ssyncset.done $0x0  }
0x5b: {  	[sflag:s24] =	ssyncadd.s32 $0xFFFFD800  }
0x5c: {  	[tilespmem:s23], [sflag:$0x1] =	stream.linear.gather [spmem:s6], $0x2800, $0x38;
	[tilespmem:$0x1A800] =	vst v63  }
0x5d: {  	_ =	swait.ge [sflag:s24], $0x2800  }
0x5e: {  	[sflag:s24] =	ssyncset.done $0x0  }
0x5f: {  	[sflag:s24] =	ssyncadd.s32 $0xFFFFD800  }
0x60: {  	[hbm4b:s15+s3] =	stream.linear.scatter [tilespmem:s23], [sflag:$0x1], $0x2800, $0x38;
	[tilespmem:$0x1A800] =	vst v63  }
0x61: {  	_ =	swait.ge [sflag:s24], $0x2800  }
0x62: {  	[sflag:s24] =	ssyncset.done $0x0  }
0x63: {  	[sflag:s24] =	ssyncadd.s32 $0xFFFFD800  }
0x64: {  	[tilespmem:s23], [sflag:$0x1] =	stream.linear.gather [spmem:s7], $0x2800, $0x38;
	[tilespmem:$0x1A800] =	vst v63  }
0x65: {  	_ =	swait.ge [sflag:s24], $0x2800  }
0x66: {  	[sflag:s24] =	ssyncset.done $0x0  }
0x67: {  	[sflag:s24] =	ssyncadd.s32 $0xFFFFD800  }
0x68: {  	[hbm4b:s16+s3] =	stream.linear.scatter [tilespmem:s23], [sflag:$0x1], $0x2800, $0x38;
	[tilespmem:$0x1A800] =	vst v63  }
0x69: {  	_ =	swait.ge [sflag:s24], $0x2800  }
0x6a: {  	[sflag:s24] =	ssyncset.done $0x0  }
0x6b: {  	[sflag:s24] =	ssyncadd.s32 $0xFFFFD800  }
0x6c: {  	[tilespmem:s23], [sflag:$0x1] =	stream.linear.gather [spmem:s8], $0x2800, $0x38;
	[tilespmem:$0x1A800] =	vst v63  }
0x6d: {  	_ =	swait.ge [sflag:s24], $0x2800  }
0x6e: {  	[sflag:s24] =	ssyncset.done $0x0  }
0x6f: {  	[sflag:s24] =	ssyncadd.s32 $0xFFFFD800  }
0x70: {  	[hbm4b:s17+s3] =	stream.linear.scatter [tilespmem:s23], [sflag:$0x1], $0x2800, $0x38;
	[tilespmem:$0x1A800] =	vst v63  }
0x71: {  	_ =	swait.ge [sflag:s24], $0x2800  }
0x72: {  	[sflag:s24] =	ssyncset.done $0x0  }
0x73: {  	[sflag:s24] =	ssyncadd.s32 $0xFFFFD800  }
0x74: {  	[tilespmem:s23], [sflag:$0x1] =	stream.linear.gather [spmem:s9], $0x2800, $0x38;
	[tilespmem:$0x1A800] =	vst v63  }
0x75: {  	_ =	swait.ge [sflag:s24], $0x2800  }
0x76: {  	[sflag:s24] =	ssyncset.done $0x0  }
0x77: {  	[sflag:s24] =	ssyncadd.s32 $0xFFFFD800  }
0x78: {  	[hbm4b:s18+s3] =	stream.linear.scatter [tilespmem:s23], [sflag:$0x1], $0x2800, $0x38;
	[tilespmem:$0x1A800] =	vst v63  }
0x79: {  	_ =	swait.ge [sflag:s24], $0x2800  }
0x7a: {  	[sflag:s24] =	ssyncset.done $0x0  }
0x7b: {  	[sflag:s24] =	ssyncadd.s32 $0xFFFFD800  }
0x7c: {  	[tilespmem:s23], [sflag:$0x1] =	stream.linear.gather [spmem:s10], $0x2800, $0x38;
	[tilespmem:$0x1A800] =	vst v63  }
0x7d: {  	_ =	swait.ge [sflag:s24], $0x2800  }
0x7e: {  	[sflag:s24] =	ssyncset.done $0x0  }
0x7f: {  	[sflag:s24] =	ssyncadd.s32 $0xFFFFD800  }
0x80: {  	[hbm4b:s19+s3] =	stream.linear.scatter [tilespmem:s23], [sflag:$0x1], $0x2800, $0x38;
	[tilespmem:$0x1A800] =	vst v63  }
0x81: {  	_ =	swait.ge [sflag:s24], $0x2800  }
0x82: {  	[sflag:s24] =	ssyncset.done $0x0  }
0x83: {  	[sflag:s24] =	ssyncadd.s32 $0xFFFFD800  }
0x84: {  	[tilespmem:s23], [sflag:$0x1] =	stream.linear.gather [spmem:s11], $0x2800, $0x38;
	[tilespmem:$0x1A800] =	vst v63  }
0x85: {  	_ =	swait.ge [sflag:s24], $0x2800  }
0x86: {  	[sflag:s24] =	ssyncset.done $0x0  }
0x87: {  	[sflag:s24] =	ssyncadd.s32 $0xFFFFD800  }
0x88: {  	[hbm4b:s20+s3] =	stream.linear.scatter [tilespmem:s23], [sflag:$0x1], $0x2800, $0x38;
	[tilespmem:$0x1A800] =	vst v63  }
0x89: {  	_ =	swait.ge [sflag:s24], $0x2800  }
0x8a: {  	[sflag:s24] =	ssyncset.done $0x0  }
0x8b: {  	[sflag:s24] =	ssyncadd.s32 $0xFFFFD800  }
0x8c: {  	[tilespmem:s23], [sflag:$0x1] =	stream.linear.gather [spmem:s12], $0x2800, $0x38;
	[tilespmem:$0x1A800] =	vst v63  }
0x8d: {  	s28 =	sadd.s32 $0x1, s28;
	_ =	swait.ge [sflag:s24], $0x2800  }
0x8e: {  	p0 =	sne.s32 s28, s22;
	[sflag:s24] =	ssyncset.done $0x0  }
.Ltmp2:
0x8f: {  	[sflag:s24] =	ssyncadd.s32 $0xFFFFD800;
	(pc) =	sbr.rel @p0 .LBB2_1-.Ltmp2, $4  }
0x90: {  	[hbm4b:s21+s3] =	stream.linear.scatter [tilespmem:s23], [sflag:$0x1], $0x2800, $0x38;
	[tilespmem:$0x1A800] =	vst v63  }
0x91: {  	_ =	swait.ge [sflag:s24], $0x2800  }
0x92: {  	[sflag:s24] =	ssyncset.done $0x0  }
0x93: {  	[sflag:s24] =	ssyncadd.s32 $0xFFFFD800  }
0x94: {  	_ =	sfence.sel $0x180000  }
0x95: {  	[bflag:$0x0] =	sbarrier.arrive $0xFFFF  }
0x96: {  	_ =	strace $0x90000047  }
0x97: {  	[bflag:$0x2] =	sbarrier.arrive $0xFFFF  }
0x98: {  	p0 =	sne.s32 s1, $0x0;
	s0 =	rddreg [dreg:$0x3]  }
0x99: {  	s0 =	sadd.s32 @!p0 $0x100000, s0  }
0x9a: {  	[sflag:s0] =	ssyncadd.tile.s32 @!p0 $0x1;
	_ =	shalt  }
.Lfunc_end2:
_tile_overlayer_lowered:
.L_overlay_start_2:
0x9b: {  	(tag) =	ssettag $0x2  }
0x9c: {  	s0 =	rddreg [dreg:$0x0];
	s2 =	stileid.u32  }
0x9d: {  	s1 =	rddreg [dreg:$0x1];
	p0 =	sne.s32 s2, $0x0  }
0x9e: {  	s3 =	rddreg [dreg:$0x2];
	[bflag:$0x3] =	sbarrier.arrive $0xFFFF;
	s2 =	simm.s32 @!p0 $0x1C01  }
0x9f: {  	[timem:s3], [sflag:s2] =	dma.local @!p0 [hbm:s0], s1  }
0xa0: {  	s0 =	simm.s32 @!p0 $0x1  }
0xa1: {  	_ =	swait.ge @!p0 [sflag:s0], s1  }
0xa2: {  	s1 =	ssub.s32 @!p0 $0x0, s1;
	[sflag:s0] =	ssyncset.done @!p0 $0x0  }
0xa3: {  	[sflag:s0] =	ssyncadd.s32 @!p0 s1  }
0xa4: {  	[bflag:$0x3] =	sbarrier.arrive $0xFFFF  }
0xa5: {  	_ =	shalt  }

</sc_bundles>
